<compile_context>
chip_gen: v7x
topology: tpu7x:2x2x1
jax: 0.10.2.dev20260603
libtpu: 0.0.44.dev20260713+nightly
codegen_flags: <defaults>
</compile_context>

<pallas_src>
import jax
import jax.numpy as jnp
from jax import lax
from jax.experimental import pallas as pl
from jax.experimental.pallas import tpu as pltpu
from jax.experimental.pallas import tpu_sc as plsc

N_NODES = 100000
N_EDGES = 3200000
N_BINS = 64

NUM_CORES = 2
NUM_SUBCORES = 16
NW = NUM_CORES * NUM_SUBCORES
EDGES_PER_TILE = N_EDGES // NW
CHUNK = 2000
NCHUNK = EDGES_PER_TILE // CHUNK
VREGS_PER_CHUNK = CHUNK // 16
NB_WORDS = N_NODES // 4

_LOG1P_C = (
    1.6936626588279148e-06,
    0.9998325947817008,
    -0.4972033312209412,
    0.31504127991169084,
    -0.18901954822862585,
    0.08152317762235059,
    -0.017029610590701707,
)


def _log1p_poly(u):
    p = jnp.full((16,), _LOG1P_C[-1], dtype=jnp.float32)
    for c in _LOG1P_C[-2::-1]:
        p = p * u + jnp.float32(c)
    return p


def _sc_body(lg_hbm, tg_hbm, ei_hbm, nb_hbm, outl_hbm, outc_hbm,
             nb_v, idx_v0, idx_v1, lg_v0, lg_v1, tg_v0, tg_v1, acc_l, acc_c,
             sem0, sem1):
    w = lax.axis_index("c") * NUM_SUBCORES + lax.axis_index("s")
    base = w * EDGES_PER_TILE
    sems = (sem0, sem1)
    idx_v = (idx_v0, idx_v1)
    lg_v = (lg_v0, lg_v1)
    tg_v = (tg_v0, tg_v1)

    pltpu.sync_copy(nb_hbm, nb_v)

    zeros16 = jnp.zeros((16,), jnp.float32)
    ones16 = jnp.ones((16,), jnp.float32)
    lane64 = lax.iota(jnp.int32, 16) * N_BINS

    @pl.loop(0, N_BINS)
    def _zero(i):
        acc_l[pl.ds(i * 16, 16)] = zeros16
        acc_c[pl.ds(i * 16, 16)] = zeros16

    def _start(c, b):
        off = base + c * CHUNK
        pltpu.async_copy(lg_hbm.at[pl.ds(off, CHUNK)], lg_v[b], sems[b])
        pltpu.async_copy(tg_hbm.at[pl.ds(off, CHUNK)], tg_v[b], sems[b])
        pltpu.async_copy(ei_hbm.at[pl.ds(off, CHUNK)], idx_v[b], sems[b])

    def _wait(c, b):
        off = base + c * CHUNK
        pltpu.make_async_copy(lg_hbm.at[pl.ds(off, CHUNK)], lg_v[b], sems[b]).wait()
        pltpu.make_async_copy(tg_hbm.at[pl.ds(off, CHUNK)], tg_v[b], sems[b]).wait()
        pltpu.make_async_copy(ei_hbm.at[pl.ds(off, CHUNK)], idx_v[b], sems[b]).wait()

    def _compute(b):
        @plsc.parallel_loop(0, VREGS_PER_CHUNK, unroll=5)
        def _inner(i):
            sl = pl.ds(i * 16, 16)
            src = idx_v[b][sl]
            word = plsc.load_gather(nb_v, [src >> 2])
            g = (word >> ((src & 3) << 3)) & 63
            addr = lane64 + g
            l = lg_v[b][sl]
            t = tg_v[b][sl]
            u = jnp.exp(-jnp.abs(l))
            raw = jnp.maximum(l, 0.0) - l * t + _log1p_poly(u)
            plsc.addupdate_scatter(acc_l, [addr], raw)
            plsc.addupdate_scatter(acc_c, [addr], ones16)

    _start(0, 0)
    _start(1, 1)

    @pl.loop(0, (NCHUNK - 2) // 2)
    def _ring(gi):
        for b in range(2):
            c = gi * 2 + b
            _wait(c, b)
            _start(c + 2, b)
            _compute(b)

    for b in range(2):
        _wait(NCHUNK - 2 + b, b)
        _compute(b)

    half = N_BINS * 16 // 2
    while half >= N_BINS:
        for o in range(0, half, 16):
            sl_lo = pl.ds(o, 16)
            sl_hi = pl.ds(o + half, 16)
            acc_l[sl_lo] = acc_l[sl_lo] + acc_l[sl_hi]
            acc_c[sl_lo] = acc_c[sl_lo] + acc_c[sl_hi]
        half //= 2

    pltpu.sync_copy(acc_l.at[pl.ds(0, N_BINS)], outl_hbm.at[pl.ds(w * N_BINS, N_BINS)])
    pltpu.sync_copy(acc_c.at[pl.ds(0, N_BINS)], outc_hbm.at[pl.ds(w * N_BINS, N_BINS)])


_sc_call = pl.kernel(
    _sc_body,
    out_type=[
        jax.ShapeDtypeStruct((NW * N_BINS,), jnp.float32),
        jax.ShapeDtypeStruct((NW * N_BINS,), jnp.float32),
    ],
    mesh=plsc.VectorSubcoreMesh(core_axis_name="c", subcore_axis_name="s"),
    compiler_params=pltpu.CompilerParams(needs_layout_passes=False),
    scratch_types=[
        pltpu.VMEM((NB_WORDS,), jnp.int32),
        pltpu.VMEM((CHUNK,), jnp.int32),
        pltpu.VMEM((CHUNK,), jnp.int32),
        pltpu.VMEM((CHUNK,), jnp.float32),
        pltpu.VMEM((CHUNK,), jnp.float32),
        pltpu.VMEM((CHUNK,), jnp.float32),
        pltpu.VMEM((CHUNK,), jnp.float32),
        pltpu.VMEM((N_BINS * 16,), jnp.float32),
        pltpu.VMEM((N_BINS * 16,), jnp.float32),
        pltpu.SemaphoreType.DMA,
        pltpu.SemaphoreType.DMA,
    ],
)


def _fin_body(l_ref, c_ref, n_ref, o_ref):
    gl = jnp.sum(l_ref[...], axis=0, keepdims=True)
    gc = jnp.sum(c_ref[...], axis=0, keepdims=True)
    ratio = gl / jnp.maximum(gc, 1.0)
    o_ref[...] = jnp.sum(ratio, keepdims=True) / n_ref[...]


_fin_call = pl.pallas_call(
    _fin_body,
    out_shape=jax.ShapeDtypeStruct((1, 1), jnp.float32),
)


def kernel(logits, target, node_batch, edge_index):
    logits = logits.astype(jnp.float32)
    target = target.astype(jnp.float32)
    nb = node_batch.astype(jnp.int32)
    ei = edge_index[0].astype(jnp.int32)
    nb4 = nb.reshape(NB_WORDS, 4)
    nb_packed = nb4[:, 0] | (nb4[:, 1] << 8) | (nb4[:, 2] << 16) | (nb4[:, 3] << 24)
    outl, outc = _sc_call(logits, target, ei, nb_packed)
    outl = outl.reshape(NW, N_BINS)
    outc = outc.reshape(NW, N_BINS)
    n_graphs = (nb[-1].astype(jnp.float32) + 1.0).reshape(1, 1)
    return _fin_call(outl, outc, n_graphs)[0, 0]

# --- scband reference (transcript-rebuilt; emitter-appended) ---
"""Pipeline reference for scband-graph-normalized-bce-47957604827786 (READ-ONLY COPY).

The authoritative reference and input builder live on the scoring server;
editing this copy changes nothing except your own understanding.
"""

import jax, jax.numpy as jnp
import numpy as np

N_NODES = 100000
N_EDGES = 3200000
N_GRAPHS = 64


def setup_inputs(seed: int = 0) -> dict:
    key = jax.random.key(seed)
    k1, k2, k3, k4 = jax.random.split(key, 4)
    logits = jax.random.normal(k1, (N_EDGES,), dtype=jnp.float32)
    target = jax.random.uniform(k2, (N_EDGES,), dtype=jnp.float32)
    node_batch = jnp.sort(jax.random.randint(k3, (N_NODES,), 0, N_GRAPHS, dtype=jnp.int64))
    edge_index = jax.random.randint(k4, (2, N_EDGES), 0, N_NODES, dtype=jnp.int64)
    return {"logits": logits, "target": target, "node_batch": node_batch, "edge_index": edge_index}


def _bce_with_logits(logits, target):
    # numerically stable BCE-with-logits, reduction='none', pos_weight=None
    return jnp.maximum(logits, 0.0) - logits * target + jnp.log1p(jnp.exp(-jnp.abs(logits)))


def reference(logits, target, node_batch, edge_index):
    raw = _bce_with_logits(logits, target)
    edge_graph = node_batch[edge_index[0]]
    n_graphs = node_batch.max() + 1
    graph_loss = jax.ops.segment_sum(raw, edge_graph, num_segments=N_GRAPHS)
    graph_count = jax.ops.segment_sum(jnp.ones_like(raw), edge_graph, num_segments=N_GRAPHS)
    ratio = graph_loss / jnp.maximum(graph_count, 1.0)
    return ratio.sum() / n_graphs.astype(ratio.dtype)

if __name__ == "__main__":
    import jax
    _d = setup_inputs()
    print(jax.jit(kernel)(*tuple(_d.values())))

</pallas_src>

<mosaic_0001>
#map = affine_map<(d0, d1) -> (0)>
module attributes {stable_mosaic.version = 14 : i64} {
  func.func @_sc_body(%arg0: i32, %arg1: i32, %arg2: memref<3200000xf32, #tpu.memory_space<hbm>>, %arg3: memref<3200000xf32, #tpu.memory_space<hbm>>, %arg4: memref<3200000xi32, #tpu.memory_space<hbm>>, %arg5: memref<25000xi32, #tpu.memory_space<hbm>>, %arg6: memref<2048xf32, #tpu.memory_space<hbm>>, %arg7: memref<2048xf32, #tpu.memory_space<hbm>>, %arg8: memref<25000xi32, #tpu.memory_space<vmem>>, %arg9: memref<2000xi32, #tpu.memory_space<vmem>>, %arg10: memref<2000xi32, #tpu.memory_space<vmem>>, %arg11: memref<2000xf32, #tpu.memory_space<vmem>>, %arg12: memref<2000xf32, #tpu.memory_space<vmem>>, %arg13: memref<2000xf32, #tpu.memory_space<vmem>>, %arg14: memref<2000xf32, #tpu.memory_space<vmem>>, %arg15: memref<1024xf32, #tpu.memory_space<vmem>>, %arg16: memref<1024xf32, #tpu.memory_space<vmem>>, %arg17: memref<!tpu.dma_semaphore, #tpu.memory_space<semaphore_mem>>, %arg18: memref<!tpu.dma_semaphore, #tpu.memory_space<semaphore_mem>>) attributes {dimension_semantics = [#tpu.dimension_semantics<core_parallel>, #tpu.dimension_semantics<subcore_parallel>], iteration_bounds = array<i64: 2, 16>, scalar_prefetch = 0 : i64, scratch_operands = 11 : i64, tpu.core_type = #tpu.core_type<sc_vector_subcore>, window_params = [{transform_indices = #map}, {transform_indices = #map}, {transform_indices = #map}, {transform_indices = #map}, {transform_indices = #map}, {transform_indices = #map}]} {
    %mul3A = arith.constant 16 : i32
    %mul3A_0 = arith.muli %arg0, %mul3A : i32
    %add3A = arith.addi %mul3A_0, %arg1 : i32
    %mul3A_1 = arith.constant 100000 : i32
    %mul3A_2 = arith.muli %add3A, %mul3A_1 : i32
    "tpu.region"() ({
      %run_scoped3A = tpu.sem_alloc : memref<!tpu.dma_semaphore, #tpu.memory_space<semaphore_mem>>
      tpu.enqueue_dma source(%arg5 : memref<25000xi32, #tpu.memory_space<hbm>>) target(%arg8 : memref<25000xi32, #tpu.memory_space<vmem>>) target_semaphore(%run_scoped3A : memref<!tpu.dma_semaphore, #tpu.memory_space<semaphore_mem>>)
      tpu.wait_dma2 semaphore(%run_scoped3A : memref<!tpu.dma_semaphore, #tpu.memory_space<semaphore_mem>>) src(%arg5 : memref<25000xi32, #tpu.memory_space<hbm>>) dst(%arg8 : memref<25000xi32, #tpu.memory_space<vmem>>)
      tpu.yield
    }) : () -> ()
    %broadcast_in_dim3A = arith.constant 0.000000e+00 : f32
    %broadcast_in_dim3A_3 = vector.broadcast %broadcast_in_dim3A : f32 to vector<16xf32>
    %broadcast_in_dim3A_4 = arith.constant 1.000000e+00 : f32
    %broadcast_in_dim3A_5 = vector.broadcast %broadcast_in_dim3A_4 : f32 to vector<16xf32>
    %iota3A = tpu.iota {dimensions = array<i32: 0>} : vector<16xi32>
    %mul3A_6 = arith.constant 64 : i32
    %mul3A_7 = vector.broadcast %mul3A_6 : i32 to vector<16xi32>
    %mul3A_8 = arith.muli %iota3A, %mul3A_7 : vector<16xi32>
    %scan3A = arith.constant 0 : i32
    %scan3A_9 = arith.constant 64 : i32
    %scan3A_10 = arith.addi %scan3A, %scan3A_9 : i32
    %scan3A_11 = arith.constant 1 : i32
    scf.for %scan3A_895 = %scan3A to %scan3A_10 step %scan3A_11  : i32 {
      %mul3A_896 = arith.constant 1 : i32
      %mul3A_897 = arith.muli %scan3A_895, %mul3A_896 : i32
      %add3A_898 = arith.constant 0 : i32
      %add3A_899 = arith.addi %add3A_898, %mul3A_897 : i32
      %mul3A_900 = arith.constant 16 : i32
      %mul3A_901 = arith.muli %add3A_899, %mul3A_900 : i32
      %swap3A_902 = arith.index_cast %mul3A_901 : i32 to index
      %swap3A_903 = tpu.vector_load %arg15[%swap3A_902] {strides = array<i32>} : memref<1024xf32, #tpu.memory_space<vmem>>, vector<16xf32>,
      tpu.vector_store %arg15[%swap3A_902], %broadcast_in_dim3A_3 {strides = array<i32>} : memref<1024xf32, #tpu.memory_space<vmem>>, vector<16xf32>,
      %mul3A_904 = arith.constant 16 : i32
      %mul3A_905 = arith.muli %add3A_899, %mul3A_904 : i32
      %swap3A_906 = arith.index_cast %mul3A_905 : i32 to index
      %swap3A_907 = tpu.vector_load %arg16[%swap3A_906] {strides = array<i32>} : memref<1024xf32, #tpu.memory_space<vmem>>, vector<16xf32>,
      tpu.vector_store %arg16[%swap3A_906], %broadcast_in_dim3A_3 {strides = array<i32>} : memref<1024xf32, #tpu.memory_space<vmem>>, vector<16xf32>,
    }
    %scan3A_12 = arith.constant 64 : i32
    %add3A_13 = arith.constant 0 : i32
    %add3A_14 = arith.addi %mul3A_2, %add3A_13 : i32
    %dma_start3A = tpu.memref_slice %arg2[%add3A_14] : memref<3200000xf32, #tpu.memory_space<hbm>> -> memref<2000xf32, #tpu.memory_space<hbm>>
    %dma_start3A_15 = tpu.memref_slice %arg2[%add3A_14] : memref<3200000xf32, #tpu.memory_space<hbm>> -> memref<2000xf32, #tpu.memory_space<hbm>>
    tpu.enqueue_dma source(%dma_start3A_15 : memref<2000xf32, #tpu.memory_space<hbm>>) target(%arg11 : memref<2000xf32, #tpu.memory_space<vmem>>) target_semaphore(%arg17 : memref<!tpu.dma_semaphore, #tpu.memory_space<semaphore_mem>>)
    %dma_start3A_16 = tpu.memref_slice %arg3[%add3A_14] : memref<3200000xf32, #tpu.memory_space<hbm>> -> memref<2000xf32, #tpu.memory_space<hbm>>
    %dma_start3A_17 = tpu.memref_slice %arg3[%add3A_14] : memref<3200000xf32, #tpu.memory_space<hbm>> -> memref<2000xf32, #tpu.memory_space<hbm>>
    tpu.enqueue_dma source(%dma_start3A_17 : memref<2000xf32, #tpu.memory_space<hbm>>) target(%arg13 : memref<2000xf32, #tpu.memory_space<vmem>>) target_semaphore(%arg17 : memref<!tpu.dma_semaphore, #tpu.memory_space<semaphore_mem>>)
    %dma_start3A_18 = tpu.memref_slice %arg4[%add3A_14] : memref<3200000xi32, #tpu.memory_space<hbm>> -> memref<2000xi32, #tpu.memory_space<hbm>>
    %dma_start3A_19 = tpu.memref_slice %arg4[%add3A_14] : memref<3200000xi32, #tpu.memory_space<hbm>> -> memref<2000xi32, #tpu.memory_space<hbm>>
    tpu.enqueue_dma source(%dma_start3A_19 : memref<2000xi32, #tpu.memory_space<hbm>>) target(%arg9 : memref<2000xi32, #tpu.memory_space<vmem>>) target_semaphore(%arg17 : memref<!tpu.dma_semaphore, #tpu.memory_space<semaphore_mem>>)
    %add3A_20 = arith.constant 2000 : i32
    %add3A_21 = arith.addi %mul3A_2, %add3A_20 : i32
    %dma_start3A_22 = tpu.memref_slice %arg2[%add3A_21] : memref<3200000xf32, #tpu.memory_space<hbm>> -> memref<2000xf32, #tpu.memory_space<hbm>>
    %dma_start3A_23 = tpu.memref_slice %arg2[%add3A_21] : memref<3200000xf32, #tpu.memory_space<hbm>> -> memref<2000xf32, #tpu.memory_space<hbm>>
    tpu.enqueue_dma source(%dma_start3A_23 : memref<2000xf32, #tpu.memory_space<hbm>>) target(%arg12 : memref<2000xf32, #tpu.memory_space<vmem>>) target_semaphore(%arg18 : memref<!tpu.dma_semaphore, #tpu.memory_space<semaphore_mem>>)
    %dma_start3A_24 = tpu.memref_slice %arg3[%add3A_21] : memref<3200000xf32, #tpu.memory_space<hbm>> -> memref<2000xf32, #tpu.memory_space<hbm>>
    %dma_start3A_25 = tpu.memref_slice %arg3[%add3A_21] : memref<3200000xf32, #tpu.memory_space<hbm>> -> memref<2000xf32, #tpu.memory_space<hbm>>
    tpu.enqueue_dma source(%dma_start3A_25 : memref<2000xf32, #tpu.memory_space<hbm>>) target(%arg14 : memref<2000xf32, #tpu.memory_space<vmem>>) target_semaphore(%arg18 : memref<!tpu.dma_semaphore, #tpu.memory_space<semaphore_mem>>)
    %dma_start3A_26 = tpu.memref_slice %arg4[%add3A_21] : memref<3200000xi32, #tpu.memory_space<hbm>> -> memref<2000xi32, #tpu.memory_space<hbm>>
    %dma_start3A_27 = tpu.memref_slice %arg4[%add3A_21] : memref<3200000xi32, #tpu.memory_space<hbm>> -> memref<2000xi32, #tpu.memory_space<hbm>>
    tpu.enqueue_dma source(%dma_start3A_27 : memref<2000xi32, #tpu.memory_space<hbm>>) target(%arg10 : memref<2000xi32, #tpu.memory_space<vmem>>) target_semaphore(%arg18 : memref<!tpu.dma_semaphore, #tpu.memory_space<semaphore_mem>>)
    %scan3A_28 = arith.constant 0 : i32
    %scan3A_29 = arith.constant 24 : i32
    %scan3A_30 = arith.addi %scan3A_28, %scan3A_29 : i32
    %scan3A_31 = arith.constant 1 : i32
    scf.for %scan3A_895 = %scan3A_28 to %scan3A_30 step %scan3A_31  : i32 {
      %mul3A_896 = arith.constant 1 : i32
      %mul3A_897 = arith.muli %scan3A_895, %mul3A_896 : i32
      %add3A_898 = arith.constant 0 : i32
      %add3A_899 = arith.addi %add3A_898, %mul3A_897 : i32
      %mul3A_900 = arith.constant 2 : i32
      %mul3A_901 = arith.muli %add3A_899, %mul3A_900 : i32
      %add3A_902 = arith.constant 0 : i32
      %add3A_903 = arith.addi %mul3A_901, %add3A_902 : i32
      %mul3A_904 = arith.constant 2000 : i32
      %mul3A_905 = arith.muli %add3A_903, %mul3A_904 : i32
      %add3A_906 = arith.addi %mul3A_2, %mul3A_905 : i32
      %dma_wait3A_907 = tpu.memref_slice %arg2[%add3A_906] : memref<3200000xf32, #tpu.memory_space<hbm>> -> memref<2000xf32, #tpu.memory_space<hbm>>
      %dma_wait3A_908 = tpu.memref_slice %arg2[%add3A_906] : memref<3200000xf32, #tpu.memory_space<hbm>> -> memref<2000xf32, #tpu.memory_space<hbm>>
      tpu.wait_dma2 semaphore(%arg17 : memref<!tpu.dma_semaphore, #tpu.memory_space<semaphore_mem>>) src(%dma_wait3A_908 : memref<2000xf32, #tpu.memory_space<hbm>>) dst(%arg11 : memref<2000xf32, #tpu.memory_space<vmem>>)
      %dma_wait3A_909 = tpu.memref_slice %arg3[%add3A_906] : memref<3200000xf32, #tpu.memory_space<hbm>> -> memref<2000xf32, #tpu.memory_space<hbm>>
      %dma_wait3A_910 = tpu.memref_slice %arg3[%add3A_906] : memref<3200000xf32, #tpu.memory_space<hbm>> -> memref<2000xf32, #tpu.memory_space<hbm>>
      tpu.wait_dma2 semaphore(%arg17 : memref<!tpu.dma_semaphore, #tpu.memory_space<semaphore_mem>>) src(%dma_wait3A_910 : memref<2000xf32, #tpu.memory_space<hbm>>) dst(%arg13 : memref<2000xf32, #tpu.memory_space<vmem>>)
      %dma_wait3A_911 = tpu.memref_slice %arg4[%add3A_906] : memref<3200000xi32, #tpu.memory_space<hbm>> -> memref<2000xi32, #tpu.memory_space<hbm>>
      %dma_wait3A_912 = tpu.memref_slice %arg4[%add3A_906] : memref<3200000xi32, #tpu.memory_space<hbm>> -> memref<2000xi32, #tpu.memory_space<hbm>>
      tpu.wait_dma2 semaphore(%arg17 : memref<!tpu.dma_semaphore, #tpu.memory_space<semaphore_mem>>) src(%dma_wait3A_912 : memref<2000xi32, #tpu.memory_space<hbm>>) dst(%arg9 : memref<2000xi32, #tpu.memory_space<vmem>>)
      %add3A_913 = arith.constant 2 : i32
      %add3A_914 = arith.addi %add3A_903, %add3A_913 : i32
      %mul3A_915 = arith.constant 2000 : i32
      %mul3A_916 = arith.muli %add3A_914, %mul3A_915 : i32
      %add3A_917 = arith.addi %mul3A_2, %mul3A_916 : i32
      %dma_start3A_918 = tpu.memref_slice %arg2[%add3A_917] : memref<3200000xf32, #tpu.memory_space<hbm>> -> memref<2000xf32, #tpu.memory_space<hbm>>
      %dma_start3A_919 = tpu.memref_slice %arg2[%add3A_917] : memref<3200000xf32, #tpu.memory_space<hbm>> -> memref<2000xf32, #tpu.memory_space<hbm>>
      tpu.enqueue_dma source(%dma_start3A_919 : memref<2000xf32, #tpu.memory_space<hbm>>) target(%arg11 : memref<2000xf32, #tpu.memory_space<vmem>>) target_semaphore(%arg17 : memref<!tpu.dma_semaphore, #tpu.memory_space<semaphore_mem>>)
      %dma_start3A_920 = tpu.memref_slice %arg3[%add3A_917] : memref<3200000xf32, #tpu.memory_space<hbm>> -> memref<2000xf32, #tpu.memory_space<hbm>>
      %dma_start3A_921 = tpu.memref_slice %arg3[%add3A_917] : memref<3200000xf32, #tpu.memory_space<hbm>> -> memref<2000xf32, #tpu.memory_space<hbm>>
      tpu.enqueue_dma source(%dma_start3A_921 : memref<2000xf32, #tpu.memory_space<hbm>>) target(%arg13 : memref<2000xf32, #tpu.memory_space<vmem>>) target_semaphore(%arg17 : memref<!tpu.dma_semaphore, #tpu.memory_space<semaphore_mem>>)
      %dma_start3A_922 = tpu.memref_slice %arg4[%add3A_917] : memref<3200000xi32, #tpu.memory_space<hbm>> -> memref<2000xi32, #tpu.memory_space<hbm>>
      %dma_start3A_923 = tpu.memref_slice %arg4[%add3A_917] : memref<3200000xi32, #tpu.memory_space<hbm>> -> memref<2000xi32, #tpu.memory_space<hbm>>
      tpu.enqueue_dma source(%dma_start3A_923 : memref<2000xi32, #tpu.memory_space<hbm>>) target(%arg9 : memref<2000xi32, #tpu.memory_space<vmem>>) target_semaphore(%arg17 : memref<!tpu.dma_semaphore, #tpu.memory_space<semaphore_mem>>)
      %parallel_loop3A_924 = arith.constant 0 : i32
      %parallel_loop3A_925 = arith.constant 125 : i32
      %parallel_loop3A_926 = arith.constant 1 : i32
      scf.for %parallel_loop3A_954 = %parallel_loop3A_924 to %parallel_loop3A_925 step %parallel_loop3A_926  : i32 {
        %parallel_loop3A_955 = arith.constant 16 : i32
        %parallel_loop3A_956 = arith.muli %parallel_loop3A_954, %parallel_loop3A_955 : i32
        %parallel_loop3A_957 = arith.index_cast %parallel_loop3A_956 : i32 to index
        %parallel_loop3A_958 = tpu.vector_load %arg9[%parallel_loop3A_957] {strides = array<i32>} : memref<2000xi32, #tpu.memory_space<vmem>>, vector<16xi32>,
        %parallel_loop3A_959 = arith.constant 2 : i32
        %parallel_loop3A_960 = vector.broadcast %parallel_loop3A_959 : i32 to vector<16xi32>
        %parallel_loop3A_961 = arith.shrsi %parallel_loop3A_958, %parallel_loop3A_960 : vector<16xi32>
        %parallel_loop3A_962 = tpu.vector_load_idx %arg8[%parallel_loop3A_961] : memref<25000xi32, #tpu.memory_space<vmem>>[vector<16xi32>], vector<16xi32>,
        %parallel_loop3A_963 = arith.constant 3 : i32
        %parallel_loop3A_964 = vector.broadcast %parallel_loop3A_963 : i32 to vector<16xi32>
        %parallel_loop3A_965 = arith.andi %parallel_loop3A_958, %parallel_loop3A_964 : vector<16xi32>
        %parallel_loop3A_966 = arith.constant 3 : i32
        %parallel_loop3A_967 = vector.broadcast %parallel_loop3A_966 : i32 to vector<16xi32>
        %parallel_loop3A_968 = arith.shli %parallel_loop3A_965, %parallel_loop3A_967 : vector<16xi32>
        %parallel_loop3A_969 = arith.shrsi %parallel_loop3A_962, %parallel_loop3A_968 : vector<16xi32>
        %parallel_loop3A_970 = arith.constant 63 : i32
        %parallel_loop3A_971 = vector.broadcast %parallel_loop3A_970 : i32 to vector<16xi32>
        %parallel_loop3A_972 = arith.andi %parallel_loop3A_969, %parallel_loop3A_971 : vector<16xi32>
        %parallel_loop3A_973 = arith.addi %mul3A_8, %parallel_loop3A_972 : vector<16xi32>
        %parallel_loop3A_974 = arith.index_cast %parallel_loop3A_956 : i32 to index
        %parallel_loop3A_975 = tpu.vector_load %arg11[%parallel_loop3A_974] {strides = array<i32>} : memref<2000xf32, #tpu.memory_space<vmem>>, vector<16xf32>,
        %parallel_loop3A_976 = arith.index_cast %parallel_loop3A_956 : i32 to index
        %parallel_loop3A_977 = tpu.vector_load %arg13[%parallel_loop3A_976] {strides = array<i32>} : memref<2000xf32, #tpu.memory_space<vmem>>, vector<16xf32>,
        %parallel_loop3A_978 = math.absf %parallel_loop3A_975 : vector<16xf32>
        %parallel_loop3A_979 = arith.constant 0.000000e+00 : f32
        %parallel_loop3A_980 = vector.broadcast %parallel_loop3A_979 : f32 to vector<16xf32>
        %parallel_loop3A_981 = arith.subf %parallel_loop3A_980, %parallel_loop3A_978 : vector<16xf32>
        %parallel_loop3A_982 = math.exp %parallel_loop3A_981 : vector<16xf32>
        %parallel_loop3A_983 = arith.constant 0.000000e+00 : f32
        %parallel_loop3A_984 = vector.broadcast %parallel_loop3A_983 : f32 to vector<16xf32>
        %parallel_loop3A_985 = arith.maximumf %parallel_loop3A_975, %parallel_loop3A_984 : vector<16xf32>
        %parallel_loop3A_986 = arith.mulf %parallel_loop3A_975, %parallel_loop3A_977 : vector<16xf32>
        %parallel_loop3A_987 = arith.subf %parallel_loop3A_985, %parallel_loop3A_986 : vector<16xf32>
        %parallel_loop3A_988 = arith.constant -0.0170296114 : f32
        %parallel_loop3A_989 = vector.broadcast %parallel_loop3A_988 : f32 to vector<16xf32>
        %parallel_loop3A_990 = arith.mulf %parallel_loop3A_989, %parallel_loop3A_982 : vector<16xf32>
        %parallel_loop3A_991 = arith.constant 0.08152318 : f32
        %parallel_loop3A_992 = vector.broadcast %parallel_loop3A_991 : f32 to vector<16xf32>
        %parallel_loop3A_993 = arith.addf %parallel_loop3A_990, %parallel_loop3A_992 : vector<16xf32>
        %parallel_loop3A_994 = arith.mulf %parallel_loop3A_993, %parallel_loop3A_982 : vector<16xf32>
        %parallel_loop3A_995 = arith.constant -0.189019546 : f32
        %parallel_loop3A_996 = vector.broadcast %parallel_loop3A_995 : f32 to vector<16xf32>
        %parallel_loop3A_997 = arith.addf %parallel_loop3A_994, %parallel_loop3A_996 : vector<16xf32>
        %parallel_loop3A_998 = arith.mulf %parallel_loop3A_997, %parallel_loop3A_982 : vector<16xf32>
        %parallel_loop3A_999 = arith.constant 0.315041274 : f32
        %parallel_loop3A_1000 = vector.broadcast %parallel_loop3A_999 : f32 to vector<16xf32>
        %parallel_loop3A_1001 = arith.addf %parallel_loop3A_998, %parallel_loop3A_1000 : vector<16xf32>
        %parallel_loop3A_1002 = arith.mulf %parallel_loop3A_1001, %parallel_loop3A_982 : vector<16xf32>
        %parallel_loop3A_1003 = arith.constant -0.49720332 : f32
        %parallel_loop3A_1004 = vector.broadcast %parallel_loop3A_1003 : f32 to vector<16xf32>
        %parallel_loop3A_1005 = arith.addf %parallel_loop3A_1002, %parallel_loop3A_1004 : vector<16xf32>
        %parallel_loop3A_1006 = arith.mulf %parallel_loop3A_1005, %parallel_loop3A_982 : vector<16xf32>
        %parallel_loop3A_1007 = arith.constant 0.99983257 : f32
        %parallel_loop3A_1008 = vector.broadcast %parallel_loop3A_1007 : f32 to vector<16xf32>
        %parallel_loop3A_1009 = arith.addf %parallel_loop3A_1006, %parallel_loop3A_1008 : vector<16xf32>
        %parallel_loop3A_1010 = arith.mulf %parallel_loop3A_1009, %parallel_loop3A_982 : vector<16xf32>
        %parallel_loop3A_1011 = arith.constant 1.69366263E-6 : f32
        %parallel_loop3A_1012 = vector.broadcast %parallel_loop3A_1011 : f32 to vector<16xf32>
        %parallel_loop3A_1013 = arith.addf %parallel_loop3A_1010, %parallel_loop3A_1012 : vector<16xf32>
        %parallel_loop3A_1014 = arith.addf %parallel_loop3A_987, %parallel_loop3A_1013 : vector<16xf32>
        tpu.vector_store_idx %arg15[%parallel_loop3A_973], %parallel_loop3A_1014 {add = true} : memref<1024xf32, #tpu.memory_space<vmem>>[vector<16xi32>], vector<16xf32>,
        tpu.vector_store_idx %arg16[%parallel_loop3A_973], %broadcast_in_dim3A_5 {add = true} : memref<1024xf32, #tpu.memory_space<vmem>>[vector<16xi32>], vector<16xf32>,
      } {sc.loop_unroll_factor = 5 : i64, sc.parallel_access}
      %mul3A_927 = arith.constant 2 : i32
      %mul3A_928 = arith.muli %add3A_899, %mul3A_927 : i32
      %add3A_929 = arith.constant 1 : i32
      %add3A_930 = arith.addi %mul3A_928, %add3A_929 : i32
      %mul3A_931 = arith.constant 2000 : i32
      %mul3A_932 = arith.muli %add3A_930, %mul3A_931 : i32
      %add3A_933 = arith.addi %mul3A_2, %mul3A_932 : i32
      %dma_wait3A_934 = tpu.memref_slice %arg2[%add3A_933] : memref<3200000xf32, #tpu.memory_space<hbm>> -> memref<2000xf32, #tpu.memory_space<hbm>>
      %dma_wait3A_935 = tpu.memref_slice %arg2[%add3A_933] : memref<3200000xf32, #tpu.memory_space<hbm>> -> memref<2000xf32, #tpu.memory_space<hbm>>
      tpu.wait_dma2 semaphore(%arg18 : memref<!tpu.dma_semaphore, #tpu.memory_space<semaphore_mem>>) src(%dma_wait3A_935 : memref<2000xf32, #tpu.memory_space<hbm>>) dst(%arg12 : memref<2000xf32, #tpu.memory_space<vmem>>)
      %dma_wait3A_936 = tpu.memref_slice %arg3[%add3A_933] : memref<3200000xf32, #tpu.memory_space<hbm>> -> memref<2000xf32, #tpu.memory_space<hbm>>
      %dma_wait3A_937 = tpu.memref_slice %arg3[%add3A_933] : memref<3200000xf32, #tpu.memory_space<hbm>> -> memref<2000xf32, #tpu.memory_space<hbm>>
      tpu.wait_dma2 semaphore(%arg18 : memref<!tpu.dma_semaphore, #tpu.memory_space<semaphore_mem>>) src(%dma_wait3A_937 : memref<2000xf32, #tpu.memory_space<hbm>>) dst(%arg14 : memref<2000xf32, #tpu.memory_space<vmem>>)
      %dma_wait3A_938 = tpu.memref_slice %arg4[%add3A_933] : memref<3200000xi32, #tpu.memory_space<hbm>> -> memref<2000xi32, #tpu.memory_space<hbm>>
      %dma_wait3A_939 = tpu.memref_slice %arg4[%add3A_933] : memref<3200000xi32, #tpu.memory_space<hbm>> -> memref<2000xi32, #tpu.memory_space<hbm>>
      tpu.wait_dma2 semaphore(%arg18 : memref<!tpu.dma_semaphore, #tpu.memory_space<semaphore_mem>>) src(%dma_wait3A_939 : memref<2000xi32, #tpu.memory_space<hbm>>) dst(%arg10 : memref<2000xi32, #tpu.memory_space<vmem>>)
      %add3A_940 = arith.constant 2 : i32
      %add3A_941 = arith.addi %add3A_930, %add3A_940 : i32
      %mul3A_942 = arith.constant 2000 : i32
      %mul3A_943 = arith.muli %add3A_941, %mul3A_942 : i32
      %add3A_944 = arith.addi %mul3A_2, %mul3A_943 : i32
      %dma_start3A_945 = tpu.memref_slice %arg2[%add3A_944] : memref<3200000xf32, #tpu.memory_space<hbm>> -> memref<2000xf32, #tpu.memory_space<hbm>>
      %dma_start3A_946 = tpu.memref_slice %arg2[%add3A_944] : memref<3200000xf32, #tpu.memory_space<hbm>> -> memref<2000xf32, #tpu.memory_space<hbm>>
      tpu.enqueue_dma source(%dma_start3A_946 : memref<2000xf32, #tpu.memory_space<hbm>>) target(%arg12 : memref<2000xf32, #tpu.memory_space<vmem>>) target_semaphore(%arg18 : memref<!tpu.dma_semaphore, #tpu.memory_space<semaphore_mem>>)
      %dma_start3A_947 = tpu.memref_slice %arg3[%add3A_944] : memref<3200000xf32, #tpu.memory_space<hbm>> -> memref<2000xf32, #tpu.memory_space<hbm>>
      %dma_start3A_948 = tpu.memref_slice %arg3[%add3A_944] : memref<3200000xf32, #tpu.memory_space<hbm>> -> memref<2000xf32, #tpu.memory_space<hbm>>
      tpu.enqueue_dma source(%dma_start3A_948 : memref<2000xf32, #tpu.memory_space<hbm>>) target(%arg14 : memref<2000xf32, #tpu.memory_space<vmem>>) target_semaphore(%arg18 : memref<!tpu.dma_semaphore, #tpu.memory_space<semaphore_mem>>)
      %dma_start3A_949 = tpu.memref_slice %arg4[%add3A_944] : memref<3200000xi32, #tpu.memory_space<hbm>> -> memref<2000xi32, #tpu.memory_space<hbm>>
      %dma_start3A_950 = tpu.memref_slice %arg4[%add3A_944] : memref<3200000xi32, #tpu.memory_space<hbm>> -> memref<2000xi32, #tpu.memory_space<hbm>>
      tpu.enqueue_dma source(%dma_start3A_950 : memref<2000xi32, #tpu.memory_space<hbm>>) target(%arg10 : memref<2000xi32, #tpu.memory_space<vmem>>) target_semaphore(%arg18 : memref<!tpu.dma_semaphore, #tpu.memory_space<semaphore_mem>>)
      %parallel_loop3A_951 = arith.constant 0 : i32
      %parallel_loop3A_952 = arith.constant 125 : i32
      %parallel_loop3A_953 = arith.constant 1 : i32
      scf.for %parallel_loop3A_954 = %parallel_loop3A_951 to %parallel_loop3A_952 step %parallel_loop3A_953  : i32 {
        %parallel_loop3A_955 = arith.constant 16 : i32
        %parallel_loop3A_956 = arith.muli %parallel_loop3A_954, %parallel_loop3A_955 : i32
        %parallel_loop3A_957 = arith.index_cast %parallel_loop3A_956 : i32 to index
        %parallel_loop3A_958 = tpu.vector_load %arg10[%parallel_loop3A_957] {strides = array<i32>} : memref<2000xi32, #tpu.memory_space<vmem>>, vector<16xi32>,
        %parallel_loop3A_959 = arith.constant 2 : i32
        %parallel_loop3A_960 = vector.broadcast %parallel_loop3A_959 : i32 to vector<16xi32>
        %parallel_loop3A_961 = arith.shrsi %parallel_loop3A_958, %parallel_loop3A_960 : vector<16xi32>
        %parallel_loop3A_962 = tpu.vector_load_idx %arg8[%parallel_loop3A_961] : memref<25000xi32, #tpu.memory_space<vmem>>[vector<16xi32>], vector<16xi32>,
        %parallel_loop3A_963 = arith.constant 3 : i32
        %parallel_loop3A_964 = vector.broadcast %parallel_loop3A_963 : i32 to vector<16xi32>
        %parallel_loop3A_965 = arith.andi %parallel_loop3A_958, %parallel_loop3A_964 : vector<16xi32>
        %parallel_loop3A_966 = arith.constant 3 : i32
        %parallel_loop3A_967 = vector.broadcast %parallel_loop3A_966 : i32 to vector<16xi32>
        %parallel_loop3A_968 = arith.shli %parallel_loop3A_965, %parallel_loop3A_967 : vector<16xi32>
        %parallel_loop3A_969 = arith.shrsi %parallel_loop3A_962, %parallel_loop3A_968 : vector<16xi32>
        %parallel_loop3A_970 = arith.constant 63 : i32
        %parallel_loop3A_971 = vector.broadcast %parallel_loop3A_970 : i32 to vector<16xi32>
        %parallel_loop3A_972 = arith.andi %parallel_loop3A_969, %parallel_loop3A_971 : vector<16xi32>
        %parallel_loop3A_973 = arith.addi %mul3A_8, %parallel_loop3A_972 : vector<16xi32>
        %parallel_loop3A_974 = arith.index_cast %parallel_loop3A_956 : i32 to index
        %parallel_loop3A_975 = tpu.vector_load %arg12[%parallel_loop3A_974] {strides = array<i32>} : memref<2000xf32, #tpu.memory_space<vmem>>, vector<16xf32>,
        %parallel_loop3A_976 = arith.index_cast %parallel_loop3A_956 : i32 to index
        %parallel_loop3A_977 = tpu.vector_load %arg14[%parallel_loop3A_976] {strides = array<i32>} : memref<2000xf32, #tpu.memory_space<vmem>>, vector<16xf32>,
        %parallel_loop3A_978 = math.absf %parallel_loop3A_975 : vector<16xf32>
        %parallel_loop3A_979 = arith.constant 0.000000e+00 : f32
        %parallel_loop3A_980 = vector.broadcast %parallel_loop3A_979 : f32 to vector<16xf32>
        %parallel_loop3A_981 = arith.subf %parallel_loop3A_980, %parallel_loop3A_978 : vector<16xf32>
        %parallel_loop3A_982 = math.exp %parallel_loop3A_981 : vector<16xf32>
        %parallel_loop3A_983 = arith.constant 0.000000e+00 : f32
        %parallel_loop3A_984 = vector.broadcast %parallel_loop3A_983 : f32 to vector<16xf32>
        %parallel_loop3A_985 = arith.maximumf %parallel_loop3A_975, %parallel_loop3A_984 : vector<16xf32>
        %parallel_loop3A_986 = arith.mulf %parallel_loop3A_975, %parallel_loop3A_977 : vector<16xf32>
        %parallel_loop3A_987 = arith.subf %parallel_loop3A_985, %parallel_loop3A_986 : vector<16xf32>
        %parallel_loop3A_988 = arith.constant -0.0170296114 : f32
        %parallel_loop3A_989 = vector.broadcast %parallel_loop3A_988 : f32 to vector<16xf32>
        %parallel_loop3A_990 = arith.mulf %parallel_loop3A_989, %parallel_loop3A_982 : vector<16xf32>
        %parallel_loop3A_991 = arith.constant 0.08152318 : f32
        %parallel_loop3A_992 = vector.broadcast %parallel_loop3A_991 : f32 to vector<16xf32>
        %parallel_loop3A_993 = arith.addf %parallel_loop3A_990, %parallel_loop3A_992 : vector<16xf32>
        %parallel_loop3A_994 = arith.mulf %parallel_loop3A_993, %parallel_loop3A_982 : vector<16xf32>
        %parallel_loop3A_995 = arith.constant -0.189019546 : f32
        %parallel_loop3A_996 = vector.broadcast %parallel_loop3A_995 : f32 to vector<16xf32>
        %parallel_loop3A_997 = arith.addf %parallel_loop3A_994, %parallel_loop3A_996 : vector<16xf32>
        %parallel_loop3A_998 = arith.mulf %parallel_loop3A_997, %parallel_loop3A_982 : vector<16xf32>
        %parallel_loop3A_999 = arith.constant 0.315041274 : f32
        %parallel_loop3A_1000 = vector.broadcast %parallel_loop3A_999 : f32 to vector<16xf32>
        %parallel_loop3A_1001 = arith.addf %parallel_loop3A_998, %parallel_loop3A_1000 : vector<16xf32>
        %parallel_loop3A_1002 = arith.mulf %parallel_loop3A_1001, %parallel_loop3A_982 : vector<16xf32>
        %parallel_loop3A_1003 = arith.constant -0.49720332 : f32
        %parallel_loop3A_1004 = vector.broadcast %parallel_loop3A_1003 : f32 to vector<16xf32>
        %parallel_loop3A_1005 = arith.addf %parallel_loop3A_1002, %parallel_loop3A_1004 : vector<16xf32>
        %parallel_loop3A_1006 = arith.mulf %parallel_loop3A_1005, %parallel_loop3A_982 : vector<16xf32>
        %parallel_loop3A_1007 = arith.constant 0.99983257 : f32
        %parallel_loop3A_1008 = vector.broadcast %parallel_loop3A_1007 : f32 to vector<16xf32>
        %parallel_loop3A_1009 = arith.addf %parallel_loop3A_1006, %parallel_loop3A_1008 : vector<16xf32>
        %parallel_loop3A_1010 = arith.mulf %parallel_loop3A_1009, %parallel_loop3A_982 : vector<16xf32>
        %parallel_loop3A_1011 = arith.constant 1.69366263E-6 : f32
        %parallel_loop3A_1012 = vector.broadcast %parallel_loop3A_1011 : f32 to vector<16xf32>
        %parallel_loop3A_1013 = arith.addf %parallel_loop3A_1010, %parallel_loop3A_1012 : vector<16xf32>
        %parallel_loop3A_1014 = arith.addf %parallel_loop3A_987, %parallel_loop3A_1013 : vector<16xf32>
        tpu.vector_store_idx %arg15[%parallel_loop3A_973], %parallel_loop3A_1014 {add = true} : memref<1024xf32, #tpu.memory_space<vmem>>[vector<16xi32>], vector<16xf32>,
        tpu.vector_store_idx %arg16[%parallel_loop3A_973], %broadcast_in_dim3A_5 {add = true} : memref<1024xf32, #tpu.memory_space<vmem>>[vector<16xi32>], vector<16xf32>,
      } {sc.loop_unroll_factor = 5 : i64, sc.parallel_access}
    }
    %scan3A_32 = arith.constant 24 : i32
    %add3A_33 = arith.constant 96000 : i32
    %add3A_34 = arith.addi %mul3A_2, %add3A_33 : i32
    %dma_wait3A = tpu.memref_slice %arg2[%add3A_34] : memref<3200000xf32, #tpu.memory_space<hbm>> -> memref<2000xf32, #tpu.memory_space<hbm>>
    %dma_wait3A_35 = tpu.memref_slice %arg2[%add3A_34] : memref<3200000xf32, #tpu.memory_space<hbm>> -> memref<2000xf32, #tpu.memory_space<hbm>>
    tpu.wait_dma2 semaphore(%arg17 : memref<!tpu.dma_semaphore, #tpu.memory_space<semaphore_mem>>) src(%dma_wait3A_35 : memref<2000xf32, #tpu.memory_space<hbm>>) dst(%arg11 : memref<2000xf32, #tpu.memory_space<vmem>>)
    %dma_wait3A_36 = tpu.memref_slice %arg3[%add3A_34] : memref<3200000xf32, #tpu.memory_space<hbm>> -> memref<2000xf32, #tpu.memory_space<hbm>>
    %dma_wait3A_37 = tpu.memref_slice %arg3[%add3A_34] : memref<3200000xf32, #tpu.memory_space<hbm>> -> memref<2000xf32, #tpu.memory_space<hbm>>
    tpu.wait_dma2 semaphore(%arg17 : memref<!tpu.dma_semaphore, #tpu.memory_space<semaphore_mem>>) src(%dma_wait3A_37 : memref<2000xf32, #tpu.memory_space<hbm>>) dst(%arg13 : memref<2000xf32, #tpu.memory_space<vmem>>)
    %dma_wait3A_38 = tpu.memref_slice %arg4[%add3A_34] : memref<3200000xi32, #tpu.memory_space<hbm>> -> memref<2000xi32, #tpu.memory_space<hbm>>
    %dma_wait3A_39 = tpu.memref_slice %arg4[%add3A_34] : memref<3200000xi32, #tpu.memory_space<hbm>> -> memref<2000xi32, #tpu.memory_space<hbm>>
    tpu.wait_dma2 semaphore(%arg17 : memref<!tpu.dma_semaphore, #tpu.memory_space<semaphore_mem>>) src(%dma_wait3A_39 : memref<2000xi32, #tpu.memory_space<hbm>>) dst(%arg9 : memref<2000xi32, #tpu.memory_space<vmem>>)
    %parallel_loop3A = arith.constant 0 : i32
    %parallel_loop3A_40 = arith.constant 125 : i32
    %parallel_loop3A_41 = arith.constant 1 : i32
    scf.for %parallel_loop3A_895 = %parallel_loop3A to %parallel_loop3A_40 step %parallel_loop3A_41  : i32 {
      %parallel_loop3A_896 = arith.constant 16 : i32
      %parallel_loop3A_897 = arith.muli %parallel_loop3A_895, %parallel_loop3A_896 : i32
      %parallel_loop3A_898 = arith.index_cast %parallel_loop3A_897 : i32 to index
      %parallel_loop3A_899 = tpu.vector_load %arg9[%parallel_loop3A_898] {strides = array<i32>} : memref<2000xi32, #tpu.memory_space<vmem>>, vector<16xi32>,
      %parallel_loop3A_900 = arith.constant 2 : i32
      %parallel_loop3A_901 = vector.broadcast %parallel_loop3A_900 : i32 to vector<16xi32>
      %parallel_loop3A_902 = arith.shrsi %parallel_loop3A_899, %parallel_loop3A_901 : vector<16xi32>
      %parallel_loop3A_903 = tpu.vector_load_idx %arg8[%parallel_loop3A_902] : memref<25000xi32, #tpu.memory_space<vmem>>[vector<16xi32>], vector<16xi32>,
      %parallel_loop3A_904 = arith.constant 3 : i32
      %parallel_loop3A_905 = vector.broadcast %parallel_loop3A_904 : i32 to vector<16xi32>
      %parallel_loop3A_906 = arith.andi %parallel_loop3A_899, %parallel_loop3A_905 : vector<16xi32>
      %parallel_loop3A_907 = arith.constant 3 : i32
      %parallel_loop3A_908 = vector.broadcast %parallel_loop3A_907 : i32 to vector<16xi32>
      %parallel_loop3A_909 = arith.shli %parallel_loop3A_906, %parallel_loop3A_908 : vector<16xi32>
      %parallel_loop3A_910 = arith.shrsi %parallel_loop3A_903, %parallel_loop3A_909 : vector<16xi32>
      %parallel_loop3A_911 = arith.constant 63 : i32
      %parallel_loop3A_912 = vector.broadcast %parallel_loop3A_911 : i32 to vector<16xi32>
      %parallel_loop3A_913 = arith.andi %parallel_loop3A_910, %parallel_loop3A_912 : vector<16xi32>
      %parallel_loop3A_914 = arith.addi %mul3A_8, %parallel_loop3A_913 : vector<16xi32>
      %parallel_loop3A_915 = arith.index_cast %parallel_loop3A_897 : i32 to index
      %parallel_loop3A_916 = tpu.vector_load %arg11[%parallel_loop3A_915] {strides = array<i32>} : memref<2000xf32, #tpu.memory_space<vmem>>, vector<16xf32>,
      %parallel_loop3A_917 = arith.index_cast %parallel_loop3A_897 : i32 to index
      %parallel_loop3A_918 = tpu.vector_load %arg13[%parallel_loop3A_917] {strides = array<i32>} : memref<2000xf32, #tpu.memory_space<vmem>>, vector<16xf32>,
      %parallel_loop3A_919 = math.absf %parallel_loop3A_916 : vector<16xf32>
      %parallel_loop3A_920 = arith.constant 0.000000e+00 : f32
      %parallel_loop3A_921 = vector.broadcast %parallel_loop3A_920 : f32 to vector<16xf32>
      %parallel_loop3A_922 = arith.subf %parallel_loop3A_921, %parallel_loop3A_919 : vector<16xf32>
      %parallel_loop3A_923 = math.exp %parallel_loop3A_922 : vector<16xf32>
      %parallel_loop3A_924 = arith.constant 0.000000e+00 : f32
      %parallel_loop3A_925 = vector.broadcast %parallel_loop3A_924 : f32 to vector<16xf32>
      %parallel_loop3A_926 = arith.maximumf %parallel_loop3A_916, %parallel_loop3A_925 : vector<16xf32>
      %parallel_loop3A_927 = arith.mulf %parallel_loop3A_916, %parallel_loop3A_918 : vector<16xf32>
      %parallel_loop3A_928 = arith.subf %parallel_loop3A_926, %parallel_loop3A_927 : vector<16xf32>
      %parallel_loop3A_929 = arith.constant -0.0170296114 : f32
      %parallel_loop3A_930 = vector.broadcast %parallel_loop3A_929 : f32 to vector<16xf32>
      %parallel_loop3A_931 = arith.mulf %parallel_loop3A_930, %parallel_loop3A_923 : vector<16xf32>
      %parallel_loop3A_932 = arith.constant 0.08152318 : f32
      %parallel_loop3A_933 = vector.broadcast %parallel_loop3A_932 : f32 to vector<16xf32>
      %parallel_loop3A_934 = arith.addf %parallel_loop3A_931, %parallel_loop3A_933 : vector<16xf32>
      %parallel_loop3A_935 = arith.mulf %parallel_loop3A_934, %parallel_loop3A_923 : vector<16xf32>
      %parallel_loop3A_936 = arith.constant -0.189019546 : f32
      %parallel_loop3A_937 = vector.broadcast %parallel_loop3A_936 : f32 to vector<16xf32>
      %parallel_loop3A_938 = arith.addf %parallel_loop3A_935, %parallel_loop3A_937 : vector<16xf32>
      %parallel_loop3A_939 = arith.mulf %parallel_loop3A_938, %parallel_loop3A_923 : vector<16xf32>
      %parallel_loop3A_940 = arith.constant 0.315041274 : f32
      %parallel_loop3A_941 = vector.broadcast %parallel_loop3A_940 : f32 to vector<16xf32>
      %parallel_loop3A_942 = arith.addf %parallel_loop3A_939, %parallel_loop3A_941 : vector<16xf32>
      %parallel_loop3A_943 = arith.mulf %parallel_loop3A_942, %parallel_loop3A_923 : vector<16xf32>
      %parallel_loop3A_944 = arith.constant -0.49720332 : f32
      %parallel_loop3A_945 = vector.broadcast %parallel_loop3A_944 : f32 to vector<16xf32>
      %parallel_loop3A_946 = arith.addf %parallel_loop3A_943, %parallel_loop3A_945 : vector<16xf32>
      %parallel_loop3A_947 = arith.mulf %parallel_loop3A_946, %parallel_loop3A_923 : vector<16xf32>
      %parallel_loop3A_948 = arith.constant 0.99983257 : f32
      %parallel_loop3A_949 = vector.broadcast %parallel_loop3A_948 : f32 to vector<16xf32>
      %parallel_loop3A_950 = arith.addf %parallel_loop3A_947, %parallel_loop3A_949 : vector<16xf32>
      %parallel_loop3A_951 = arith.mulf %parallel_loop3A_950, %parallel_loop3A_923 : vector<16xf32>
      %parallel_loop3A_952 = arith.constant 1.69366263E-6 : f32
      %parallel_loop3A_953 = vector.broadcast %parallel_loop3A_952 : f32 to vector<16xf32>
      %parallel_loop3A_954 = arith.addf %parallel_loop3A_951, %parallel_loop3A_953 : vector<16xf32>
      %parallel_loop3A_955 = arith.addf %parallel_loop3A_928, %parallel_loop3A_954 : vector<16xf32>
      tpu.vector_store_idx %arg15[%parallel_loop3A_914], %parallel_loop3A_955 {add = true} : memref<1024xf32, #tpu.memory_space<vmem>>[vector<16xi32>], vector<16xf32>,
      tpu.vector_store_idx %arg16[%parallel_loop3A_914], %broadcast_in_dim3A_5 {add = true} : memref<1024xf32, #tpu.memory_space<vmem>>[vector<16xi32>], vector<16xf32>,
    } {sc.loop_unroll_factor = 5 : i64, sc.parallel_access}
    %add3A_42 = arith.constant 98000 : i32
    %add3A_43 = arith.addi %mul3A_2, %add3A_42 : i32
    %dma_wait3A_44 = tpu.memref_slice %arg2[%add3A_43] : memref<3200000xf32, #tpu.memory_space<hbm>> -> memref<2000xf32, #tpu.memory_space<hbm>>
    %dma_wait3A_45 = tpu.memref_slice %arg2[%add3A_43] : memref<3200000xf32, #tpu.memory_space<hbm>> -> memref<2000xf32, #tpu.memory_space<hbm>>
    tpu.wait_dma2 semaphore(%arg18 : memref<!tpu.dma_semaphore, #tpu.memory_space<semaphore_mem>>) src(%dma_wait3A_45 : memref<2000xf32, #tpu.memory_space<hbm>>) dst(%arg12 : memref<2000xf32, #tpu.memory_space<vmem>>)
    %dma_wait3A_46 = tpu.memref_slice %arg3[%add3A_43] : memref<3200000xf32, #tpu.memory_space<hbm>> -> memref<2000xf32, #tpu.memory_space<hbm>>
    %dma_wait3A_47 = tpu.memref_slice %arg3[%add3A_43] : memref<3200000xf32, #tpu.memory_space<hbm>> -> memref<2000xf32, #tpu.memory_space<hbm>>
    tpu.wait_dma2 semaphore(%arg18 : memref<!tpu.dma_semaphore, #tpu.memory_space<semaphore_mem>>) src(%dma_wait3A_47 : memref<2000xf32, #tpu.memory_space<hbm>>) dst(%arg14 : memref<2000xf32, #tpu.memory_space<vmem>>)
    %dma_wait3A_48 = tpu.memref_slice %arg4[%add3A_43] : memref<3200000xi32, #tpu.memory_space<hbm>> -> memref<2000xi32, #tpu.memory_space<hbm>>
    %dma_wait3A_49 = tpu.memref_slice %arg4[%add3A_43] : memref<3200000xi32, #tpu.memory_space<hbm>> -> memref<2000xi32, #tpu.memory_space<hbm>>
    tpu.wait_dma2 semaphore(%arg18 : memref<!tpu.dma_semaphore, #tpu.memory_space<semaphore_mem>>) src(%dma_wait3A_49 : memref<2000xi32, #tpu.memory_space<hbm>>) dst(%arg10 : memref<2000xi32, #tpu.memory_space<vmem>>)
    %parallel_loop3A_50 = arith.constant 0 : i32
    %parallel_loop3A_51 = arith.constant 125 : i32
    %parallel_loop3A_52 = arith.constant 1 : i32
    scf.for %parallel_loop3A_895 = %parallel_loop3A_50 to %parallel_loop3A_51 step %parallel_loop3A_52  : i32 {
      %parallel_loop3A_896 = arith.constant 16 : i32
      %parallel_loop3A_897 = arith.muli %parallel_loop3A_895, %parallel_loop3A_896 : i32
      %parallel_loop3A_898 = arith.index_cast %parallel_loop3A_897 : i32 to index
      %parallel_loop3A_899 = tpu.vector_load %arg10[%parallel_loop3A_898] {strides = array<i32>} : memref<2000xi32, #tpu.memory_space<vmem>>, vector<16xi32>,
      %parallel_loop3A_900 = arith.constant 2 : i32
      %parallel_loop3A_901 = vector.broadcast %parallel_loop3A_900 : i32 to vector<16xi32>
      %parallel_loop3A_902 = arith.shrsi %parallel_loop3A_899, %parallel_loop3A_901 : vector<16xi32>
      %parallel_loop3A_903 = tpu.vector_load_idx %arg8[%parallel_loop3A_902] : memref<25000xi32, #tpu.memory_space<vmem>>[vector<16xi32>], vector<16xi32>,
      %parallel_loop3A_904 = arith.constant 3 : i32
      %parallel_loop3A_905 = vector.broadcast %parallel_loop3A_904 : i32 to vector<16xi32>
      %parallel_loop3A_906 = arith.andi %parallel_loop3A_899, %parallel_loop3A_905 : vector<16xi32>
      %parallel_loop3A_907 = arith.constant 3 : i32
      %parallel_loop3A_908 = vector.broadcast %parallel_loop3A_907 : i32 to vector<16xi32>
      %parallel_loop3A_909 = arith.shli %parallel_loop3A_906, %parallel_loop3A_908 : vector<16xi32>
      %parallel_loop3A_910 = arith.shrsi %parallel_loop3A_903, %parallel_loop3A_909 : vector<16xi32>
      %parallel_loop3A_911 = arith.constant 63 : i32
      %parallel_loop3A_912 = vector.broadcast %parallel_loop3A_911 : i32 to vector<16xi32>
      %parallel_loop3A_913 = arith.andi %parallel_loop3A_910, %parallel_loop3A_912 : vector<16xi32>
      %parallel_loop3A_914 = arith.addi %mul3A_8, %parallel_loop3A_913 : vector<16xi32>
      %parallel_loop3A_915 = arith.index_cast %parallel_loop3A_897 : i32 to index
      %parallel_loop3A_916 = tpu.vector_load %arg12[%parallel_loop3A_915] {strides = array<i32>} : memref<2000xf32, #tpu.memory_space<vmem>>, vector<16xf32>,
      %parallel_loop3A_917 = arith.index_cast %parallel_loop3A_897 : i32 to index
      %parallel_loop3A_918 = tpu.vector_load %arg14[%parallel_loop3A_917] {strides = array<i32>} : memref<2000xf32, #tpu.memory_space<vmem>>, vector<16xf32>,
      %parallel_loop3A_919 = math.absf %parallel_loop3A_916 : vector<16xf32>
      %parallel_loop3A_920 = arith.constant 0.000000e+00 : f32
      %parallel_loop3A_921 = vector.broadcast %parallel_loop3A_920 : f32 to vector<16xf32>
      %parallel_loop3A_922 = arith.subf %parallel_loop3A_921, %parallel_loop3A_919 : vector<16xf32>
      %parallel_loop3A_923 = math.exp %parallel_loop3A_922 : vector<16xf32>
      %parallel_loop3A_924 = arith.constant 0.000000e+00 : f32
      %parallel_loop3A_925 = vector.broadcast %parallel_loop3A_924 : f32 to vector<16xf32>
      %parallel_loop3A_926 = arith.maximumf %parallel_loop3A_916, %parallel_loop3A_925 : vector<16xf32>
      %parallel_loop3A_927 = arith.mulf %parallel_loop3A_916, %parallel_loop3A_918 : vector<16xf32>
      %parallel_loop3A_928 = arith.subf %parallel_loop3A_926, %parallel_loop3A_927 : vector<16xf32>
      %parallel_loop3A_929 = arith.constant -0.0170296114 : f32
      %parallel_loop3A_930 = vector.broadcast %parallel_loop3A_929 : f32 to vector<16xf32>
      %parallel_loop3A_931 = arith.mulf %parallel_loop3A_930, %parallel_loop3A_923 : vector<16xf32>
      %parallel_loop3A_932 = arith.constant 0.08152318 : f32
      %parallel_loop3A_933 = vector.broadcast %parallel_loop3A_932 : f32 to vector<16xf32>
      %parallel_loop3A_934 = arith.addf %parallel_loop3A_931, %parallel_loop3A_933 : vector<16xf32>
      %parallel_loop3A_935 = arith.mulf %parallel_loop3A_934, %parallel_loop3A_923 : vector<16xf32>
      %parallel_loop3A_936 = arith.constant -0.189019546 : f32
      %parallel_loop3A_937 = vector.broadcast %parallel_loop3A_936 : f32 to vector<16xf32>
      %parallel_loop3A_938 = arith.addf %parallel_loop3A_935, %parallel_loop3A_937 : vector<16xf32>
      %parallel_loop3A_939 = arith.mulf %parallel_loop3A_938, %parallel_loop3A_923 : vector<16xf32>
      %parallel_loop3A_940 = arith.constant 0.315041274 : f32
      %parallel_loop3A_941 = vector.broadcast %parallel_loop3A_940 : f32 to vector<16xf32>
      %parallel_loop3A_942 = arith.addf %parallel_loop3A_939, %parallel_loop3A_941 : vector<16xf32>
      %parallel_loop3A_943 = arith.mulf %parallel_loop3A_942, %parallel_loop3A_923 : vector<16xf32>
      %parallel_loop3A_944 = arith.constant -0.49720332 : f32
      %parallel_loop3A_945 = vector.broadcast %parallel_loop3A_944 : f32 to vector<16xf32>
      %parallel_loop3A_946 = arith.addf %parallel_loop3A_943, %parallel_loop3A_945 : vector<16xf32>
      %parallel_loop3A_947 = arith.mulf %parallel_loop3A_946, %parallel_loop3A_923 : vector<16xf32>
      %parallel_loop3A_948 = arith.constant 0.99983257 : f32
      %parallel_loop3A_949 = vector.broadcast %parallel_loop3A_948 : f32 to vector<16xf32>
      %parallel_loop3A_950 = arith.addf %parallel_loop3A_947, %parallel_loop3A_949 : vector<16xf32>
      %parallel_loop3A_951 = arith.mulf %parallel_loop3A_950, %parallel_loop3A_923 : vector<16xf32>
      %parallel_loop3A_952 = arith.constant 1.69366263E-6 : f32
      %parallel_loop3A_953 = vector.broadcast %parallel_loop3A_952 : f32 to vector<16xf32>
      %parallel_loop3A_954 = arith.addf %parallel_loop3A_951, %parallel_loop3A_953 : vector<16xf32>
      %parallel_loop3A_955 = arith.addf %parallel_loop3A_928, %parallel_loop3A_954 : vector<16xf32>
      tpu.vector_store_idx %arg15[%parallel_loop3A_914], %parallel_loop3A_955 {add = true} : memref<1024xf32, #tpu.memory_space<vmem>>[vector<16xi32>], vector<16xf32>,
      tpu.vector_store_idx %arg16[%parallel_loop3A_914], %broadcast_in_dim3A_5 {add = true} : memref<1024xf32, #tpu.memory_space<vmem>>[vector<16xi32>], vector<16xf32>,
    } {sc.loop_unroll_factor = 5 : i64, sc.parallel_access}
    %get3A = arith.constant 0 : index
    %get3A_53 = tpu.vector_load %arg15[%get3A] {strides = array<i32>} : memref<1024xf32, #tpu.memory_space<vmem>>, vector<16xf32>,
    %get3A_54 = arith.constant 512 : index
    %get3A_55 = tpu.vector_load %arg15[%get3A_54] {strides = array<i32>} : memref<1024xf32, #tpu.memory_space<vmem>>, vector<16xf32>,
    %add3A_56 = arith.addf %get3A_53, %get3A_55 : vector<16xf32>
    %swap3A = arith.constant 0 : index
    %swap3A_57 = tpu.vector_load %arg15[%swap3A] {strides = array<i32>} : memref<1024xf32, #tpu.memory_space<vmem>>, vector<16xf32>,
    tpu.vector_store %arg15[%swap3A], %add3A_56 {strides = array<i32>} : memref<1024xf32, #tpu.memory_space<vmem>>, vector<16xf32>,
    %get3A_58 = arith.constant 0 : index
    %get3A_59 = tpu.vector_load %arg16[%get3A_58] {strides = array<i32>} : memref<1024xf32, #tpu.memory_space<vmem>>, vector<16xf32>,
    %get3A_60 = arith.constant 512 : index
    %get3A_61 = tpu.vector_load %arg16[%get3A_60] {strides = array<i32>} : memref<1024xf32, #tpu.memory_space<vmem>>, vector<16xf32>,
    %add3A_62 = arith.addf %get3A_59, %get3A_61 : vector<16xf32>
    %swap3A_63 = arith.constant 0 : index
    %swap3A_64 = tpu.vector_load %arg16[%swap3A_63] {strides = array<i32>} : memref<1024xf32, #tpu.memory_space<vmem>>, vector<16xf32>,
    tpu.vector_store %arg16[%swap3A_63], %add3A_62 {strides = array<i32>} : memref<1024xf32, #tpu.memory_space<vmem>>, vector<16xf32>,
    %get3A_65 = arith.constant 16 : index
    %get3A_66 = tpu.vector_load %arg15[%get3A_65] {strides = array<i32>} : memref<1024xf32, #tpu.memory_space<vmem>>, vector<16xf32>,
    %get3A_67 = arith.constant 528 : index
    %get3A_68 = tpu.vector_load %arg15[%get3A_67] {strides = array<i32>} : memref<1024xf32, #tpu.memory_space<vmem>>, vector<16xf32>,
    %add3A_69 = arith.addf %get3A_66, %get3A_68 : vector<16xf32>
    %swap3A_70 = arith.constant 16 : index
    %swap3A_71 = tpu.vector_load %arg15[%swap3A_70] {strides = array<i32>} : memref<1024xf32, #tpu.memory_space<vmem>>, vector<16xf32>,
    tpu.vector_store %arg15[%swap3A_70], %add3A_69 {strides = array<i32>} : memref<1024xf32, #tpu.memory_space<vmem>>, vector<16xf32>,
    %get3A_72 = arith.constant 16 : index
    %get3A_73 = tpu.vector_load %arg16[%get3A_72] {strides = array<i32>} : memref<1024xf32, #tpu.memory_space<vmem>>, vector<16xf32>,
    %get3A_74 = arith.constant 528 : index
    %get3A_75 = tpu.vector_load %arg16[%get3A_74] {strides = array<i32>} : memref<1024xf32, #tpu.memory_space<vmem>>, vector<16xf32>,
    %add3A_76 = arith.addf %get3A_73, %get3A_75 : vector<16xf32>
    %swap3A_77 = arith.constant 16 : index
    %swap3A_78 = tpu.vector_load %arg16[%swap3A_77] {strides = array<i32>} : memref<1024xf32, #tpu.memory_space<vmem>>, vector<16xf32>,
    tpu.vector_store %arg16[%swap3A_77], %add3A_76 {strides = array<i32>} : memref<1024xf32, #tpu.memory_space<vmem>>, vector<16xf32>,
    %get3A_79 = arith.constant 32 : index
    %get3A_80 = tpu.vector_load %arg15[%get3A_79] {strides = array<i32>} : memref<1024xf32, #tpu.memory_space<vmem>>, vector<16xf32>,
    %get3A_81 = arith.constant 544 : index
    %get3A_82 = tpu.vector_load %arg15[%get3A_81] {strides = array<i32>} : memref<1024xf32, #tpu.memory_space<vmem>>, vector<16xf32>,
    %add3A_83 = arith.addf %get3A_80, %get3A_82 : vector<16xf32>
    %swap3A_84 = arith.constant 32 : index
    %swap3A_85 = tpu.vector_load %arg15[%swap3A_84] {strides = array<i32>} : memref<1024xf32, #tpu.memory_space<vmem>>, vector<16xf32>,
    tpu.vector_store %arg15[%swap3A_84], %add3A_83 {strides = array<i32>} : memref<1024xf32, #tpu.memory_space<vmem>>, vector<16xf32>,
    %get3A_86 = arith.constant 32 : index
    %get3A_87 = tpu.vector_load %arg16[%get3A_86] {strides = array<i32>} : memref<1024xf32, #tpu.memory_space<vmem>>, vector<16xf32>,
    %get3A_88 = arith.constant 544 : index
    %get3A_89 = tpu.vector_load %arg16[%get3A_88] {strides = array<i32>} : memref<1024xf32, #tpu.memory_space<vmem>>, vector<16xf32>,
    %add3A_90 = arith.addf %get3A_87, %get3A_89 : vector<16xf32>
    %swap3A_91 = arith.constant 32 : index
    %swap3A_92 = tpu.vector_load %arg16[%swap3A_91] {strides = array<i32>} : memref<1024xf32, #tpu.memory_space<vmem>>, vector<16xf32>,
    tpu.vector_store %arg16[%swap3A_91], %add3A_90 {strides = array<i32>} : memref<1024xf32, #tpu.memory_space<vmem>>, vector<16xf32>,
    %get3A_93 = arith.constant 48 : index
    %get3A_94 = tpu.vector_load %arg15[%get3A_93] {strides = array<i32>} : memref<1024xf32, #tpu.memory_space<vmem>>, vector<16xf32>,
    %get3A_95 = arith.constant 560 : index
    %get3A_96 = tpu.vector_load %arg15[%get3A_95] {strides = array<i32>} : memref<1024xf32, #tpu.memory_space<vmem>>, vector<16xf32>,
    %add3A_97 = arith.addf %get3A_94, %get3A_96 : vector<16xf32>
    %swap3A_98 = arith.constant 48 : index
    %swap3A_99 = tpu.vector_load %arg15[%swap3A_98] {strides = array<i32>} : memref<1024xf32, #tpu.memory_space<vmem>>, vector<16xf32>,
    tpu.vector_store %arg15[%swap3A_98], %add3A_97 {strides = array<i32>} : memref<1024xf32, #tpu.memory_space<vmem>>, vector<16xf32>,
    %get3A_100 = arith.constant 48 : index
    %get3A_101 = tpu.vector_load %arg16[%get3A_100] {strides = array<i32>} : memref<1024xf32, #tpu.memory_space<vmem>>, vector<16xf32>,
    %get3A_102 = arith.constant 560 : index
    %get3A_103 = tpu.vector_load %arg16[%get3A_102] {strides = array<i32>} : memref<1024xf32, #tpu.memory_space<vmem>>, vector<16xf32>,
    %add3A_104 = arith.addf %get3A_101, %get3A_103 : vector<16xf32>
    %swap3A_105 = arith.constant 48 : index
    %swap3A_106 = tpu.vector_load %arg16[%swap3A_105] {strides = array<i32>} : memref<1024xf32, #tpu.memory_space<vmem>>, vector<16xf32>,
    tpu.vector_store %arg16[%swap3A_105], %add3A_104 {strides = array<i32>} : memref<1024xf32, #tpu.memory_space<vmem>>, vector<16xf32>,
    %get3A_107 = arith.constant 64 : index
    %get3A_108 = tpu.vector_load %arg15[%get3A_107] {strides = array<i32>} : memref<1024xf32, #tpu.memory_space<vmem>>, vector<16xf32>,
    %get3A_109 = arith.constant 576 : index
    %get3A_110 = tpu.vector_load %arg15[%get3A_109] {strides = array<i32>} : memref<1024xf32, #tpu.memory_space<vmem>>, vector<16xf32>,
    %add3A_111 = arith.addf %get3A_108, %get3A_110 : vector<16xf32>
    %swap3A_112 = arith.constant 64 : index
    %swap3A_113 = tpu.vector_load %arg15[%swap3A_112] {strides = array<i32>} : memref<1024xf32, #tpu.memory_space<vmem>>, vector<16xf32>,
    tpu.vector_store %arg15[%swap3A_112], %add3A_111 {strides = array<i32>} : memref<1024xf32, #tpu.memory_space<vmem>>, vector<16xf32>,
    %get3A_114 = arith.constant 64 : index
    %get3A_115 = tpu.vector_load %arg16[%get3A_114] {strides = array<i32>} : memref<1024xf32, #tpu.memory_space<vmem>>, vector<16xf32>,
    %get3A_116 = arith.constant 576 : index
    %get3A_117 = tpu.vector_load %arg16[%get3A_116] {strides = array<i32>} : memref<1024xf32, #tpu.memory_space<vmem>>, vector<16xf32>,
    %add3A_118 = arith.addf %get3A_115, %get3A_117 : vector<16xf32>
    %swap3A_119 = arith.constant 64 : index
    %swap3A_120 = tpu.vector_load %arg16[%swap3A_119] {strides = array<i32>} : memref<1024xf32, #tpu.memory_space<vmem>>, vector<16xf32>,
    tpu.vector_store %arg16[%swap3A_119], %add3A_118 {strides = array<i32>} : memref<1024xf32, #tpu.memory_space<vmem>>, vector<16xf32>,
    %get3A_121 = arith.constant 80 : index
    %get3A_122 = tpu.vector_load %arg15[%get3A_121] {strides = array<i32>} : memref<1024xf32, #tpu.memory_space<vmem>>, vector<16xf32>,
    %get3A_123 = arith.constant 592 : index
    %get3A_124 = tpu.vector_load %arg15[%get3A_123] {strides = array<i32>} : memref<1024xf32, #tpu.memory_space<vmem>>, vector<16xf32>,
    %add3A_125 = arith.addf %get3A_122, %get3A_124 : vector<16xf32>
    %swap3A_126 = arith.constant 80 : index
    %swap3A_127 = tpu.vector_load %arg15[%swap3A_126] {strides = array<i32>} : memref<1024xf32, #tpu.memory_space<vmem>>, vector<16xf32>,
    tpu.vector_store %arg15[%swap3A_126], %add3A_125 {strides = array<i32>} : memref<1024xf32, #tpu.memory_space<vmem>>, vector<16xf32>,
    %get3A_128 = arith.constant 80 : index
    %get3A_129 = tpu.vector_load %arg16[%get3A_128] {strides = array<i32>} : memref<1024xf32, #tpu.memory_space<vmem>>, vector<16xf32>,
    %get3A_130 = arith.constant 592 : index
    %get3A_131 = tpu.vector_load %arg16[%get3A_130] {strides = array<i32>} : memref<1024xf32, #tpu.memory_space<vmem>>, vector<16xf32>,
    %add3A_132 = arith.addf %get3A_129, %get3A_131 : vector<16xf32>
    %swap3A_133 = arith.constant 80 : index
    %swap3A_134 = tpu.vector_load %arg16[%swap3A_133] {strides = array<i32>} : memref<1024xf32, #tpu.memory_space<vmem>>, vector<16xf32>,
    tpu.vector_store %arg16[%swap3A_133], %add3A_132 {strides = array<i32>} : memref<1024xf32, #tpu.memory_space<vmem>>, vector<16xf32>,
    %get3A_135 = arith.constant 96 : index
    %get3A_136 = tpu.vector_load %arg15[%get3A_135] {strides = array<i32>} : memref<1024xf32, #tpu.memory_space<vmem>>, vector<16xf32>,
    %get3A_137 = arith.constant 608 : index
    %get3A_138 = tpu.vector_load %arg15[%get3A_137] {strides = array<i32>} : memref<1024xf32, #tpu.memory_space<vmem>>, vector<16xf32>,
    %add3A_139 = arith.addf %get3A_136, %get3A_138 : vector<16xf32>
    %swap3A_140 = arith.constant 96 : index
    %swap3A_141 = tpu.vector_load %arg15[%swap3A_140] {strides = array<i32>} : memref<1024xf32, #tpu.memory_space<vmem>>, vector<16xf32>,
    tpu.vector_store %arg15[%swap3A_140], %add3A_139 {strides = array<i32>} : memref<1024xf32, #tpu.memory_space<vmem>>, vector<16xf32>,
    %get3A_142 = arith.constant 96 : index
    %get3A_143 = tpu.vector_load %arg16[%get3A_142] {strides = array<i32>} : memref<1024xf32, #tpu.memory_space<vmem>>, vector<16xf32>,
    %get3A_144 = arith.constant 608 : index
    %get3A_145 = tpu.vector_load %arg16[%get3A_144] {strides = array<i32>} : memref<1024xf32, #tpu.memory_space<vmem>>, vector<16xf32>,
    %add3A_146 = arith.addf %get3A_143, %get3A_145 : vector<16xf32>
    %swap3A_147 = arith.constant 96 : index
    %swap3A_148 = tpu.vector_load %arg16[%swap3A_147] {strides = array<i32>} : memref<1024xf32, #tpu.memory_space<vmem>>, vector<16xf32>,
    tpu.vector_store %arg16[%swap3A_147], %add3A_146 {strides = array<i32>} : memref<1024xf32, #tpu.memory_space<vmem>>, vector<16xf32>,
    %get3A_149 = arith.constant 112 : index
    %get3A_150 = tpu.vector_load %arg15[%get3A_149] {strides = array<i32>} : memref<1024xf32, #tpu.memory_space<vmem>>, vector<16xf32>,
    %get3A_151 = arith.constant 624 : index
    %get3A_152 = tpu.vector_load %arg15[%get3A_151] {strides = array<i32>} : memref<1024xf32, #tpu.memory_space<vmem>>, vector<16xf32>,
    %add3A_153 = arith.addf %get3A_150, %get3A_152 : vector<16xf32>
    %swap3A_154 = arith.constant 112 : index
    %swap3A_155 = tpu.vector_load %arg15[%swap3A_154] {strides = array<i32>} : memref<1024xf32, #tpu.memory_space<vmem>>, vector<16xf32>,
    tpu.vector_store %arg15[%swap3A_154], %add3A_153 {strides = array<i32>} : memref<1024xf32, #tpu.memory_space<vmem>>, vector<16xf32>,
    %get3A_156 = arith.constant 112 : index
    %get3A_157 = tpu.vector_load %arg16[%get3A_156] {strides = array<i32>} : memref<1024xf32, #tpu.memory_space<vmem>>, vector<16xf32>,
    %get3A_158 = arith.constant 624 : index
    %get3A_159 = tpu.vector_load %arg16[%get3A_158] {strides = array<i32>} : memref<1024xf32, #tpu.memory_space<vmem>>, vector<16xf32>,
    %add3A_160 = arith.addf %get3A_157, %get3A_159 : vector<16xf32>
    %swap3A_161 = arith.constant 112 : index
    %swap3A_162 = tpu.vector_load %arg16[%swap3A_161] {strides = array<i32>} : memref<1024xf32, #tpu.memory_space<vmem>>, vector<16xf32>,
    tpu.vector_store %arg16[%swap3A_161], %add3A_160 {strides = array<i32>} : memref<1024xf32, #tpu.memory_space<vmem>>, vector<16xf32>,
    %get3A_163 = arith.constant 128 : index
    %get3A_164 = tpu.vector_load %arg15[%get3A_163] {strides = array<i32>} : memref<1024xf32, #tpu.memory_space<vmem>>, vector<16xf32>,
    %get3A_165 = arith.constant 640 : index
    %get3A_166 = tpu.vector_load %arg15[%get3A_165] {strides = array<i32>} : memref<1024xf32, #tpu.memory_space<vmem>>, vector<16xf32>,
    %add3A_167 = arith.addf %get3A_164, %get3A_166 : vector<16xf32>
    %swap3A_168 = arith.constant 128 : index
    %swap3A_169 = tpu.vector_load %arg15[%swap3A_168] {strides = array<i32>} : memref<1024xf32, #tpu.memory_space<vmem>>, vector<16xf32>,
    tpu.vector_store %arg15[%swap3A_168], %add3A_167 {strides = array<i32>} : memref<1024xf32, #tpu.memory_space<vmem>>, vector<16xf32>,
    %get3A_170 = arith.constant 128 : index
    %get3A_171 = tpu.vector_load %arg16[%get3A_170] {strides = array<i32>} : memref<1024xf32, #tpu.memory_space<vmem>>, vector<16xf32>,
    %get3A_172 = arith.constant 640 : index
    %get3A_173 = tpu.vector_load %arg16[%get3A_172] {strides = array<i32>} : memref<1024xf32, #tpu.memory_space<vmem>>, vector<16xf32>,
    %add3A_174 = arith.addf %get3A_171, %get3A_173 : vector<16xf32>
    %swap3A_175 = arith.constant 128 : index
    %swap3A_176 = tpu.vector_load %arg16[%swap3A_175] {strides = array<i32>} : memref<1024xf32, #tpu.memory_space<vmem>>, vector<16xf32>,
    tpu.vector_store %arg16[%swap3A_175], %add3A_174 {strides = array<i32>} : memref<1024xf32, #tpu.memory_space<vmem>>, vector<16xf32>,
    %get3A_177 = arith.constant 144 : index
    %get3A_178 = tpu.vector_load %arg15[%get3A_177] {strides = array<i32>} : memref<1024xf32, #tpu.memory_space<vmem>>, vector<16xf32>,
    %get3A_179 = arith.constant 656 : index
    %get3A_180 = tpu.vector_load %arg15[%get3A_179] {strides = array<i32>} : memref<1024xf32, #tpu.memory_space<vmem>>, vector<16xf32>,
    %add3A_181 = arith.addf %get3A_178, %get3A_180 : vector<16xf32>
    %swap3A_182 = arith.constant 144 : index
    %swap3A_183 = tpu.vector_load %arg15[%swap3A_182] {strides = array<i32>} : memref<1024xf32, #tpu.memory_space<vmem>>, vector<16xf32>,
    tpu.vector_store %arg15[%swap3A_182], %add3A_181 {strides = array<i32>} : memref<1024xf32, #tpu.memory_space<vmem>>, vector<16xf32>,
    %get3A_184 = arith.constant 144 : index
    %get3A_185 = tpu.vector_load %arg16[%get3A_184] {strides = array<i32>} : memref<1024xf32, #tpu.memory_space<vmem>>, vector<16xf32>,
    %get3A_186 = arith.constant 656 : index
    %get3A_187 = tpu.vector_load %arg16[%get3A_186] {strides = array<i32>} : memref<1024xf32, #tpu.memory_space<vmem>>, vector<16xf32>,
    %add3A_188 = arith.addf %get3A_185, %get3A_187 : vector<16xf32>
    %swap3A_189 = arith.constant 144 : index
    %swap3A_190 = tpu.vector_load %arg16[%swap3A_189] {strides = array<i32>} : memref<1024xf32, #tpu.memory_space<vmem>>, vector<16xf32>,
    tpu.vector_store %arg16[%swap3A_189], %add3A_188 {strides = array<i32>} : memref<1024xf32, #tpu.memory_space<vmem>>, vector<16xf32>,
    %get3A_191 = arith.constant 160 : index
    %get3A_192 = tpu.vector_load %arg15[%get3A_191] {strides = array<i32>} : memref<1024xf32, #tpu.memory_space<vmem>>, vector<16xf32>,
    %get3A_193 = arith.constant 672 : index
    %get3A_194 = tpu.vector_load %arg15[%get3A_193] {strides = array<i32>} : memref<1024xf32, #tpu.memory_space<vmem>>, vector<16xf32>,
    %add3A_195 = arith.addf %get3A_192, %get3A_194 : vector<16xf32>
    %swap3A_196 = arith.constant 160 : index
    %swap3A_197 = tpu.vector_load %arg15[%swap3A_196] {strides = array<i32>} : memref<1024xf32, #tpu.memory_space<vmem>>, vector<16xf32>,
    tpu.vector_store %arg15[%swap3A_196], %add3A_195 {strides = array<i32>} : memref<1024xf32, #tpu.memory_space<vmem>>, vector<16xf32>,
    %get3A_198 = arith.constant 160 : index
    %get3A_199 = tpu.vector_load %arg16[%get3A_198] {strides = array<i32>} : memref<1024xf32, #tpu.memory_space<vmem>>, vector<16xf32>,
    %get3A_200 = arith.constant 672 : index
    %get3A_201 = tpu.vector_load %arg16[%get3A_200] {strides = array<i32>} : memref<1024xf32, #tpu.memory_space<vmem>>, vector<16xf32>,
    %add3A_202 = arith.addf %get3A_199, %get3A_201 : vector<16xf32>
    %swap3A_203 = arith.constant 160 : index
    %swap3A_204 = tpu.vector_load %arg16[%swap3A_203] {strides = array<i32>} : memref<1024xf32, #tpu.memory_space<vmem>>, vector<16xf32>,
    tpu.vector_store %arg16[%swap3A_203], %add3A_202 {strides = array<i32>} : memref<1024xf32, #tpu.memory_space<vmem>>, vector<16xf32>,
    %get3A_205 = arith.constant 176 : index
    %get3A_206 = tpu.vector_load %arg15[%get3A_205] {strides = array<i32>} : memref<1024xf32, #tpu.memory_space<vmem>>, vector<16xf32>,
    %get3A_207 = arith.constant 688 : index
    %get3A_208 = tpu.vector_load %arg15[%get3A_207] {strides = array<i32>} : memref<1024xf32, #tpu.memory_space<vmem>>, vector<16xf32>,
    %add3A_209 = arith.addf %get3A_206, %get3A_208 : vector<16xf32>
    %swap3A_210 = arith.constant 176 : index
    %swap3A_211 = tpu.vector_load %arg15[%swap3A_210] {strides = array<i32>} : memref<1024xf32, #tpu.memory_space<vmem>>, vector<16xf32>,
    tpu.vector_store %arg15[%swap3A_210], %add3A_209 {strides = array<i32>} : memref<1024xf32, #tpu.memory_space<vmem>>, vector<16xf32>,
    %get3A_212 = arith.constant 176 : index
    %get3A_213 = tpu.vector_load %arg16[%get3A_212] {strides = array<i32>} : memref<1024xf32, #tpu.memory_space<vmem>>, vector<16xf32>,
    %get3A_214 = arith.constant 688 : index
    %get3A_215 = tpu.vector_load %arg16[%get3A_214] {strides = array<i32>} : memref<1024xf32, #tpu.memory_space<vmem>>, vector<16xf32>,
    %add3A_216 = arith.addf %get3A_213, %get3A_215 : vector<16xf32>
    %swap3A_217 = arith.constant 176 : index
    %swap3A_218 = tpu.vector_load %arg16[%swap3A_217] {strides = array<i32>} : memref<1024xf32, #tpu.memory_space<vmem>>, vector<16xf32>,
    tpu.vector_store %arg16[%swap3A_217], %add3A_216 {strides = array<i32>} : memref<1024xf32, #tpu.memory_space<vmem>>, vector<16xf32>,
    %get3A_219 = arith.constant 192 : index
    %get3A_220 = tpu.vector_load %arg15[%get3A_219] {strides = array<i32>} : memref<1024xf32, #tpu.memory_space<vmem>>, vector<16xf32>,
    %get3A_221 = arith.constant 704 : index
    %get3A_222 = tpu.vector_load %arg15[%get3A_221] {strides = array<i32>} : memref<1024xf32, #tpu.memory_space<vmem>>, vector<16xf32>,
    %add3A_223 = arith.addf %get3A_220, %get3A_222 : vector<16xf32>
    %swap3A_224 = arith.constant 192 : index
    %swap3A_225 = tpu.vector_load %arg15[%swap3A_224] {strides = array<i32>} : memref<1024xf32, #tpu.memory_space<vmem>>, vector<16xf32>,
    tpu.vector_store %arg15[%swap3A_224], %add3A_223 {strides = array<i32>} : memref<1024xf32, #tpu.memory_space<vmem>>, vector<16xf32>,
    %get3A_226 = arith.constant 192 : index
    %get3A_227 = tpu.vector_load %arg16[%get3A_226] {strides = array<i32>} : memref<1024xf32, #tpu.memory_space<vmem>>, vector<16xf32>,
    %get3A_228 = arith.constant 704 : index
    %get3A_229 = tpu.vector_load %arg16[%get3A_228] {strides = array<i32>} : memref<1024xf32, #tpu.memory_space<vmem>>, vector<16xf32>,
    %add3A_230 = arith.addf %get3A_227, %get3A_229 : vector<16xf32>
    %swap3A_231 = arith.constant 192 : index
    %swap3A_232 = tpu.vector_load %arg16[%swap3A_231] {strides = array<i32>} : memref<1024xf32, #tpu.memory_space<vmem>>, vector<16xf32>,
    tpu.vector_store %arg16[%swap3A_231], %add3A_230 {strides = array<i32>} : memref<1024xf32, #tpu.memory_space<vmem>>, vector<16xf32>,
    %get3A_233 = arith.constant 208 : index
    %get3A_234 = tpu.vector_load %arg15[%get3A_233] {strides = array<i32>} : memref<1024xf32, #tpu.memory_space<vmem>>, vector<16xf32>,
    %get3A_235 = arith.constant 720 : index
    %get3A_236 = tpu.vector_load %arg15[%get3A_235] {strides = array<i32>} : memref<1024xf32, #tpu.memory_space<vmem>>, vector<16xf32>,
    %add3A_237 = arith.addf %get3A_234, %get3A_236 : vector<16xf32>
    %swap3A_238 = arith.constant 208 : index
    %swap3A_239 = tpu.vector_load %arg15[%swap3A_238] {strides = array<i32>} : memref<1024xf32, #tpu.memory_space<vmem>>, vector<16xf32>,
    tpu.vector_store %arg15[%swap3A_238], %add3A_237 {strides = array<i32>} : memref<1024xf32, #tpu.memory_space<vmem>>, vector<16xf32>,
    %get3A_240 = arith.constant 208 : index
    %get3A_241 = tpu.vector_load %arg16[%get3A_240] {strides = array<i32>} : memref<1024xf32, #tpu.memory_space<vmem>>, vector<16xf32>,
    %get3A_242 = arith.constant 720 : index
    %get3A_243 = tpu.vector_load %arg16[%get3A_242] {strides = array<i32>} : memref<1024xf32, #tpu.memory_space<vmem>>, vector<16xf32>,
    %add3A_244 = arith.addf %get3A_241, %get3A_243 : vector<16xf32>
    %swap3A_245 = arith.constant 208 : index
    %swap3A_246 = tpu.vector_load %arg16[%swap3A_245] {strides = array<i32>} : memref<1024xf32, #tpu.memory_space<vmem>>, vector<16xf32>,
    tpu.vector_store %arg16[%swap3A_245], %add3A_244 {strides = array<i32>} : memref<1024xf32, #tpu.memory_space<vmem>>, vector<16xf32>,
    %get3A_247 = arith.constant 224 : index
    %get3A_248 = tpu.vector_load %arg15[%get3A_247] {strides = array<i32>} : memref<1024xf32, #tpu.memory_space<vmem>>, vector<16xf32>,
    %get3A_249 = arith.constant 736 : index
    %get3A_250 = tpu.vector_load %arg15[%get3A_249] {strides = array<i32>} : memref<1024xf32, #tpu.memory_space<vmem>>, vector<16xf32>,
    %add3A_251 = arith.addf %get3A_248, %get3A_250 : vector<16xf32>
    %swap3A_252 = arith.constant 224 : index
    %swap3A_253 = tpu.vector_load %arg15[%swap3A_252] {strides = array<i32>} : memref<1024xf32, #tpu.memory_space<vmem>>, vector<16xf32>,
    tpu.vector_store %arg15[%swap3A_252], %add3A_251 {strides = array<i32>} : memref<1024xf32, #tpu.memory_space<vmem>>, vector<16xf32>,
    %get3A_254 = arith.constant 224 : index
    %get3A_255 = tpu.vector_load %arg16[%get3A_254] {strides = array<i32>} : memref<1024xf32, #tpu.memory_space<vmem>>, vector<16xf32>,
    %get3A_256 = arith.constant 736 : index
    %get3A_257 = tpu.vector_load %arg16[%get3A_256] {strides = array<i32>} : memref<1024xf32, #tpu.memory_space<vmem>>, vector<16xf32>,
    %add3A_258 = arith.addf %get3A_255, %get3A_257 : vector<16xf32>
    %swap3A_259 = arith.constant 224 : index
    %swap3A_260 = tpu.vector_load %arg16[%swap3A_259] {strides = array<i32>} : memref<1024xf32, #tpu.memory_space<vmem>>, vector<16xf32>,
    tpu.vector_store %arg16[%swap3A_259], %add3A_258 {strides = array<i32>} : memref<1024xf32, #tpu.memory_space<vmem>>, vector<16xf32>,
    %get3A_261 = arith.constant 240 : index
    %get3A_262 = tpu.vector_load %arg15[%get3A_261] {strides = array<i32>} : memref<1024xf32, #tpu.memory_space<vmem>>, vector<16xf32>,
    %get3A_263 = arith.constant 752 : index
    %get3A_264 = tpu.vector_load %arg15[%get3A_263] {strides = array<i32>} : memref<1024xf32, #tpu.memory_space<vmem>>, vector<16xf32>,
    %add3A_265 = arith.addf %get3A_262, %get3A_264 : vector<16xf32>
    %swap3A_266 = arith.constant 240 : index
    %swap3A_267 = tpu.vector_load %arg15[%swap3A_266] {strides = array<i32>} : memref<1024xf32, #tpu.memory_space<vmem>>, vector<16xf32>,
    tpu.vector_store %arg15[%swap3A_266], %add3A_265 {strides = array<i32>} : memref<1024xf32, #tpu.memory_space<vmem>>, vector<16xf32>,
    %get3A_268 = arith.constant 240 : index
    %get3A_269 = tpu.vector_load %arg16[%get3A_268] {strides = array<i32>} : memref<1024xf32, #tpu.memory_space<vmem>>, vector<16xf32>,
    %get3A_270 = arith.constant 752 : index
    %get3A_271 = tpu.vector_load %arg16[%get3A_270] {strides = array<i32>} : memref<1024xf32, #tpu.memory_space<vmem>>, vector<16xf32>,
    %add3A_272 = arith.addf %get3A_269, %get3A_271 : vector<16xf32>
    %swap3A_273 = arith.constant 240 : index
    %swap3A_274 = tpu.vector_load %arg16[%swap3A_273] {strides = array<i32>} : memref<1024xf32, #tpu.memory_space<vmem>>, vector<16xf32>,
    tpu.vector_store %arg16[%swap3A_273], %add3A_272 {strides = array<i32>} : memref<1024xf32, #tpu.memory_space<vmem>>, vector<16xf32>,
    %get3A_275 = arith.constant 256 : index
    %get3A_276 = tpu.vector_load %arg15[%get3A_275] {strides = array<i32>} : memref<1024xf32, #tpu.memory_space<vmem>>, vector<16xf32>,
    %get3A_277 = arith.constant 768 : index
    %get3A_278 = tpu.vector_load %arg15[%get3A_277] {strides = array<i32>} : memref<1024xf32, #tpu.memory_space<vmem>>, vector<16xf32>,
    %add3A_279 = arith.addf %get3A_276, %get3A_278 : vector<16xf32>
    %swap3A_280 = arith.constant 256 : index
    %swap3A_281 = tpu.vector_load %arg15[%swap3A_280] {strides = array<i32>} : memref<1024xf32, #tpu.memory_space<vmem>>, vector<16xf32>,
    tpu.vector_store %arg15[%swap3A_280], %add3A_279 {strides = array<i32>} : memref<1024xf32, #tpu.memory_space<vmem>>, vector<16xf32>,
    %get3A_282 = arith.constant 256 : index
    %get3A_283 = tpu.vector_load %arg16[%get3A_282] {strides = array<i32>} : memref<1024xf32, #tpu.memory_space<vmem>>, vector<16xf32>,
    %get3A_284 = arith.constant 768 : index
    %get3A_285 = tpu.vector_load %arg16[%get3A_284] {strides = array<i32>} : memref<1024xf32, #tpu.memory_space<vmem>>, vector<16xf32>,
    %add3A_286 = arith.addf %get3A_283, %get3A_285 : vector<16xf32>
    %swap3A_287 = arith.constant 256 : index
    %swap3A_288 = tpu.vector_load %arg16[%swap3A_287] {strides = array<i32>} : memref<1024xf32, #tpu.memory_space<vmem>>, vector<16xf32>,
    tpu.vector_store %arg16[%swap3A_287], %add3A_286 {strides = array<i32>} : memref<1024xf32, #tpu.memory_space<vmem>>, vector<16xf32>,
    %get3A_289 = arith.constant 272 : index
    %get3A_290 = tpu.vector_load %arg15[%get3A_289] {strides = array<i32>} : memref<1024xf32, #tpu.memory_space<vmem>>, vector<16xf32>,
    %get3A_291 = arith.constant 784 : index
    %get3A_292 = tpu.vector_load %arg15[%get3A_291] {strides = array<i32>} : memref<1024xf32, #tpu.memory_space<vmem>>, vector<16xf32>,
    %add3A_293 = arith.addf %get3A_290, %get3A_292 : vector<16xf32>
    %swap3A_294 = arith.constant 272 : index
    %swap3A_295 = tpu.vector_load %arg15[%swap3A_294] {strides = array<i32>} : memref<1024xf32, #tpu.memory_space<vmem>>, vector<16xf32>,
    tpu.vector_store %arg15[%swap3A_294], %add3A_293 {strides = array<i32>} : memref<1024xf32, #tpu.memory_space<vmem>>, vector<16xf32>,
    %get3A_296 = arith.constant 272 : index
    %get3A_297 = tpu.vector_load %arg16[%get3A_296] {strides = array<i32>} : memref<1024xf32, #tpu.memory_space<vmem>>, vector<16xf32>,
    %get3A_298 = arith.constant 784 : index
    %get3A_299 = tpu.vector_load %arg16[%get3A_298] {strides = array<i32>} : memref<1024xf32, #tpu.memory_space<vmem>>, vector<16xf32>,
    %add3A_300 = arith.addf %get3A_297, %get3A_299 : vector<16xf32>
    %swap3A_301 = arith.constant 272 : index
    %swap3A_302 = tpu.vector_load %arg16[%swap3A_301] {strides = array<i32>} : memref<1024xf32, #tpu.memory_space<vmem>>, vector<16xf32>,
    tpu.vector_store %arg16[%swap3A_301], %add3A_300 {strides = array<i32>} : memref<1024xf32, #tpu.memory_space<vmem>>, vector<16xf32>,
    %get3A_303 = arith.constant 288 : index
    %get3A_304 = tpu.vector_load %arg15[%get3A_303] {strides = array<i32>} : memref<1024xf32, #tpu.memory_space<vmem>>, vector<16xf32>,
    %get3A_305 = arith.constant 800 : index
    %get3A_306 = tpu.vector_load %arg15[%get3A_305] {strides = array<i32>} : memref<1024xf32, #tpu.memory_space<vmem>>, vector<16xf32>,
    %add3A_307 = arith.addf %get3A_304, %get3A_306 : vector<16xf32>
    %swap3A_308 = arith.constant 288 : index
    %swap3A_309 = tpu.vector_load %arg15[%swap3A_308] {strides = array<i32>} : memref<1024xf32, #tpu.memory_space<vmem>>, vector<16xf32>,
    tpu.vector_store %arg15[%swap3A_308], %add3A_307 {strides = array<i32>} : memref<1024xf32, #tpu.memory_space<vmem>>, vector<16xf32>,
    %get3A_310 = arith.constant 288 : index
    %get3A_311 = tpu.vector_load %arg16[%get3A_310] {strides = array<i32>} : memref<1024xf32, #tpu.memory_space<vmem>>, vector<16xf32>,
    %get3A_312 = arith.constant 800 : index
    %get3A_313 = tpu.vector_load %arg16[%get3A_312] {strides = array<i32>} : memref<1024xf32, #tpu.memory_space<vmem>>, vector<16xf32>,
    %add3A_314 = arith.addf %get3A_311, %get3A_313 : vector<16xf32>
    %swap3A_315 = arith.constant 288 : index
    %swap3A_316 = tpu.vector_load %arg16[%swap3A_315] {strides = array<i32>} : memref<1024xf32, #tpu.memory_space<vmem>>, vector<16xf32>,
    tpu.vector_store %arg16[%swap3A_315], %add3A_314 {strides = array<i32>} : memref<1024xf32, #tpu.memory_space<vmem>>, vector<16xf32>,
    %get3A_317 = arith.constant 304 : index
    %get3A_318 = tpu.vector_load %arg15[%get3A_317] {strides = array<i32>} : memref<1024xf32, #tpu.memory_space<vmem>>, vector<16xf32>,
    %get3A_319 = arith.constant 816 : index
    %get3A_320 = tpu.vector_load %arg15[%get3A_319] {strides = array<i32>} : memref<1024xf32, #tpu.memory_space<vmem>>, vector<16xf32>,
    %add3A_321 = arith.addf %get3A_318, %get3A_320 : vector<16xf32>
    %swap3A_322 = arith.constant 304 : index
    %swap3A_323 = tpu.vector_load %arg15[%swap3A_322] {strides = array<i32>} : memref<1024xf32, #tpu.memory_space<vmem>>, vector<16xf32>,
    tpu.vector_store %arg15[%swap3A_322], %add3A_321 {strides = array<i32>} : memref<1024xf32, #tpu.memory_space<vmem>>, vector<16xf32>,
    %get3A_324 = arith.constant 304 : index
    %get3A_325 = tpu.vector_load %arg16[%get3A_324] {strides = array<i32>} : memref<1024xf32, #tpu.memory_space<vmem>>, vector<16xf32>,
    %get3A_326 = arith.constant 816 : index
    %get3A_327 = tpu.vector_load %arg16[%get3A_326] {strides = array<i32>} : memref<1024xf32, #tpu.memory_space<vmem>>, vector<16xf32>,
    %add3A_328 = arith.addf %get3A_325, %get3A_327 : vector<16xf32>
    %swap3A_329 = arith.constant 304 : index
    %swap3A_330 = tpu.vector_load %arg16[%swap3A_329] {strides = array<i32>} : memref<1024xf32, #tpu.memory_space<vmem>>, vector<16xf32>,
    tpu.vector_store %arg16[%swap3A_329], %add3A_328 {strides = array<i32>} : memref<1024xf32, #tpu.memory_space<vmem>>, vector<16xf32>,
    %get3A_331 = arith.constant 320 : index
    %get3A_332 = tpu.vector_load %arg15[%get3A_331] {strides = array<i32>} : memref<1024xf32, #tpu.memory_space<vmem>>, vector<16xf32>,
    %get3A_333 = arith.constant 832 : index
    %get3A_334 = tpu.vector_load %arg15[%get3A_333] {strides = array<i32>} : memref<1024xf32, #tpu.memory_space<vmem>>, vector<16xf32>,
    %add3A_335 = arith.addf %get3A_332, %get3A_334 : vector<16xf32>
    %swap3A_336 = arith.constant 320 : index
    %swap3A_337 = tpu.vector_load %arg15[%swap3A_336] {strides = array<i32>} : memref<1024xf32, #tpu.memory_space<vmem>>, vector<16xf32>,
    tpu.vector_store %arg15[%swap3A_336], %add3A_335 {strides = array<i32>} : memref<1024xf32, #tpu.memory_space<vmem>>, vector<16xf32>,
    %get3A_338 = arith.constant 320 : index
    %get3A_339 = tpu.vector_load %arg16[%get3A_338] {strides = array<i32>} : memref<1024xf32, #tpu.memory_space<vmem>>, vector<16xf32>,
    %get3A_340 = arith.constant 832 : index
    %get3A_341 = tpu.vector_load %arg16[%get3A_340] {strides = array<i32>} : memref<1024xf32, #tpu.memory_space<vmem>>, vector<16xf32>,
    %add3A_342 = arith.addf %get3A_339, %get3A_341 : vector<16xf32>
    %swap3A_343 = arith.constant 320 : index
    %swap3A_344 = tpu.vector_load %arg16[%swap3A_343] {strides = array<i32>} : memref<1024xf32, #tpu.memory_space<vmem>>, vector<16xf32>,
    tpu.vector_store %arg16[%swap3A_343], %add3A_342 {strides = array<i32>} : memref<1024xf32, #tpu.memory_space<vmem>>, vector<16xf32>,
    %get3A_345 = arith.constant 336 : index
    %get3A_346 = tpu.vector_load %arg15[%get3A_345] {strides = array<i32>} : memref<1024xf32, #tpu.memory_space<vmem>>, vector<16xf32>,
    %get3A_347 = arith.constant 848 : index
    %get3A_348 = tpu.vector_load %arg15[%get3A_347] {strides = array<i32>} : memref<1024xf32, #tpu.memory_space<vmem>>, vector<16xf32>,
    %add3A_349 = arith.addf %get3A_346, %get3A_348 : vector<16xf32>
    %swap3A_350 = arith.constant 336 : index
    %swap3A_351 = tpu.vector_load %arg15[%swap3A_350] {strides = array<i32>} : memref<1024xf32, #tpu.memory_space<vmem>>, vector<16xf32>,
    tpu.vector_store %arg15[%swap3A_350], %add3A_349 {strides = array<i32>} : memref<1024xf32, #tpu.memory_space<vmem>>, vector<16xf32>,
    %get3A_352 = arith.constant 336 : index
    %get3A_353 = tpu.vector_load %arg16[%get3A_352] {strides = array<i32>} : memref<1024xf32, #tpu.memory_space<vmem>>, vector<16xf32>,
    %get3A_354 = arith.constant 848 : index
    %get3A_355 = tpu.vector_load %arg16[%get3A_354] {strides = array<i32>} : memref<1024xf32, #tpu.memory_space<vmem>>, vector<16xf32>,
    %add3A_356 = arith.addf %get3A_353, %get3A_355 : vector<16xf32>
    %swap3A_357 = arith.constant 336 : index
    %swap3A_358 = tpu.vector_load %arg16[%swap3A_357] {strides = array<i32>} : memref<1024xf32, #tpu.memory_space<vmem>>, vector<16xf32>,
    tpu.vector_store %arg16[%swap3A_357], %add3A_356 {strides = array<i32>} : memref<1024xf32, #tpu.memory_space<vmem>>, vector<16xf32>,
    %get3A_359 = arith.constant 352 : index
    %get3A_360 = tpu.vector_load %arg15[%get3A_359] {strides = array<i32>} : memref<1024xf32, #tpu.memory_space<vmem>>, vector<16xf32>,
    %get3A_361 = arith.constant 864 : index
    %get3A_362 = tpu.vector_load %arg15[%get3A_361] {strides = array<i32>} : memref<1024xf32, #tpu.memory_space<vmem>>, vector<16xf32>,
    %add3A_363 = arith.addf %get3A_360, %get3A_362 : vector<16xf32>
    %swap3A_364 = arith.constant 352 : index
    %swap3A_365 = tpu.vector_load %arg15[%swap3A_364] {strides = array<i32>} : memref<1024xf32, #tpu.memory_space<vmem>>, vector<16xf32>,
    tpu.vector_store %arg15[%swap3A_364], %add3A_363 {strides = array<i32>} : memref<1024xf32, #tpu.memory_space<vmem>>, vector<16xf32>,
    %get3A_366 = arith.constant 352 : index
    %get3A_367 = tpu.vector_load %arg16[%get3A_366] {strides = array<i32>} : memref<1024xf32, #tpu.memory_space<vmem>>, vector<16xf32>,
    %get3A_368 = arith.constant 864 : index
    %get3A_369 = tpu.vector_load %arg16[%get3A_368] {strides = array<i32>} : memref<1024xf32, #tpu.memory_space<vmem>>, vector<16xf32>,
    %add3A_370 = arith.addf %get3A_367, %get3A_369 : vector<16xf32>
    %swap3A_371 = arith.constant 352 : index
    %swap3A_372 = tpu.vector_load %arg16[%swap3A_371] {strides = array<i32>} : memref<1024xf32, #tpu.memory_space<vmem>>, vector<16xf32>,
    tpu.vector_store %arg16[%swap3A_371], %add3A_370 {strides = array<i32>} : memref<1024xf32, #tpu.memory_space<vmem>>, vector<16xf32>,
    %get3A_373 = arith.constant 368 : index
    %get3A_374 = tpu.vector_load %arg15[%get3A_373] {strides = array<i32>} : memref<1024xf32, #tpu.memory_space<vmem>>, vector<16xf32>,
    %get3A_375 = arith.constant 880 : index
    %get3A_376 = tpu.vector_load %arg15[%get3A_375] {strides = array<i32>} : memref<1024xf32, #tpu.memory_space<vmem>>, vector<16xf32>,
    %add3A_377 = arith.addf %get3A_374, %get3A_376 : vector<16xf32>
    %swap3A_378 = arith.constant 368 : index
    %swap3A_379 = tpu.vector_load %arg15[%swap3A_378] {strides = array<i32>} : memref<1024xf32, #tpu.memory_space<vmem>>, vector<16xf32>,
    tpu.vector_store %arg15[%swap3A_378], %add3A_377 {strides = array<i32>} : memref<1024xf32, #tpu.memory_space<vmem>>, vector<16xf32>,
    %get3A_380 = arith.constant 368 : index
    %get3A_381 = tpu.vector_load %arg16[%get3A_380] {strides = array<i32>} : memref<1024xf32, #tpu.memory_space<vmem>>, vector<16xf32>,
    %get3A_382 = arith.constant 880 : index
    %get3A_383 = tpu.vector_load %arg16[%get3A_382] {strides = array<i32>} : memref<1024xf32, #tpu.memory_space<vmem>>, vector<16xf32>,
    %add3A_384 = arith.addf %get3A_381, %get3A_383 : vector<16xf32>
    %swap3A_385 = arith.constant 368 : index
    %swap3A_386 = tpu.vector_load %arg16[%swap3A_385] {strides = array<i32>} : memref<1024xf32, #tpu.memory_space<vmem>>, vector<16xf32>,
    tpu.vector_store %arg16[%swap3A_385], %add3A_384 {strides = array<i32>} : memref<1024xf32, #tpu.memory_space<vmem>>, vector<16xf32>,
    %get3A_387 = arith.constant 384 : index
    %get3A_388 = tpu.vector_load %arg15[%get3A_387] {strides = array<i32>} : memref<1024xf32, #tpu.memory_space<vmem>>, vector<16xf32>,
    %get3A_389 = arith.constant 896 : index
    %get3A_390 = tpu.vector_load %arg15[%get3A_389] {strides = array<i32>} : memref<1024xf32, #tpu.memory_space<vmem>>, vector<16xf32>,
    %add3A_391 = arith.addf %get3A_388, %get3A_390 : vector<16xf32>
    %swap3A_392 = arith.constant 384 : index
    %swap3A_393 = tpu.vector_load %arg15[%swap3A_392] {strides = array<i32>} : memref<1024xf32, #tpu.memory_space<vmem>>, vector<16xf32>,
    tpu.vector_store %arg15[%swap3A_392], %add3A_391 {strides = array<i32>} : memref<1024xf32, #tpu.memory_space<vmem>>, vector<16xf32>,
    %get3A_394 = arith.constant 384 : index
    %get3A_395 = tpu.vector_load %arg16[%get3A_394] {strides = array<i32>} : memref<1024xf32, #tpu.memory_space<vmem>>, vector<16xf32>,
    %get3A_396 = arith.constant 896 : index
    %get3A_397 = tpu.vector_load %arg16[%get3A_396] {strides = array<i32>} : memref<1024xf32, #tpu.memory_space<vmem>>, vector<16xf32>,
    %add3A_398 = arith.addf %get3A_395, %get3A_397 : vector<16xf32>
    %swap3A_399 = arith.constant 384 : index
    %swap3A_400 = tpu.vector_load %arg16[%swap3A_399] {strides = array<i32>} : memref<1024xf32, #tpu.memory_space<vmem>>, vector<16xf32>,
    tpu.vector_store %arg16[%swap3A_399], %add3A_398 {strides = array<i32>} : memref<1024xf32, #tpu.memory_space<vmem>>, vector<16xf32>,
    %get3A_401 = arith.constant 400 : index
    %get3A_402 = tpu.vector_load %arg15[%get3A_401] {strides = array<i32>} : memref<1024xf32, #tpu.memory_space<vmem>>, vector<16xf32>,
    %get3A_403 = arith.constant 912 : index
    %get3A_404 = tpu.vector_load %arg15[%get3A_403] {strides = array<i32>} : memref<1024xf32, #tpu.memory_space<vmem>>, vector<16xf32>,
    %add3A_405 = arith.addf %get3A_402, %get3A_404 : vector<16xf32>
    %swap3A_406 = arith.constant 400 : index
    %swap3A_407 = tpu.vector_load %arg15[%swap3A_406] {strides = array<i32>} : memref<1024xf32, #tpu.memory_space<vmem>>, vector<16xf32>,
    tpu.vector_store %arg15[%swap3A_406], %add3A_405 {strides = array<i32>} : memref<1024xf32, #tpu.memory_space<vmem>>, vector<16xf32>,
    %get3A_408 = arith.constant 400 : index
    %get3A_409 = tpu.vector_load %arg16[%get3A_408] {strides = array<i32>} : memref<1024xf32, #tpu.memory_space<vmem>>, vector<16xf32>,
    %get3A_410 = arith.constant 912 : index
    %get3A_411 = tpu.vector_load %arg16[%get3A_410] {strides = array<i32>} : memref<1024xf32, #tpu.memory_space<vmem>>, vector<16xf32>,
    %add3A_412 = arith.addf %get3A_409, %get3A_411 : vector<16xf32>
    %swap3A_413 = arith.constant 400 : index
    %swap3A_414 = tpu.vector_load %arg16[%swap3A_413] {strides = array<i32>} : memref<1024xf32, #tpu.memory_space<vmem>>, vector<16xf32>,
    tpu.vector_store %arg16[%swap3A_413], %add3A_412 {strides = array<i32>} : memref<1024xf32, #tpu.memory_space<vmem>>, vector<16xf32>,
    %get3A_415 = arith.constant 416 : index
    %get3A_416 = tpu.vector_load %arg15[%get3A_415] {strides = array<i32>} : memref<1024xf32, #tpu.memory_space<vmem>>, vector<16xf32>,
    %get3A_417 = arith.constant 928 : index
    %get3A_418 = tpu.vector_load %arg15[%get3A_417] {strides = array<i32>} : memref<1024xf32, #tpu.memory_space<vmem>>, vector<16xf32>,
    %add3A_419 = arith.addf %get3A_416, %get3A_418 : vector<16xf32>
    %swap3A_420 = arith.constant 416 : index
    %swap3A_421 = tpu.vector_load %arg15[%swap3A_420] {strides = array<i32>} : memref<1024xf32, #tpu.memory_space<vmem>>, vector<16xf32>,
    tpu.vector_store %arg15[%swap3A_420], %add3A_419 {strides = array<i32>} : memref<1024xf32, #tpu.memory_space<vmem>>, vector<16xf32>,
    %get3A_422 = arith.constant 416 : index
    %get3A_423 = tpu.vector_load %arg16[%get3A_422] {strides = array<i32>} : memref<1024xf32, #tpu.memory_space<vmem>>, vector<16xf32>,
    %get3A_424 = arith.constant 928 : index
    %get3A_425 = tpu.vector_load %arg16[%get3A_424] {strides = array<i32>} : memref<1024xf32, #tpu.memory_space<vmem>>, vector<16xf32>,
    %add3A_426 = arith.addf %get3A_423, %get3A_425 : vector<16xf32>
    %swap3A_427 = arith.constant 416 : index
    %swap3A_428 = tpu.vector_load %arg16[%swap3A_427] {strides = array<i32>} : memref<1024xf32, #tpu.memory_space<vmem>>, vector<16xf32>,
    tpu.vector_store %arg16[%swap3A_427], %add3A_426 {strides = array<i32>} : memref<1024xf32, #tpu.memory_space<vmem>>, vector<16xf32>,
    %get3A_429 = arith.constant 432 : index
    %get3A_430 = tpu.vector_load %arg15[%get3A_429] {strides = array<i32>} : memref<1024xf32, #tpu.memory_space<vmem>>, vector<16xf32>,
    %get3A_431 = arith.constant 944 : index
    %get3A_432 = tpu.vector_load %arg15[%get3A_431] {strides = array<i32>} : memref<1024xf32, #tpu.memory_space<vmem>>, vector<16xf32>,
    %add3A_433 = arith.addf %get3A_430, %get3A_432 : vector<16xf32>
    %swap3A_434 = arith.constant 432 : index
    %swap3A_435 = tpu.vector_load %arg15[%swap3A_434] {strides = array<i32>} : memref<1024xf32, #tpu.memory_space<vmem>>, vector<16xf32>,
    tpu.vector_store %arg15[%swap3A_434], %add3A_433 {strides = array<i32>} : memref<1024xf32, #tpu.memory_space<vmem>>, vector<16xf32>,
    %get3A_436 = arith.constant 432 : index
    %get3A_437 = tpu.vector_load %arg16[%get3A_436] {strides = array<i32>} : memref<1024xf32, #tpu.memory_space<vmem>>, vector<16xf32>,
    %get3A_438 = arith.constant 944 : index
    %get3A_439 = tpu.vector_load %arg16[%get3A_438] {strides = array<i32>} : memref<1024xf32, #tpu.memory_space<vmem>>, vector<16xf32>,
    %add3A_440 = arith.addf %get3A_437, %get3A_439 : vector<16xf32>
    %swap3A_441 = arith.constant 432 : index
    %swap3A_442 = tpu.vector_load %arg16[%swap3A_441] {strides = array<i32>} : memref<1024xf32, #tpu.memory_space<vmem>>, vector<16xf32>,
    tpu.vector_store %arg16[%swap3A_441], %add3A_440 {strides = array<i32>} : memref<1024xf32, #tpu.memory_space<vmem>>, vector<16xf32>,
    %get3A_443 = arith.constant 448 : index
    %get3A_444 = tpu.vector_load %arg15[%get3A_443] {strides = array<i32>} : memref<1024xf32, #tpu.memory_space<vmem>>, vector<16xf32>,
    %get3A_445 = arith.constant 960 : index
    %get3A_446 = tpu.vector_load %arg15[%get3A_445] {strides = array<i32>} : memref<1024xf32, #tpu.memory_space<vmem>>, vector<16xf32>,
    %add3A_447 = arith.addf %get3A_444, %get3A_446 : vector<16xf32>
    %swap3A_448 = arith.constant 448 : index
    %swap3A_449 = tpu.vector_load %arg15[%swap3A_448] {strides = array<i32>} : memref<1024xf32, #tpu.memory_space<vmem>>, vector<16xf32>,
    tpu.vector_store %arg15[%swap3A_448], %add3A_447 {strides = array<i32>} : memref<1024xf32, #tpu.memory_space<vmem>>, vector<16xf32>,
    %get3A_450 = arith.constant 448 : index
    %get3A_451 = tpu.vector_load %arg16[%get3A_450] {strides = array<i32>} : memref<1024xf32, #tpu.memory_space<vmem>>, vector<16xf32>,
    %get3A_452 = arith.constant 960 : index
    %get3A_453 = tpu.vector_load %arg16[%get3A_452] {strides = array<i32>} : memref<1024xf32, #tpu.memory_space<vmem>>, vector<16xf32>,
    %add3A_454 = arith.addf %get3A_451, %get3A_453 : vector<16xf32>
    %swap3A_455 = arith.constant 448 : index
    %swap3A_456 = tpu.vector_load %arg16[%swap3A_455] {strides = array<i32>} : memref<1024xf32, #tpu.memory_space<vmem>>, vector<16xf32>,
    tpu.vector_store %arg16[%swap3A_455], %add3A_454 {strides = array<i32>} : memref<1024xf32, #tpu.memory_space<vmem>>, vector<16xf32>,
    %get3A_457 = arith.constant 464 : index
    %get3A_458 = tpu.vector_load %arg15[%get3A_457] {strides = array<i32>} : memref<1024xf32, #tpu.memory_space<vmem>>, vector<16xf32>,
    %get3A_459 = arith.constant 976 : index
    %get3A_460 = tpu.vector_load %arg15[%get3A_459] {strides = array<i32>} : memref<1024xf32, #tpu.memory_space<vmem>>, vector<16xf32>,
    %add3A_461 = arith.addf %get3A_458, %get3A_460 : vector<16xf32>
    %swap3A_462 = arith.constant 464 : index
    %swap3A_463 = tpu.vector_load %arg15[%swap3A_462] {strides = array<i32>} : memref<1024xf32, #tpu.memory_space<vmem>>, vector<16xf32>,
    tpu.vector_store %arg15[%swap3A_462], %add3A_461 {strides = array<i32>} : memref<1024xf32, #tpu.memory_space<vmem>>, vector<16xf32>,
    %get3A_464 = arith.constant 464 : index
    %get3A_465 = tpu.vector_load %arg16[%get3A_464] {strides = array<i32>} : memref<1024xf32, #tpu.memory_space<vmem>>, vector<16xf32>,
    %get3A_466 = arith.constant 976 : index
    %get3A_467 = tpu.vector_load %arg16[%get3A_466] {strides = array<i32>} : memref<1024xf32, #tpu.memory_space<vmem>>, vector<16xf32>,
    %add3A_468 = arith.addf %get3A_465, %get3A_467 : vector<16xf32>
    %swap3A_469 = arith.constant 464 : index
    %swap3A_470 = tpu.vector_load %arg16[%swap3A_469] {strides = array<i32>} : memref<1024xf32, #tpu.memory_space<vmem>>, vector<16xf32>,
    tpu.vector_store %arg16[%swap3A_469], %add3A_468 {strides = array<i32>} : memref<1024xf32, #tpu.memory_space<vmem>>, vector<16xf32>,
    %get3A_471 = arith.constant 480 : index
    %get3A_472 = tpu.vector_load %arg15[%get3A_471] {strides = array<i32>} : memref<1024xf32, #tpu.memory_space<vmem>>, vector<16xf32>,
    %get3A_473 = arith.constant 992 : index
    %get3A_474 = tpu.vector_load %arg15[%get3A_473] {strides = array<i32>} : memref<1024xf32, #tpu.memory_space<vmem>>, vector<16xf32>,
    %add3A_475 = arith.addf %get3A_472, %get3A_474 : vector<16xf32>
    %swap3A_476 = arith.constant 480 : index
    %swap3A_477 = tpu.vector_load %arg15[%swap3A_476] {strides = array<i32>} : memref<1024xf32, #tpu.memory_space<vmem>>, vector<16xf32>,
    tpu.vector_store %arg15[%swap3A_476], %add3A_475 {strides = array<i32>} : memref<1024xf32, #tpu.memory_space<vmem>>, vector<16xf32>,
    %get3A_478 = arith.constant 480 : index
    %get3A_479 = tpu.vector_load %arg16[%get3A_478] {strides = array<i32>} : memref<1024xf32, #tpu.memory_space<vmem>>, vector<16xf32>,
    %get3A_480 = arith.constant 992 : index
    %get3A_481 = tpu.vector_load %arg16[%get3A_480] {strides = array<i32>} : memref<1024xf32, #tpu.memory_space<vmem>>, vector<16xf32>,
    %add3A_482 = arith.addf %get3A_479, %get3A_481 : vector<16xf32>
    %swap3A_483 = arith.constant 480 : index
    %swap3A_484 = tpu.vector_load %arg16[%swap3A_483] {strides = array<i32>} : memref<1024xf32, #tpu.memory_space<vmem>>, vector<16xf32>,
    tpu.vector_store %arg16[%swap3A_483], %add3A_482 {strides = array<i32>} : memref<1024xf32, #tpu.memory_space<vmem>>, vector<16xf32>,
    %get3A_485 = arith.constant 496 : index
    %get3A_486 = tpu.vector_load %arg15[%get3A_485] {strides = array<i32>} : memref<1024xf32, #tpu.memory_space<vmem>>, vector<16xf32>,
    %get3A_487 = arith.constant 1008 : index
    %get3A_488 = tpu.vector_load %arg15[%get3A_487] {strides = array<i32>} : memref<1024xf32, #tpu.memory_space<vmem>>, vector<16xf32>,
    %add3A_489 = arith.addf %get3A_486, %get3A_488 : vector<16xf32>
    %swap3A_490 = arith.constant 496 : index
    %swap3A_491 = tpu.vector_load %arg15[%swap3A_490] {strides = array<i32>} : memref<1024xf32, #tpu.memory_space<vmem>>, vector<16xf32>,
    tpu.vector_store %arg15[%swap3A_490], %add3A_489 {strides = array<i32>} : memref<1024xf32, #tpu.memory_space<vmem>>, vector<16xf32>,
    %get3A_492 = arith.constant 496 : index
    %get3A_493 = tpu.vector_load %arg16[%get3A_492] {strides = array<i32>} : memref<1024xf32, #tpu.memory_space<vmem>>, vector<16xf32>,
    %get3A_494 = arith.constant 1008 : index
    %get3A_495 = tpu.vector_load %arg16[%get3A_494] {strides = array<i32>} : memref<1024xf32, #tpu.memory_space<vmem>>, vector<16xf32>,
    %add3A_496 = arith.addf %get3A_493, %get3A_495 : vector<16xf32>
    %swap3A_497 = arith.constant 496 : index
    %swap3A_498 = tpu.vector_load %arg16[%swap3A_497] {strides = array<i32>} : memref<1024xf32, #tpu.memory_space<vmem>>, vector<16xf32>,
    tpu.vector_store %arg16[%swap3A_497], %add3A_496 {strides = array<i32>} : memref<1024xf32, #tpu.memory_space<vmem>>, vector<16xf32>,
    %get3A_499 = arith.constant 0 : index
    %get3A_500 = tpu.vector_load %arg15[%get3A_499] {strides = array<i32>} : memref<1024xf32, #tpu.memory_space<vmem>>, vector<16xf32>,
    %get3A_501 = arith.constant 256 : index
    %get3A_502 = tpu.vector_load %arg15[%get3A_501] {strides = array<i32>} : memref<1024xf32, #tpu.memory_space<vmem>>, vector<16xf32>,
    %add3A_503 = arith.addf %get3A_500, %get3A_502 : vector<16xf32>
    %swap3A_504 = arith.constant 0 : index
    %swap3A_505 = tpu.vector_load %arg15[%swap3A_504] {strides = array<i32>} : memref<1024xf32, #tpu.memory_space<vmem>>, vector<16xf32>,
    tpu.vector_store %arg15[%swap3A_504], %add3A_503 {strides = array<i32>} : memref<1024xf32, #tpu.memory_space<vmem>>, vector<16xf32>,
    %get3A_506 = arith.constant 0 : index
    %get3A_507 = tpu.vector_load %arg16[%get3A_506] {strides = array<i32>} : memref<1024xf32, #tpu.memory_space<vmem>>, vector<16xf32>,
    %get3A_508 = arith.constant 256 : index
    %get3A_509 = tpu.vector_load %arg16[%get3A_508] {strides = array<i32>} : memref<1024xf32, #tpu.memory_space<vmem>>, vector<16xf32>,
    %add3A_510 = arith.addf %get3A_507, %get3A_509 : vector<16xf32>
    %swap3A_511 = arith.constant 0 : index
    %swap3A_512 = tpu.vector_load %arg16[%swap3A_511] {strides = array<i32>} : memref<1024xf32, #tpu.memory_space<vmem>>, vector<16xf32>,
    tpu.vector_store %arg16[%swap3A_511], %add3A_510 {strides = array<i32>} : memref<1024xf32, #tpu.memory_space<vmem>>, vector<16xf32>,
    %get3A_513 = arith.constant 16 : index
    %get3A_514 = tpu.vector_load %arg15[%get3A_513] {strides = array<i32>} : memref<1024xf32, #tpu.memory_space<vmem>>, vector<16xf32>,
    %get3A_515 = arith.constant 272 : index
    %get3A_516 = tpu.vector_load %arg15[%get3A_515] {strides = array<i32>} : memref<1024xf32, #tpu.memory_space<vmem>>, vector<16xf32>,
    %add3A_517 = arith.addf %get3A_514, %get3A_516 : vector<16xf32>
    %swap3A_518 = arith.constant 16 : index
    %swap3A_519 = tpu.vector_load %arg15[%swap3A_518] {strides = array<i32>} : memref<1024xf32, #tpu.memory_space<vmem>>, vector<16xf32>,
    tpu.vector_store %arg15[%swap3A_518], %add3A_517 {strides = array<i32>} : memref<1024xf32, #tpu.memory_space<vmem>>, vector<16xf32>,
    %get3A_520 = arith.constant 16 : index
    %get3A_521 = tpu.vector_load %arg16[%get3A_520] {strides = array<i32>} : memref<1024xf32, #tpu.memory_space<vmem>>, vector<16xf32>,
    %get3A_522 = arith.constant 272 : index
    %get3A_523 = tpu.vector_load %arg16[%get3A_522] {strides = array<i32>} : memref<1024xf32, #tpu.memory_space<vmem>>, vector<16xf32>,
    %add3A_524 = arith.addf %get3A_521, %get3A_523 : vector<16xf32>
    %swap3A_525 = arith.constant 16 : index
    %swap3A_526 = tpu.vector_load %arg16[%swap3A_525] {strides = array<i32>} : memref<1024xf32, #tpu.memory_space<vmem>>, vector<16xf32>,
    tpu.vector_store %arg16[%swap3A_525], %add3A_524 {strides = array<i32>} : memref<1024xf32, #tpu.memory_space<vmem>>, vector<16xf32>,
    %get3A_527 = arith.constant 32 : index
    %get3A_528 = tpu.vector_load %arg15[%get3A_527] {strides = array<i32>} : memref<1024xf32, #tpu.memory_space<vmem>>, vector<16xf32>,
    %get3A_529 = arith.constant 288 : index
    %get3A_530 = tpu.vector_load %arg15[%get3A_529] {strides = array<i32>} : memref<1024xf32, #tpu.memory_space<vmem>>, vector<16xf32>,
    %add3A_531 = arith.addf %get3A_528, %get3A_530 : vector<16xf32>
    %swap3A_532 = arith.constant 32 : index
    %swap3A_533 = tpu.vector_load %arg15[%swap3A_532] {strides = array<i32>} : memref<1024xf32, #tpu.memory_space<vmem>>, vector<16xf32>,
    tpu.vector_store %arg15[%swap3A_532], %add3A_531 {strides = array<i32>} : memref<1024xf32, #tpu.memory_space<vmem>>, vector<16xf32>,
    %get3A_534 = arith.constant 32 : index
    %get3A_535 = tpu.vector_load %arg16[%get3A_534] {strides = array<i32>} : memref<1024xf32, #tpu.memory_space<vmem>>, vector<16xf32>,
    %get3A_536 = arith.constant 288 : index
    %get3A_537 = tpu.vector_load %arg16[%get3A_536] {strides = array<i32>} : memref<1024xf32, #tpu.memory_space<vmem>>, vector<16xf32>,
    %add3A_538 = arith.addf %get3A_535, %get3A_537 : vector<16xf32>
    %swap3A_539 = arith.constant 32 : index
    %swap3A_540 = tpu.vector_load %arg16[%swap3A_539] {strides = array<i32>} : memref<1024xf32, #tpu.memory_space<vmem>>, vector<16xf32>,
    tpu.vector_store %arg16[%swap3A_539], %add3A_538 {strides = array<i32>} : memref<1024xf32, #tpu.memory_space<vmem>>, vector<16xf32>,
    %get3A_541 = arith.constant 48 : index
    %get3A_542 = tpu.vector_load %arg15[%get3A_541] {strides = array<i32>} : memref<1024xf32, #tpu.memory_space<vmem>>, vector<16xf32>,
    %get3A_543 = arith.constant 304 : index
    %get3A_544 = tpu.vector_load %arg15[%get3A_543] {strides = array<i32>} : memref<1024xf32, #tpu.memory_space<vmem>>, vector<16xf32>,
    %add3A_545 = arith.addf %get3A_542, %get3A_544 : vector<16xf32>
    %swap3A_546 = arith.constant 48 : index
    %swap3A_547 = tpu.vector_load %arg15[%swap3A_546] {strides = array<i32>} : memref<1024xf32, #tpu.memory_space<vmem>>, vector<16xf32>,
    tpu.vector_store %arg15[%swap3A_546], %add3A_545 {strides = array<i32>} : memref<1024xf32, #tpu.memory_space<vmem>>, vector<16xf32>,
    %get3A_548 = arith.constant 48 : index
    %get3A_549 = tpu.vector_load %arg16[%get3A_548] {strides = array<i32>} : memref<1024xf32, #tpu.memory_space<vmem>>, vector<16xf32>,
    %get3A_550 = arith.constant 304 : index
    %get3A_551 = tpu.vector_load %arg16[%get3A_550] {strides = array<i32>} : memref<1024xf32, #tpu.memory_space<vmem>>, vector<16xf32>,
    %add3A_552 = arith.addf %get3A_549, %get3A_551 : vector<16xf32>
    %swap3A_553 = arith.constant 48 : index
    %swap3A_554 = tpu.vector_load %arg16[%swap3A_553] {strides = array<i32>} : memref<1024xf32, #tpu.memory_space<vmem>>, vector<16xf32>,
    tpu.vector_store %arg16[%swap3A_553], %add3A_552 {strides = array<i32>} : memref<1024xf32, #tpu.memory_space<vmem>>, vector<16xf32>,
    %get3A_555 = arith.constant 64 : index
    %get3A_556 = tpu.vector_load %arg15[%get3A_555] {strides = array<i32>} : memref<1024xf32, #tpu.memory_space<vmem>>, vector<16xf32>,
    %get3A_557 = arith.constant 320 : index
    %get3A_558 = tpu.vector_load %arg15[%get3A_557] {strides = array<i32>} : memref<1024xf32, #tpu.memory_space<vmem>>, vector<16xf32>,
    %add3A_559 = arith.addf %get3A_556, %get3A_558 : vector<16xf32>
    %swap3A_560 = arith.constant 64 : index
    %swap3A_561 = tpu.vector_load %arg15[%swap3A_560] {strides = array<i32>} : memref<1024xf32, #tpu.memory_space<vmem>>, vector<16xf32>,
    tpu.vector_store %arg15[%swap3A_560], %add3A_559 {strides = array<i32>} : memref<1024xf32, #tpu.memory_space<vmem>>, vector<16xf32>,
    %get3A_562 = arith.constant 64 : index
    %get3A_563 = tpu.vector_load %arg16[%get3A_562] {strides = array<i32>} : memref<1024xf32, #tpu.memory_space<vmem>>, vector<16xf32>,
    %get3A_564 = arith.constant 320 : index
    %get3A_565 = tpu.vector_load %arg16[%get3A_564] {strides = array<i32>} : memref<1024xf32, #tpu.memory_space<vmem>>, vector<16xf32>,
    %add3A_566 = arith.addf %get3A_563, %get3A_565 : vector<16xf32>
    %swap3A_567 = arith.constant 64 : index
    %swap3A_568 = tpu.vector_load %arg16[%swap3A_567] {strides = array<i32>} : memref<1024xf32, #tpu.memory_space<vmem>>, vector<16xf32>,
    tpu.vector_store %arg16[%swap3A_567], %add3A_566 {strides = array<i32>} : memref<1024xf32, #tpu.memory_space<vmem>>, vector<16xf32>,
    %get3A_569 = arith.constant 80 : index
    %get3A_570 = tpu.vector_load %arg15[%get3A_569] {strides = array<i32>} : memref<1024xf32, #tpu.memory_space<vmem>>, vector<16xf32>,
    %get3A_571 = arith.constant 336 : index
    %get3A_572 = tpu.vector_load %arg15[%get3A_571] {strides = array<i32>} : memref<1024xf32, #tpu.memory_space<vmem>>, vector<16xf32>,
    %add3A_573 = arith.addf %get3A_570, %get3A_572 : vector<16xf32>
    %swap3A_574 = arith.constant 80 : index
    %swap3A_575 = tpu.vector_load %arg15[%swap3A_574] {strides = array<i32>} : memref<1024xf32, #tpu.memory_space<vmem>>, vector<16xf32>,
    tpu.vector_store %arg15[%swap3A_574], %add3A_573 {strides = array<i32>} : memref<1024xf32, #tpu.memory_space<vmem>>, vector<16xf32>,
    %get3A_576 = arith.constant 80 : index
    %get3A_577 = tpu.vector_load %arg16[%get3A_576] {strides = array<i32>} : memref<1024xf32, #tpu.memory_space<vmem>>, vector<16xf32>,
    %get3A_578 = arith.constant 336 : index
    %get3A_579 = tpu.vector_load %arg16[%get3A_578] {strides = array<i32>} : memref<1024xf32, #tpu.memory_space<vmem>>, vector<16xf32>,
    %add3A_580 = arith.addf %get3A_577, %get3A_579 : vector<16xf32>
    %swap3A_581 = arith.constant 80 : index
    %swap3A_582 = tpu.vector_load %arg16[%swap3A_581] {strides = array<i32>} : memref<1024xf32, #tpu.memory_space<vmem>>, vector<16xf32>,
    tpu.vector_store %arg16[%swap3A_581], %add3A_580 {strides = array<i32>} : memref<1024xf32, #tpu.memory_space<vmem>>, vector<16xf32>,
    %get3A_583 = arith.constant 96 : index
    %get3A_584 = tpu.vector_load %arg15[%get3A_583] {strides = array<i32>} : memref<1024xf32, #tpu.memory_space<vmem>>, vector<16xf32>,
    %get3A_585 = arith.constant 352 : index
    %get3A_586 = tpu.vector_load %arg15[%get3A_585] {strides = array<i32>} : memref<1024xf32, #tpu.memory_space<vmem>>, vector<16xf32>,
    %add3A_587 = arith.addf %get3A_584, %get3A_586 : vector<16xf32>
    %swap3A_588 = arith.constant 96 : index
    %swap3A_589 = tpu.vector_load %arg15[%swap3A_588] {strides = array<i32>} : memref<1024xf32, #tpu.memory_space<vmem>>, vector<16xf32>,
    tpu.vector_store %arg15[%swap3A_588], %add3A_587 {strides = array<i32>} : memref<1024xf32, #tpu.memory_space<vmem>>, vector<16xf32>,
    %get3A_590 = arith.constant 96 : index
    %get3A_591 = tpu.vector_load %arg16[%get3A_590] {strides = array<i32>} : memref<1024xf32, #tpu.memory_space<vmem>>, vector<16xf32>,
    %get3A_592 = arith.constant 352 : index
    %get3A_593 = tpu.vector_load %arg16[%get3A_592] {strides = array<i32>} : memref<1024xf32, #tpu.memory_space<vmem>>, vector<16xf32>,
    %add3A_594 = arith.addf %get3A_591, %get3A_593 : vector<16xf32>
    %swap3A_595 = arith.constant 96 : index
    %swap3A_596 = tpu.vector_load %arg16[%swap3A_595] {strides = array<i32>} : memref<1024xf32, #tpu.memory_space<vmem>>, vector<16xf32>,
    tpu.vector_store %arg16[%swap3A_595], %add3A_594 {strides = array<i32>} : memref<1024xf32, #tpu.memory_space<vmem>>, vector<16xf32>,
    %get3A_597 = arith.constant 112 : index
    %get3A_598 = tpu.vector_load %arg15[%get3A_597] {strides = array<i32>} : memref<1024xf32, #tpu.memory_space<vmem>>, vector<16xf32>,
    %get3A_599 = arith.constant 368 : index
    %get3A_600 = tpu.vector_load %arg15[%get3A_599] {strides = array<i32>} : memref<1024xf32, #tpu.memory_space<vmem>>, vector<16xf32>,
    %add3A_601 = arith.addf %get3A_598, %get3A_600 : vector<16xf32>
    %swap3A_602 = arith.constant 112 : index
    %swap3A_603 = tpu.vector_load %arg15[%swap3A_602] {strides = array<i32>} : memref<1024xf32, #tpu.memory_space<vmem>>, vector<16xf32>,
    tpu.vector_store %arg15[%swap3A_602], %add3A_601 {strides = array<i32>} : memref<1024xf32, #tpu.memory_space<vmem>>, vector<16xf32>,
    %get3A_604 = arith.constant 112 : index
    %get3A_605 = tpu.vector_load %arg16[%get3A_604] {strides = array<i32>} : memref<1024xf32, #tpu.memory_space<vmem>>, vector<16xf32>,
    %get3A_606 = arith.constant 368 : index
    %get3A_607 = tpu.vector_load %arg16[%get3A_606] {strides = array<i32>} : memref<1024xf32, #tpu.memory_space<vmem>>, vector<16xf32>,
    %add3A_608 = arith.addf %get3A_605, %get3A_607 : vector<16xf32>
    %swap3A_609 = arith.constant 112 : index
    %swap3A_610 = tpu.vector_load %arg16[%swap3A_609] {strides = array<i32>} : memref<1024xf32, #tpu.memory_space<vmem>>, vector<16xf32>,
    tpu.vector_store %arg16[%swap3A_609], %add3A_608 {strides = array<i32>} : memref<1024xf32, #tpu.memory_space<vmem>>, vector<16xf32>,
    %get3A_611 = arith.constant 128 : index
    %get3A_612 = tpu.vector_load %arg15[%get3A_611] {strides = array<i32>} : memref<1024xf32, #tpu.memory_space<vmem>>, vector<16xf32>,
    %get3A_613 = arith.constant 384 : index
    %get3A_614 = tpu.vector_load %arg15[%get3A_613] {strides = array<i32>} : memref<1024xf32, #tpu.memory_space<vmem>>, vector<16xf32>,
    %add3A_615 = arith.addf %get3A_612, %get3A_614 : vector<16xf32>
    %swap3A_616 = arith.constant 128 : index
    %swap3A_617 = tpu.vector_load %arg15[%swap3A_616] {strides = array<i32>} : memref<1024xf32, #tpu.memory_space<vmem>>, vector<16xf32>,
    tpu.vector_store %arg15[%swap3A_616], %add3A_615 {strides = array<i32>} : memref<1024xf32, #tpu.memory_space<vmem>>, vector<16xf32>,
    %get3A_618 = arith.constant 128 : index
    %get3A_619 = tpu.vector_load %arg16[%get3A_618] {strides = array<i32>} : memref<1024xf32, #tpu.memory_space<vmem>>, vector<16xf32>,
    %get3A_620 = arith.constant 384 : index
    %get3A_621 = tpu.vector_load %arg16[%get3A_620] {strides = array<i32>} : memref<1024xf32, #tpu.memory_space<vmem>>, vector<16xf32>,
    %add3A_622 = arith.addf %get3A_619, %get3A_621 : vector<16xf32>
    %swap3A_623 = arith.constant 128 : index
    %swap3A_624 = tpu.vector_load %arg16[%swap3A_623] {strides = array<i32>} : memref<1024xf32, #tpu.memory_space<vmem>>, vector<16xf32>,
    tpu.vector_store %arg16[%swap3A_623], %add3A_622 {strides = array<i32>} : memref<1024xf32, #tpu.memory_space<vmem>>, vector<16xf32>,
    %get3A_625 = arith.constant 144 : index
    %get3A_626 = tpu.vector_load %arg15[%get3A_625] {strides = array<i32>} : memref<1024xf32, #tpu.memory_space<vmem>>, vector<16xf32>,
    %get3A_627 = arith.constant 400 : index
    %get3A_628 = tpu.vector_load %arg15[%get3A_627] {strides = array<i32>} : memref<1024xf32, #tpu.memory_space<vmem>>, vector<16xf32>,
    %add3A_629 = arith.addf %get3A_626, %get3A_628 : vector<16xf32>
    %swap3A_630 = arith.constant 144 : index
    %swap3A_631 = tpu.vector_load %arg15[%swap3A_630] {strides = array<i32>} : memref<1024xf32, #tpu.memory_space<vmem>>, vector<16xf32>,
    tpu.vector_store %arg15[%swap3A_630], %add3A_629 {strides = array<i32>} : memref<1024xf32, #tpu.memory_space<vmem>>, vector<16xf32>,
    %get3A_632 = arith.constant 144 : index
    %get3A_633 = tpu.vector_load %arg16[%get3A_632] {strides = array<i32>} : memref<1024xf32, #tpu.memory_space<vmem>>, vector<16xf32>,
    %get3A_634 = arith.constant 400 : index
    %get3A_635 = tpu.vector_load %arg16[%get3A_634] {strides = array<i32>} : memref<1024xf32, #tpu.memory_space<vmem>>, vector<16xf32>,
    %add3A_636 = arith.addf %get3A_633, %get3A_635 : vector<16xf32>
    %swap3A_637 = arith.constant 144 : index
    %swap3A_638 = tpu.vector_load %arg16[%swap3A_637] {strides = array<i32>} : memref<1024xf32, #tpu.memory_space<vmem>>, vector<16xf32>,
    tpu.vector_store %arg16[%swap3A_637], %add3A_636 {strides = array<i32>} : memref<1024xf32, #tpu.memory_space<vmem>>, vector<16xf32>,
    %get3A_639 = arith.constant 160 : index
    %get3A_640 = tpu.vector_load %arg15[%get3A_639] {strides = array<i32>} : memref<1024xf32, #tpu.memory_space<vmem>>, vector<16xf32>,
    %get3A_641 = arith.constant 416 : index
    %get3A_642 = tpu.vector_load %arg15[%get3A_641] {strides = array<i32>} : memref<1024xf32, #tpu.memory_space<vmem>>, vector<16xf32>,
    %add3A_643 = arith.addf %get3A_640, %get3A_642 : vector<16xf32>
    %swap3A_644 = arith.constant 160 : index
    %swap3A_645 = tpu.vector_load %arg15[%swap3A_644] {strides = array<i32>} : memref<1024xf32, #tpu.memory_space<vmem>>, vector<16xf32>,
    tpu.vector_store %arg15[%swap3A_644], %add3A_643 {strides = array<i32>} : memref<1024xf32, #tpu.memory_space<vmem>>, vector<16xf32>,
    %get3A_646 = arith.constant 160 : index
    %get3A_647 = tpu.vector_load %arg16[%get3A_646] {strides = array<i32>} : memref<1024xf32, #tpu.memory_space<vmem>>, vector<16xf32>,
    %get3A_648 = arith.constant 416 : index
    %get3A_649 = tpu.vector_load %arg16[%get3A_648] {strides = array<i32>} : memref<1024xf32, #tpu.memory_space<vmem>>, vector<16xf32>,
    %add3A_650 = arith.addf %get3A_647, %get3A_649 : vector<16xf32>
    %swap3A_651 = arith.constant 160 : index
    %swap3A_652 = tpu.vector_load %arg16[%swap3A_651] {strides = array<i32>} : memref<1024xf32, #tpu.memory_space<vmem>>, vector<16xf32>,
    tpu.vector_store %arg16[%swap3A_651], %add3A_650 {strides = array<i32>} : memref<1024xf32, #tpu.memory_space<vmem>>, vector<16xf32>,
    %get3A_653 = arith.constant 176 : index
    %get3A_654 = tpu.vector_load %arg15[%get3A_653] {strides = array<i32>} : memref<1024xf32, #tpu.memory_space<vmem>>, vector<16xf32>,
    %get3A_655 = arith.constant 432 : index
    %get3A_656 = tpu.vector_load %arg15[%get3A_655] {strides = array<i32>} : memref<1024xf32, #tpu.memory_space<vmem>>, vector<16xf32>,
    %add3A_657 = arith.addf %get3A_654, %get3A_656 : vector<16xf32>
    %swap3A_658 = arith.constant 176 : index
    %swap3A_659 = tpu.vector_load %arg15[%swap3A_658] {strides = array<i32>} : memref<1024xf32, #tpu.memory_space<vmem>>, vector<16xf32>,
    tpu.vector_store %arg15[%swap3A_658], %add3A_657 {strides = array<i32>} : memref<1024xf32, #tpu.memory_space<vmem>>, vector<16xf32>,
    %get3A_660 = arith.constant 176 : index
    %get3A_661 = tpu.vector_load %arg16[%get3A_660] {strides = array<i32>} : memref<1024xf32, #tpu.memory_space<vmem>>, vector<16xf32>,
    %get3A_662 = arith.constant 432 : index
    %get3A_663 = tpu.vector_load %arg16[%get3A_662] {strides = array<i32>} : memref<1024xf32, #tpu.memory_space<vmem>>, vector<16xf32>,
    %add3A_664 = arith.addf %get3A_661, %get3A_663 : vector<16xf32>
    %swap3A_665 = arith.constant 176 : index
    %swap3A_666 = tpu.vector_load %arg16[%swap3A_665] {strides = array<i32>} : memref<1024xf32, #tpu.memory_space<vmem>>, vector<16xf32>,
    tpu.vector_store %arg16[%swap3A_665], %add3A_664 {strides = array<i32>} : memref<1024xf32, #tpu.memory_space<vmem>>, vector<16xf32>,
    %get3A_667 = arith.constant 192 : index
    %get3A_668 = tpu.vector_load %arg15[%get3A_667] {strides = array<i32>} : memref<1024xf32, #tpu.memory_space<vmem>>, vector<16xf32>,
    %get3A_669 = arith.constant 448 : index
    %get3A_670 = tpu.vector_load %arg15[%get3A_669] {strides = array<i32>} : memref<1024xf32, #tpu.memory_space<vmem>>, vector<16xf32>,
    %add3A_671 = arith.addf %get3A_668, %get3A_670 : vector<16xf32>
    %swap3A_672 = arith.constant 192 : index
    %swap3A_673 = tpu.vector_load %arg15[%swap3A_672] {strides = array<i32>} : memref<1024xf32, #tpu.memory_space<vmem>>, vector<16xf32>,
    tpu.vector_store %arg15[%swap3A_672], %add3A_671 {strides = array<i32>} : memref<1024xf32, #tpu.memory_space<vmem>>, vector<16xf32>,
    %get3A_674 = arith.constant 192 : index
    %get3A_675 = tpu.vector_load %arg16[%get3A_674] {strides = array<i32>} : memref<1024xf32, #tpu.memory_space<vmem>>, vector<16xf32>,
    %get3A_676 = arith.constant 448 : index
    %get3A_677 = tpu.vector_load %arg16[%get3A_676] {strides = array<i32>} : memref<1024xf32, #tpu.memory_space<vmem>>, vector<16xf32>,
    %add3A_678 = arith.addf %get3A_675, %get3A_677 : vector<16xf32>
    %swap3A_679 = arith.constant 192 : index
    %swap3A_680 = tpu.vector_load %arg16[%swap3A_679] {strides = array<i32>} : memref<1024xf32, #tpu.memory_space<vmem>>, vector<16xf32>,
    tpu.vector_store %arg16[%swap3A_679], %add3A_678 {strides = array<i32>} : memref<1024xf32, #tpu.memory_space<vmem>>, vector<16xf32>,
    %get3A_681 = arith.constant 208 : index
    %get3A_682 = tpu.vector_load %arg15[%get3A_681] {strides = array<i32>} : memref<1024xf32, #tpu.memory_space<vmem>>, vector<16xf32>,
    %get3A_683 = arith.constant 464 : index
    %get3A_684 = tpu.vector_load %arg15[%get3A_683] {strides = array<i32>} : memref<1024xf32, #tpu.memory_space<vmem>>, vector<16xf32>,
    %add3A_685 = arith.addf %get3A_682, %get3A_684 : vector<16xf32>
    %swap3A_686 = arith.constant 208 : index
    %swap3A_687 = tpu.vector_load %arg15[%swap3A_686] {strides = array<i32>} : memref<1024xf32, #tpu.memory_space<vmem>>, vector<16xf32>,
    tpu.vector_store %arg15[%swap3A_686], %add3A_685 {strides = array<i32>} : memref<1024xf32, #tpu.memory_space<vmem>>, vector<16xf32>,
    %get3A_688 = arith.constant 208 : index
    %get3A_689 = tpu.vector_load %arg16[%get3A_688] {strides = array<i32>} : memref<1024xf32, #tpu.memory_space<vmem>>, vector<16xf32>,
    %get3A_690 = arith.constant 464 : index
    %get3A_691 = tpu.vector_load %arg16[%get3A_690] {strides = array<i32>} : memref<1024xf32, #tpu.memory_space<vmem>>, vector<16xf32>,
    %add3A_692 = arith.addf %get3A_689, %get3A_691 : vector<16xf32>
    %swap3A_693 = arith.constant 208 : index
    %swap3A_694 = tpu.vector_load %arg16[%swap3A_693] {strides = array<i32>} : memref<1024xf32, #tpu.memory_space<vmem>>, vector<16xf32>,
    tpu.vector_store %arg16[%swap3A_693], %add3A_692 {strides = array<i32>} : memref<1024xf32, #tpu.memory_space<vmem>>, vector<16xf32>,
    %get3A_695 = arith.constant 224 : index
    %get3A_696 = tpu.vector_load %arg15[%get3A_695] {strides = array<i32>} : memref<1024xf32, #tpu.memory_space<vmem>>, vector<16xf32>,
    %get3A_697 = arith.constant 480 : index
    %get3A_698 = tpu.vector_load %arg15[%get3A_697] {strides = array<i32>} : memref<1024xf32, #tpu.memory_space<vmem>>, vector<16xf32>,
    %add3A_699 = arith.addf %get3A_696, %get3A_698 : vector<16xf32>
    %swap3A_700 = arith.constant 224 : index
    %swap3A_701 = tpu.vector_load %arg15[%swap3A_700] {strides = array<i32>} : memref<1024xf32, #tpu.memory_space<vmem>>, vector<16xf32>,
    tpu.vector_store %arg15[%swap3A_700], %add3A_699 {strides = array<i32>} : memref<1024xf32, #tpu.memory_space<vmem>>, vector<16xf32>,
    %get3A_702 = arith.constant 224 : index
    %get3A_703 = tpu.vector_load %arg16[%get3A_702] {strides = array<i32>} : memref<1024xf32, #tpu.memory_space<vmem>>, vector<16xf32>,
    %get3A_704 = arith.constant 480 : index
    %get3A_705 = tpu.vector_load %arg16[%get3A_704] {strides = array<i32>} : memref<1024xf32, #tpu.memory_space<vmem>>, vector<16xf32>,
    %add3A_706 = arith.addf %get3A_703, %get3A_705 : vector<16xf32>
    %swap3A_707 = arith.constant 224 : index
    %swap3A_708 = tpu.vector_load %arg16[%swap3A_707] {strides = array<i32>} : memref<1024xf32, #tpu.memory_space<vmem>>, vector<16xf32>,
    tpu.vector_store %arg16[%swap3A_707], %add3A_706 {strides = array<i32>} : memref<1024xf32, #tpu.memory_space<vmem>>, vector<16xf32>,
    %get3A_709 = arith.constant 240 : index
    %get3A_710 = tpu.vector_load %arg15[%get3A_709] {strides = array<i32>} : memref<1024xf32, #tpu.memory_space<vmem>>, vector<16xf32>,
    %get3A_711 = arith.constant 496 : index
    %get3A_712 = tpu.vector_load %arg15[%get3A_711] {strides = array<i32>} : memref<1024xf32, #tpu.memory_space<vmem>>, vector<16xf32>,
    %add3A_713 = arith.addf %get3A_710, %get3A_712 : vector<16xf32>
    %swap3A_714 = arith.constant 240 : index
    %swap3A_715 = tpu.vector_load %arg15[%swap3A_714] {strides = array<i32>} : memref<1024xf32, #tpu.memory_space<vmem>>, vector<16xf32>,
    tpu.vector_store %arg15[%swap3A_714], %add3A_713 {strides = array<i32>} : memref<1024xf32, #tpu.memory_space<vmem>>, vector<16xf32>,
    %get3A_716 = arith.constant 240 : index
    %get3A_717 = tpu.vector_load %arg16[%get3A_716] {strides = array<i32>} : memref<1024xf32, #tpu.memory_space<vmem>>, vector<16xf32>,
    %get3A_718 = arith.constant 496 : index
    %get3A_719 = tpu.vector_load %arg16[%get3A_718] {strides = array<i32>} : memref<1024xf32, #tpu.memory_space<vmem>>, vector<16xf32>,
    %add3A_720 = arith.addf %get3A_717, %get3A_719 : vector<16xf32>
    %swap3A_721 = arith.constant 240 : index
    %swap3A_722 = tpu.vector_load %arg16[%swap3A_721] {strides = array<i32>} : memref<1024xf32, #tpu.memory_space<vmem>>, vector<16xf32>,
    tpu.vector_store %arg16[%swap3A_721], %add3A_720 {strides = array<i32>} : memref<1024xf32, #tpu.memory_space<vmem>>, vector<16xf32>,
    %get3A_723 = arith.constant 0 : index
    %get3A_724 = tpu.vector_load %arg15[%get3A_723] {strides = array<i32>} : memref<1024xf32, #tpu.memory_space<vmem>>, vector<16xf32>,
    %get3A_725 = arith.constant 128 : index
    %get3A_726 = tpu.vector_load %arg15[%get3A_725] {strides = array<i32>} : memref<1024xf32, #tpu.memory_space<vmem>>, vector<16xf32>,
    %add3A_727 = arith.addf %get3A_724, %get3A_726 : vector<16xf32>
    %swap3A_728 = arith.constant 0 : index
    %swap3A_729 = tpu.vector_load %arg15[%swap3A_728] {strides = array<i32>} : memref<1024xf32, #tpu.memory_space<vmem>>, vector<16xf32>,
    tpu.vector_store %arg15[%swap3A_728], %add3A_727 {strides = array<i32>} : memref<1024xf32, #tpu.memory_space<vmem>>, vector<16xf32>,
    %get3A_730 = arith.constant 0 : index
    %get3A_731 = tpu.vector_load %arg16[%get3A_730] {strides = array<i32>} : memref<1024xf32, #tpu.memory_space<vmem>>, vector<16xf32>,
    %get3A_732 = arith.constant 128 : index
    %get3A_733 = tpu.vector_load %arg16[%get3A_732] {strides = array<i32>} : memref<1024xf32, #tpu.memory_space<vmem>>, vector<16xf32>,
    %add3A_734 = arith.addf %get3A_731, %get3A_733 : vector<16xf32>
    %swap3A_735 = arith.constant 0 : index
    %swap3A_736 = tpu.vector_load %arg16[%swap3A_735] {strides = array<i32>} : memref<1024xf32, #tpu.memory_space<vmem>>, vector<16xf32>,
    tpu.vector_store %arg16[%swap3A_735], %add3A_734 {strides = array<i32>} : memref<1024xf32, #tpu.memory_space<vmem>>, vector<16xf32>,
    %get3A_737 = arith.constant 16 : index
    %get3A_738 = tpu.vector_load %arg15[%get3A_737] {strides = array<i32>} : memref<1024xf32, #tpu.memory_space<vmem>>, vector<16xf32>,
    %get3A_739 = arith.constant 144 : index
    %get3A_740 = tpu.vector_load %arg15[%get3A_739] {strides = array<i32>} : memref<1024xf32, #tpu.memory_space<vmem>>, vector<16xf32>,
    %add3A_741 = arith.addf %get3A_738, %get3A_740 : vector<16xf32>
    %swap3A_742 = arith.constant 16 : index
    %swap3A_743 = tpu.vector_load %arg15[%swap3A_742] {strides = array<i32>} : memref<1024xf32, #tpu.memory_space<vmem>>, vector<16xf32>,
    tpu.vector_store %arg15[%swap3A_742], %add3A_741 {strides = array<i32>} : memref<1024xf32, #tpu.memory_space<vmem>>, vector<16xf32>,
    %get3A_744 = arith.constant 16 : index
    %get3A_745 = tpu.vector_load %arg16[%get3A_744] {strides = array<i32>} : memref<1024xf32, #tpu.memory_space<vmem>>, vector<16xf32>,
    %get3A_746 = arith.constant 144 : index
    %get3A_747 = tpu.vector_load %arg16[%get3A_746] {strides = array<i32>} : memref<1024xf32, #tpu.memory_space<vmem>>, vector<16xf32>,
    %add3A_748 = arith.addf %get3A_745, %get3A_747 : vector<16xf32>
    %swap3A_749 = arith.constant 16 : index
    %swap3A_750 = tpu.vector_load %arg16[%swap3A_749] {strides = array<i32>} : memref<1024xf32, #tpu.memory_space<vmem>>, vector<16xf32>,
    tpu.vector_store %arg16[%swap3A_749], %add3A_748 {strides = array<i32>} : memref<1024xf32, #tpu.memory_space<vmem>>, vector<16xf32>,
    %get3A_751 = arith.constant 32 : index
    %get3A_752 = tpu.vector_load %arg15[%get3A_751] {strides = array<i32>} : memref<1024xf32, #tpu.memory_space<vmem>>, vector<16xf32>,
    %get3A_753 = arith.constant 160 : index
    %get3A_754 = tpu.vector_load %arg15[%get3A_753] {strides = array<i32>} : memref<1024xf32, #tpu.memory_space<vmem>>, vector<16xf32>,
    %add3A_755 = arith.addf %get3A_752, %get3A_754 : vector<16xf32>
    %swap3A_756 = arith.constant 32 : index
    %swap3A_757 = tpu.vector_load %arg15[%swap3A_756] {strides = array<i32>} : memref<1024xf32, #tpu.memory_space<vmem>>, vector<16xf32>,
    tpu.vector_store %arg15[%swap3A_756], %add3A_755 {strides = array<i32>} : memref<1024xf32, #tpu.memory_space<vmem>>, vector<16xf32>,
    %get3A_758 = arith.constant 32 : index
    %get3A_759 = tpu.vector_load %arg16[%get3A_758] {strides = array<i32>} : memref<1024xf32, #tpu.memory_space<vmem>>, vector<16xf32>,
    %get3A_760 = arith.constant 160 : index
    %get3A_761 = tpu.vector_load %arg16[%get3A_760] {strides = array<i32>} : memref<1024xf32, #tpu.memory_space<vmem>>, vector<16xf32>,
    %add3A_762 = arith.addf %get3A_759, %get3A_761 : vector<16xf32>
    %swap3A_763 = arith.constant 32 : index
    %swap3A_764 = tpu.vector_load %arg16[%swap3A_763] {strides = array<i32>} : memref<1024xf32, #tpu.memory_space<vmem>>, vector<16xf32>,
    tpu.vector_store %arg16[%swap3A_763], %add3A_762 {strides = array<i32>} : memref<1024xf32, #tpu.memory_space<vmem>>, vector<16xf32>,
    %get3A_765 = arith.constant 48 : index
    %get3A_766 = tpu.vector_load %arg15[%get3A_765] {strides = array<i32>} : memref<1024xf32, #tpu.memory_space<vmem>>, vector<16xf32>,
    %get3A_767 = arith.constant 176 : index
    %get3A_768 = tpu.vector_load %arg15[%get3A_767] {strides = array<i32>} : memref<1024xf32, #tpu.memory_space<vmem>>, vector<16xf32>,
    %add3A_769 = arith.addf %get3A_766, %get3A_768 : vector<16xf32>
    %swap3A_770 = arith.constant 48 : index
    %swap3A_771 = tpu.vector_load %arg15[%swap3A_770] {strides = array<i32>} : memref<1024xf32, #tpu.memory_space<vmem>>, vector<16xf32>,
    tpu.vector_store %arg15[%swap3A_770], %add3A_769 {strides = array<i32>} : memref<1024xf32, #tpu.memory_space<vmem>>, vector<16xf32>,
    %get3A_772 = arith.constant 48 : index
    %get3A_773 = tpu.vector_load %arg16[%get3A_772] {strides = array<i32>} : memref<1024xf32, #tpu.memory_space<vmem>>, vector<16xf32>,
    %get3A_774 = arith.constant 176 : index
    %get3A_775 = tpu.vector_load %arg16[%get3A_774] {strides = array<i32>} : memref<1024xf32, #tpu.memory_space<vmem>>, vector<16xf32>,
    %add3A_776 = arith.addf %get3A_773, %get3A_775 : vector<16xf32>
    %swap3A_777 = arith.constant 48 : index
    %swap3A_778 = tpu.vector_load %arg16[%swap3A_777] {strides = array<i32>} : memref<1024xf32, #tpu.memory_space<vmem>>, vector<16xf32>,
    tpu.vector_store %arg16[%swap3A_777], %add3A_776 {strides = array<i32>} : memref<1024xf32, #tpu.memory_space<vmem>>, vector<16xf32>,
    %get3A_779 = arith.constant 64 : index
    %get3A_780 = tpu.vector_load %arg15[%get3A_779] {strides = array<i32>} : memref<1024xf32, #tpu.memory_space<vmem>>, vector<16xf32>,
    %get3A_781 = arith.constant 192 : index
    %get3A_782 = tpu.vector_load %arg15[%get3A_781] {strides = array<i32>} : memref<1024xf32, #tpu.memory_space<vmem>>, vector<16xf32>,
    %add3A_783 = arith.addf %get3A_780, %get3A_782 : vector<16xf32>
    %swap3A_784 = arith.constant 64 : index
    %swap3A_785 = tpu.vector_load %arg15[%swap3A_784] {strides = array<i32>} : memref<1024xf32, #tpu.memory_space<vmem>>, vector<16xf32>,
    tpu.vector_store %arg15[%swap3A_784], %add3A_783 {strides = array<i32>} : memref<1024xf32, #tpu.memory_space<vmem>>, vector<16xf32>,
    %get3A_786 = arith.constant 64 : index
    %get3A_787 = tpu.vector_load %arg16[%get3A_786] {strides = array<i32>} : memref<1024xf32, #tpu.memory_space<vmem>>, vector<16xf32>,
    %get3A_788 = arith.constant 192 : index
    %get3A_789 = tpu.vector_load %arg16[%get3A_788] {strides = array<i32>} : memref<1024xf32, #tpu.memory_space<vmem>>, vector<16xf32>,
    %add3A_790 = arith.addf %get3A_787, %get3A_789 : vector<16xf32>
    %swap3A_791 = arith.constant 64 : index
    %swap3A_792 = tpu.vector_load %arg16[%swap3A_791] {strides = array<i32>} : memref<1024xf32, #tpu.memory_space<vmem>>, vector<16xf32>,
    tpu.vector_store %arg16[%swap3A_791], %add3A_790 {strides = array<i32>} : memref<1024xf32, #tpu.memory_space<vmem>>, vector<16xf32>,
    %get3A_793 = arith.constant 80 : index
    %get3A_794 = tpu.vector_load %arg15[%get3A_793] {strides = array<i32>} : memref<1024xf32, #tpu.memory_space<vmem>>, vector<16xf32>,
    %get3A_795 = arith.constant 208 : index
    %get3A_796 = tpu.vector_load %arg15[%get3A_795] {strides = array<i32>} : memref<1024xf32, #tpu.memory_space<vmem>>, vector<16xf32>,
    %add3A_797 = arith.addf %get3A_794, %get3A_796 : vector<16xf32>
    %swap3A_798 = arith.constant 80 : index
    %swap3A_799 = tpu.vector_load %arg15[%swap3A_798] {strides = array<i32>} : memref<1024xf32, #tpu.memory_space<vmem>>, vector<16xf32>,
    tpu.vector_store %arg15[%swap3A_798], %add3A_797 {strides = array<i32>} : memref<1024xf32, #tpu.memory_space<vmem>>, vector<16xf32>,
    %get3A_800 = arith.constant 80 : index
    %get3A_801 = tpu.vector_load %arg16[%get3A_800] {strides = array<i32>} : memref<1024xf32, #tpu.memory_space<vmem>>, vector<16xf32>,
    %get3A_802 = arith.constant 208 : index
    %get3A_803 = tpu.vector_load %arg16[%get3A_802] {strides = array<i32>} : memref<1024xf32, #tpu.memory_space<vmem>>, vector<16xf32>,
    %add3A_804 = arith.addf %get3A_801, %get3A_803 : vector<16xf32>
    %swap3A_805 = arith.constant 80 : index
    %swap3A_806 = tpu.vector_load %arg16[%swap3A_805] {strides = array<i32>} : memref<1024xf32, #tpu.memory_space<vmem>>, vector<16xf32>,
    tpu.vector_store %arg16[%swap3A_805], %add3A_804 {strides = array<i32>} : memref<1024xf32, #tpu.memory_space<vmem>>, vector<16xf32>,
    %get3A_807 = arith.constant 96 : index
    %get3A_808 = tpu.vector_load %arg15[%get3A_807] {strides = array<i32>} : memref<1024xf32, #tpu.memory_space<vmem>>, vector<16xf32>,
    %get3A_809 = arith.constant 224 : index
    %get3A_810 = tpu.vector_load %arg15[%get3A_809] {strides = array<i32>} : memref<1024xf32, #tpu.memory_space<vmem>>, vector<16xf32>,
    %add3A_811 = arith.addf %get3A_808, %get3A_810 : vector<16xf32>
    %swap3A_812 = arith.constant 96 : index
    %swap3A_813 = tpu.vector_load %arg15[%swap3A_812] {strides = array<i32>} : memref<1024xf32, #tpu.memory_space<vmem>>, vector<16xf32>,
    tpu.vector_store %arg15[%swap3A_812], %add3A_811 {strides = array<i32>} : memref<1024xf32, #tpu.memory_space<vmem>>, vector<16xf32>,
    %get3A_814 = arith.constant 96 : index
    %get3A_815 = tpu.vector_load %arg16[%get3A_814] {strides = array<i32>} : memref<1024xf32, #tpu.memory_space<vmem>>, vector<16xf32>,
    %get3A_816 = arith.constant 224 : index
    %get3A_817 = tpu.vector_load %arg16[%get3A_816] {strides = array<i32>} : memref<1024xf32, #tpu.memory_space<vmem>>, vector<16xf32>,
    %add3A_818 = arith.addf %get3A_815, %get3A_817 : vector<16xf32>
    %swap3A_819 = arith.constant 96 : index
    %swap3A_820 = tpu.vector_load %arg16[%swap3A_819] {strides = array<i32>} : memref<1024xf32, #tpu.memory_space<vmem>>, vector<16xf32>,
    tpu.vector_store %arg16[%swap3A_819], %add3A_818 {strides = array<i32>} : memref<1024xf32, #tpu.memory_space<vmem>>, vector<16xf32>,
    %get3A_821 = arith.constant 112 : index
    %get3A_822 = tpu.vector_load %arg15[%get3A_821] {strides = array<i32>} : memref<1024xf32, #tpu.memory_space<vmem>>, vector<16xf32>,
    %get3A_823 = arith.constant 240 : index
    %get3A_824 = tpu.vector_load %arg15[%get3A_823] {strides = array<i32>} : memref<1024xf32, #tpu.memory_space<vmem>>, vector<16xf32>,
    %add3A_825 = arith.addf %get3A_822, %get3A_824 : vector<16xf32>
    %swap3A_826 = arith.constant 112 : index
    %swap3A_827 = tpu.vector_load %arg15[%swap3A_826] {strides = array<i32>} : memref<1024xf32, #tpu.memory_space<vmem>>, vector<16xf32>,
    tpu.vector_store %arg15[%swap3A_826], %add3A_825 {strides = array<i32>} : memref<1024xf32, #tpu.memory_space<vmem>>, vector<16xf32>,
    %get3A_828 = arith.constant 112 : index
    %get3A_829 = tpu.vector_load %arg16[%get3A_828] {strides = array<i32>} : memref<1024xf32, #tpu.memory_space<vmem>>, vector<16xf32>,
    %get3A_830 = arith.constant 240 : index
    %get3A_831 = tpu.vector_load %arg16[%get3A_830] {strides = array<i32>} : memref<1024xf32, #tpu.memory_space<vmem>>, vector<16xf32>,
    %add3A_832 = arith.addf %get3A_829, %get3A_831 : vector<16xf32>
    %swap3A_833 = arith.constant 112 : index
    %swap3A_834 = tpu.vector_load %arg16[%swap3A_833] {strides = array<i32>} : memref<1024xf32, #tpu.memory_space<vmem>>, vector<16xf32>,
    tpu.vector_store %arg16[%swap3A_833], %add3A_832 {strides = array<i32>} : memref<1024xf32, #tpu.memory_space<vmem>>, vector<16xf32>,
    %get3A_835 = arith.constant 0 : index
    %get3A_836 = tpu.vector_load %arg15[%get3A_835] {strides = array<i32>} : memref<1024xf32, #tpu.memory_space<vmem>>, vector<16xf32>,
    %get3A_837 = arith.constant 64 : index
    %get3A_838 = tpu.vector_load %arg15[%get3A_837] {strides = array<i32>} : memref<1024xf32, #tpu.memory_space<vmem>>, vector<16xf32>,
    %add3A_839 = arith.addf %get3A_836, %get3A_838 : vector<16xf32>
    %swap3A_840 = arith.constant 0 : index
    %swap3A_841 = tpu.vector_load %arg15[%swap3A_840] {strides = array<i32>} : memref<1024xf32, #tpu.memory_space<vmem>>, vector<16xf32>,
    tpu.vector_store %arg15[%swap3A_840], %add3A_839 {strides = array<i32>} : memref<1024xf32, #tpu.memory_space<vmem>>, vector<16xf32>,
    %get3A_842 = arith.constant 0 : index
    %get3A_843 = tpu.vector_load %arg16[%get3A_842] {strides = array<i32>} : memref<1024xf32, #tpu.memory_space<vmem>>, vector<16xf32>,
    %get3A_844 = arith.constant 64 : index
    %get3A_845 = tpu.vector_load %arg16[%get3A_844] {strides = array<i32>} : memref<1024xf32, #tpu.memory_space<vmem>>, vector<16xf32>,
    %add3A_846 = arith.addf %get3A_843, %get3A_845 : vector<16xf32>
    %swap3A_847 = arith.constant 0 : index
    %swap3A_848 = tpu.vector_load %arg16[%swap3A_847] {strides = array<i32>} : memref<1024xf32, #tpu.memory_space<vmem>>, vector<16xf32>,
    tpu.vector_store %arg16[%swap3A_847], %add3A_846 {strides = array<i32>} : memref<1024xf32, #tpu.memory_space<vmem>>, vector<16xf32>,
    %get3A_849 = arith.constant 16 : index
    %get3A_850 = tpu.vector_load %arg15[%get3A_849] {strides = array<i32>} : memref<1024xf32, #tpu.memory_space<vmem>>, vector<16xf32>,
    %get3A_851 = arith.constant 80 : index
    %get3A_852 = tpu.vector_load %arg15[%get3A_851] {strides = array<i32>} : memref<1024xf32, #tpu.memory_space<vmem>>, vector<16xf32>,
    %add3A_853 = arith.addf %get3A_850, %get3A_852 : vector<16xf32>
    %swap3A_854 = arith.constant 16 : index
    %swap3A_855 = tpu.vector_load %arg15[%swap3A_854] {strides = array<i32>} : memref<1024xf32, #tpu.memory_space<vmem>>, vector<16xf32>,
    tpu.vector_store %arg15[%swap3A_854], %add3A_853 {strides = array<i32>} : memref<1024xf32, #tpu.memory_space<vmem>>, vector<16xf32>,
    %get3A_856 = arith.constant 16 : index
    %get3A_857 = tpu.vector_load %arg16[%get3A_856] {strides = array<i32>} : memref<1024xf32, #tpu.memory_space<vmem>>, vector<16xf32>,
    %get3A_858 = arith.constant 80 : index
    %get3A_859 = tpu.vector_load %arg16[%get3A_858] {strides = array<i32>} : memref<1024xf32, #tpu.memory_space<vmem>>, vector<16xf32>,
    %add3A_860 = arith.addf %get3A_857, %get3A_859 : vector<16xf32>
    %swap3A_861 = arith.constant 16 : index
    %swap3A_862 = tpu.vector_load %arg16[%swap3A_861] {strides = array<i32>} : memref<1024xf32, #tpu.memory_space<vmem>>, vector<16xf32>,
    tpu.vector_store %arg16[%swap3A_861], %add3A_860 {strides = array<i32>} : memref<1024xf32, #tpu.memory_space<vmem>>, vector<16xf32>,
    %get3A_863 = arith.constant 32 : index
    %get3A_864 = tpu.vector_load %arg15[%get3A_863] {strides = array<i32>} : memref<1024xf32, #tpu.memory_space<vmem>>, vector<16xf32>,
    %get3A_865 = arith.constant 96 : index
    %get3A_866 = tpu.vector_load %arg15[%get3A_865] {strides = array<i32>} : memref<1024xf32, #tpu.memory_space<vmem>>, vector<16xf32>,
    %add3A_867 = arith.addf %get3A_864, %get3A_866 : vector<16xf32>
    %swap3A_868 = arith.constant 32 : index
    %swap3A_869 = tpu.vector_load %arg15[%swap3A_868] {strides = array<i32>} : memref<1024xf32, #tpu.memory_space<vmem>>, vector<16xf32>,
    tpu.vector_store %arg15[%swap3A_868], %add3A_867 {strides = array<i32>} : memref<1024xf32, #tpu.memory_space<vmem>>, vector<16xf32>,
    %get3A_870 = arith.constant 32 : index
    %get3A_871 = tpu.vector_load %arg16[%get3A_870] {strides = array<i32>} : memref<1024xf32, #tpu.memory_space<vmem>>, vector<16xf32>,
    %get3A_872 = arith.constant 96 : index
    %get3A_873 = tpu.vector_load %arg16[%get3A_872] {strides = array<i32>} : memref<1024xf32, #tpu.memory_space<vmem>>, vector<16xf32>,
    %add3A_874 = arith.addf %get3A_871, %get3A_873 : vector<16xf32>
    %swap3A_875 = arith.constant 32 : index
    %swap3A_876 = tpu.vector_load %arg16[%swap3A_875] {strides = array<i32>} : memref<1024xf32, #tpu.memory_space<vmem>>, vector<16xf32>,
    tpu.vector_store %arg16[%swap3A_875], %add3A_874 {strides = array<i32>} : memref<1024xf32, #tpu.memory_space<vmem>>, vector<16xf32>,
    %get3A_877 = arith.constant 48 : index
    %get3A_878 = tpu.vector_load %arg15[%get3A_877] {strides = array<i32>} : memref<1024xf32, #tpu.memory_space<vmem>>, vector<16xf32>,
    %get3A_879 = arith.constant 112 : index
    %get3A_880 = tpu.vector_load %arg15[%get3A_879] {strides = array<i32>} : memref<1024xf32, #tpu.memory_space<vmem>>, vector<16xf32>,
    %add3A_881 = arith.addf %get3A_878, %get3A_880 : vector<16xf32>
    %swap3A_882 = arith.constant 48 : index
    %swap3A_883 = tpu.vector_load %arg15[%swap3A_882] {strides = array<i32>} : memref<1024xf32, #tpu.memory_space<vmem>>, vector<16xf32>,
    tpu.vector_store %arg15[%swap3A_882], %add3A_881 {strides = array<i32>} : memref<1024xf32, #tpu.memory_space<vmem>>, vector<16xf32>,
    %get3A_884 = arith.constant 48 : index
    %get3A_885 = tpu.vector_load %arg16[%get3A_884] {strides = array<i32>} : memref<1024xf32, #tpu.memory_space<vmem>>, vector<16xf32>,
    %get3A_886 = arith.constant 112 : index
    %get3A_887 = tpu.vector_load %arg16[%get3A_886] {strides = array<i32>} : memref<1024xf32, #tpu.memory_space<vmem>>, vector<16xf32>,
    %add3A_888 = arith.addf %get3A_885, %get3A_887 : vector<16xf32>
    %swap3A_889 = arith.constant 48 : index
    %swap3A_890 = tpu.vector_load %arg16[%swap3A_889] {strides = array<i32>} : memref<1024xf32, #tpu.memory_space<vmem>>, vector<16xf32>,
    tpu.vector_store %arg16[%swap3A_889], %add3A_888 {strides = array<i32>} : memref<1024xf32, #tpu.memory_space<vmem>>, vector<16xf32>,
    %mul3A_891 = arith.constant 64 : i32
    %mul3A_892 = arith.muli %add3A, %mul3A_891 : i32
    "tpu.region"() ({
      %run_scoped3A = tpu.sem_alloc : memref<!tpu.dma_semaphore, #tpu.memory_space<semaphore_mem>>
      %dma_start3A_895 = arith.constant 0 : i32
      %dma_start3A_896 = tpu.memref_slice %arg15[%dma_start3A_895] : memref<1024xf32, #tpu.memory_space<vmem>> -> memref<64xf32, #tpu.memory_space<vmem>>
      %dma_start3A_897 = tpu.memref_slice %arg6[%mul3A_892] : memref<2048xf32, #tpu.memory_space<hbm>> -> memref<64xf32, #tpu.memory_space<hbm>>
      %dma_start3A_898 = tpu.memref_slice %arg6[%mul3A_892] : memref<2048xf32, #tpu.memory_space<hbm>> -> memref<64xf32, #tpu.memory_space<hbm>>
      %dma_start3A_899 = arith.constant 0 : i32
      %dma_start3A_900 = tpu.memref_slice %arg15[%dma_start3A_899] : memref<1024xf32, #tpu.memory_space<vmem>> -> memref<64xf32, #tpu.memory_space<vmem>>
      tpu.enqueue_dma source(%dma_start3A_900 : memref<64xf32, #tpu.memory_space<vmem>>) target(%dma_start3A_898 : memref<64xf32, #tpu.memory_space<hbm>>) target_semaphore(%run_scoped3A : memref<!tpu.dma_semaphore, #tpu.memory_space<semaphore_mem>>)
      %dma_wait3A_901 = arith.constant 0 : i32
      %dma_wait3A_902 = tpu.memref_slice %arg15[%dma_wait3A_901] : memref<1024xf32, #tpu.memory_space<vmem>> -> memref<64xf32, #tpu.memory_space<vmem>>
      %dma_wait3A_903 = tpu.memref_slice %arg6[%mul3A_892] : memref<2048xf32, #tpu.memory_space<hbm>> -> memref<64xf32, #tpu.memory_space<hbm>>
      %dma_wait3A_904 = tpu.memref_slice %arg6[%mul3A_892] : memref<2048xf32, #tpu.memory_space<hbm>> -> memref<64xf32, #tpu.memory_space<hbm>>
      %dma_wait3A_905 = arith.constant 0 : i32
      %dma_wait3A_906 = tpu.memref_slice %arg15[%dma_wait3A_905] : memref<1024xf32, #tpu.memory_space<vmem>> -> memref<64xf32, #tpu.memory_space<vmem>>
      tpu.wait_dma2 semaphore(%run_scoped3A : memref<!tpu.dma_semaphore, #tpu.memory_space<semaphore_mem>>) src(%dma_wait3A_906 : memref<64xf32, #tpu.memory_space<vmem>>) dst(%dma_wait3A_904 : memref<64xf32, #tpu.memory_space<hbm>>)
      tpu.yield
    }) : () -> ()
    %mul3A_893 = arith.constant 64 : i32
    %mul3A_894 = arith.muli %add3A, %mul3A_893 : i32
    "tpu.region"() ({
      %run_scoped3A = tpu.sem_alloc : memref<!tpu.dma_semaphore, #tpu.memory_space<semaphore_mem>>
      %dma_start3A_895 = arith.constant 0 : i32
      %dma_start3A_896 = tpu.memref_slice %arg16[%dma_start3A_895] : memref<1024xf32, #tpu.memory_space<vmem>> -> memref<64xf32, #tpu.memory_space<vmem>>
      %dma_start3A_897 = tpu.memref_slice %arg7[%mul3A_894] : memref<2048xf32, #tpu.memory_space<hbm>> -> memref<64xf32, #tpu.memory_space<hbm>>
      %dma_start3A_898 = tpu.memref_slice %arg7[%mul3A_894] : memref<2048xf32, #tpu.memory_space<hbm>> -> memref<64xf32, #tpu.memory_space<hbm>>
      %dma_start3A_899 = arith.constant 0 : i32
      %dma_start3A_900 = tpu.memref_slice %arg16[%dma_start3A_899] : memref<1024xf32, #tpu.memory_space<vmem>> -> memref<64xf32, #tpu.memory_space<vmem>>
      tpu.enqueue_dma source(%dma_start3A_900 : memref<64xf32, #tpu.memory_space<vmem>>) target(%dma_start3A_898 : memref<64xf32, #tpu.memory_space<hbm>>) target_semaphore(%run_scoped3A : memref<!tpu.dma_semaphore, #tpu.memory_space<semaphore_mem>>)
      %dma_wait3A_901 = arith.constant 0 : i32
      %dma_wait3A_902 = tpu.memref_slice %arg16[%dma_wait3A_901] : memref<1024xf32, #tpu.memory_space<vmem>> -> memref<64xf32, #tpu.memory_space<vmem>>
      %dma_wait3A_903 = tpu.memref_slice %arg7[%mul3A_894] : memref<2048xf32, #tpu.memory_space<hbm>> -> memref<64xf32, #tpu.memory_space<hbm>>
      %dma_wait3A_904 = tpu.memref_slice %arg7[%mul3A_894] : memref<2048xf32, #tpu.memory_space<hbm>> -> memref<64xf32, #tpu.memory_space<hbm>>
      %dma_wait3A_905 = arith.constant 0 : i32
      %dma_wait3A_906 = tpu.memref_slice %arg16[%dma_wait3A_905] : memref<1024xf32, #tpu.memory_space<vmem>> -> memref<64xf32, #tpu.memory_space<vmem>>
      tpu.wait_dma2 semaphore(%run_scoped3A : memref<!tpu.dma_semaphore, #tpu.memory_space<semaphore_mem>>) src(%dma_wait3A_906 : memref<64xf32, #tpu.memory_space<vmem>>) dst(%dma_wait3A_904 : memref<64xf32, #tpu.memory_space<hbm>>)
      tpu.yield
    }) : () -> ()
    return
  }
}

module attributes {stable_mosaic.version = 14 : i64} {
  func.func @_fin_body(%arg0: memref<32x64xf32, #tpu.memory_space<vmem>>, %arg1: memref<32x64xf32, #tpu.memory_space<vmem>>, %arg2: memref<1x1xf32, #tpu.memory_space<vmem>>, %arg3: memref<1x1xf32, #tpu.memory_space<vmem>>) attributes {dimension_semantics = [], scalar_prefetch = 0 : i64, scratch_operands = 0 : i64, tpu.core_type = #tpu.core_type<tc>} {
    %get3A = arith.constant 0 : index
    %get3A_0 = arith.constant 0 : index
    %get3A_1 = vector.load %arg0[%get3A, %get3A_0] : memref<32x64xf32, #tpu.memory_space<vmem>>, vector<32x64xf32>
    %reduce_sum3A = arith.constant dense<0.000000e+00> : vector<64xf32>
    %reduce_sum3A_2 = vector.multi_reduction <add>, %get3A_1, %reduce_sum3A [0] : vector<32x64xf32> to vector<64xf32>
    %broadcast_in_dim3A = vector.shape_cast %reduce_sum3A_2 : vector<64xf32> to vector<1x64xf32>
    %get3A_3 = arith.constant 0 : index
    %get3A_4 = arith.constant 0 : index
    %get3A_5 = vector.load %arg1[%get3A_3, %get3A_4] : memref<32x64xf32, #tpu.memory_space<vmem>>, vector<32x64xf32>
    %reduce_sum3A_6 = arith.constant dense<0.000000e+00> : vector<64xf32>
    %reduce_sum3A_7 = vector.multi_reduction <add>, %get3A_5, %reduce_sum3A_6 [0] : vector<32x64xf32> to vector<64xf32>
    %broadcast_in_dim3A_8 = vector.shape_cast %reduce_sum3A_7 : vector<64xf32> to vector<1x64xf32>
    %max3A = arith.constant 1.000000e+00 : f32
    %max3A_9 = vector.broadcast %max3A : f32 to vector<1x64xf32>
    %max3A_10 = arith.maximumf %broadcast_in_dim3A_8, %max3A_9 : vector<1x64xf32>
    %div3A = arith.divf %broadcast_in_dim3A, %max3A_10 : vector<1x64xf32>
    %reduce_sum3A_11 = vector.shape_cast %div3A : vector<1x64xf32> to vector<1x1x64xf32>
    %reduce_sum3A_12 = arith.constant dense<0.000000e+00> : vector<1xf32>
    %reduce_sum3A_13 = vector.multi_reduction <add>, %reduce_sum3A_11, %reduce_sum3A_12 [1, 2] : vector<1x1x64xf32> to vector<1xf32>
    %reduce_sum3A_14 = vector.shape_cast %reduce_sum3A_13 : vector<1xf32> to vector<1x1x1xf32>
    %reduce_sum3A_15 = vector.extract %reduce_sum3A_14[0, 0, 0] : f32 from vector<1x1x1xf32>
    %broadcast_in_dim3A_16 = vector.broadcast %reduce_sum3A_15 : f32 to vector<1x1xf32>
    %get3A_17 = arith.constant 0 : index
    %get3A_18 = arith.constant 0 : index
    %get3A_19 = vector.load %arg2[%get3A_17, %get3A_18] : memref<1x1xf32, #tpu.memory_space<vmem>>, vector<1x1xf32>
    %div3A_20 = arith.divf %broadcast_in_dim3A_16, %get3A_19 : vector<1x1xf32>
    %swap3A = arith.constant 0 : index
    %swap3A_21 = arith.constant 0 : index
    %swap3A_22 = vector.load %arg3[%swap3A, %swap3A_21] : memref<1x1xf32, #tpu.memory_space<vmem>>, vector<1x1xf32>
    tpu.vector_store %arg3[%swap3A, %swap3A_21], %div3A_20 {strides = array<i32>} : memref<1x1xf32, #tpu.memory_space<vmem>>, vector<1x1xf32>,
    return
  }
}

</mosaic_0001>

<sc_bundles>
// kernel: kernel.4.cloned.1.call-start
scs
__scs_entry_jumppad:
0x0: {  	(pc) =	sbr.rel $0x88, $3  }
0x1: {  	(tag) =	ssettag $0x0;
	lr =	simm.s32 $0x1  }
0x2: {  	[smem:$0x3F9D] =	sst lr;
	_ =	strace $0xD0000000  }
0x3: {  	_ = 	snop  }
0x4: {  	_ = 	snop  }
0x5: {  	_ = 	snop  }
0x6: {  	_ = 	snop  }
0x7: {  	_ = 	snop  }
__scs_overlays_trampoline_lowered:
0x8: {  	[smem:$0x3FAC] =	sst s0  }
0x9: {  	[smem:$0x3FAD] =	sst s1  }
0xa: {  	[smem:$0x3FAE] =	sst s2  }
0xb: {  	[smem:$0x3FAF] =	sst s3  }
0xc: {  	[smem:$0x3FB0] =	sst s4  }
0xd: {  	[smem:$0x3FB1] =	sst s5  }
0xe: {  	[smem:$0x3FB2] =	sst s6  }
0xf: {  	[smem:$0x3FB3] =	sst s7  }
0x10: {  	[smem:$0x3FB4] =	sst s8  }
0x11: {  	[smem:$0x3FB5] =	sst s9;
	s0 =	simm.s32 @!p0 $0x0  }
0x12: {  	s1 =	sld [smem:$0x3F9B];
	s0 =	simm.s32 @p0 $0x1  }
0x13: {  	[smem:$0x3FB6] =	sst s0;
	s0 =	simm.s32 @!p1 $0x0  }
0x14: {  	s2 =	sld [smem:$0x3F9A];
	s0 =	simm.s32 @p1 $0x1  }
0x15: {  	[smem:$0x3FB7] =	sst s0;
	s0 =	simm.s32 @!p2 $0x0  }
0x16: {  	s3 =	sld [smem:$0x3FDB];
	s0 =	simm.s32 @p2 $0x1  }
0x17: {  	s4 =	simm.s32 $0x1BF5;
	[smem:$0x3FB9] =	sst s0  }
0x18: {  	s0 =	sld [smem:$0x3F9C];
	_ =	swait.ge [sflag:s4], $0x0  }
0x19: {  	s7 =	sld [smem:$0x3F9D]  }
0x1a: {  	s8 =	sadd.s32 $0xFFFFE003, lr  }
0x1b: {  	s9 =	sadd.s32 $0xFFFFFEF7, lr;
	s5 =	simm.s32 $0xFFFFFFFF;
	p2 =	slt.u32 s8, $0xFFFFF086  }
0x1c: {  	p1 =	slt.u32 s9, $0xF7A;
	s5 =	simm.s32 @!p2 $0x0  }
0x1d: {  	s5 =	simm.s32 @p1 $0x1;
	p0 =	seq.s32 s7, s2  }
0x1e: {  	s7 =	smul.u32 @!p0 $0xF7A, s2;
	p2 =	seq.s32 @!p0 s5, $0x0  }
0x1f: {  	s9 =	smul.u32 $0xF7A, s1;
	s8 =	simm.s32 @!p0 $0x1BF5;
	p2 =	por !p2, p0  }
0x20: {  	[sflag:s8] =	ssyncset.s32 @!p0 $0xFFFFF086;
	s6 =	sadd.s32 @!p0 s3, s7;
	s7 =	simm.s32 @!p0 $0x108  }
0x21: {  	s3 =	sadd.s32 s3, s9;
	s6 =	sadd.s32 @!p0 $0x88, s6;
	s7 =	simm.s32 @p2 $0x1082  }
0x22: {  	[simem:s7], [sflag:s8] =	dma.local @!p0 [hbm:s6], $0xF7A  }
0x23: {  	s9 =	sor.u32 $0xD0000000, s2;
	s6 =	simm.s32 $0x108;
	_ =	swait.ge @!p0 [sflag:s8], $0x0  }
0x24: {  	s3 =	sadd.s32 $0x88, s3;
	s6 =	simm.s32 @!p1 $0x1082;
	[sflag:s4] =	ssyncset.s32 $0xFFFFF086  }
0x25: {  	[simem:s6], [sflag:s4] =	dma.local [hbm:s3], $0xF7A  }
0x26: {  	[smem:$0x3F9D] =	sst s1;
	(tag) =	ssettag s2;
	_ =	strace s9  }
0x27: {  	s1 =	sld [smem:$0x3FAD]  }
0x28: {  	s2 =	sld [smem:$0x3FAE]  }
0x29: {  	s4 =	sld [smem:$0x3FB0]  }
0x2a: {  	p0 =	seq.s32 s5, $0x0;
	s5 =	sld [smem:$0x3FB1]  }
0x2b: {  	s6 =	sld [smem:$0x3FB2]  }
0x2c: {  	s7 =	sld [smem:$0x3FB3]  }
0x2d: {  	s3 =	simm.s32 $0x108;
	s8 =	sld [smem:$0x3FB4]  }
0x2e: {  	s3 =	simm.s32 @!p0 $0x1082;
	s9 =	sld [smem:$0x3FB5]  }
0x2f: {  	lr =	sadd.s32 s0, s3;
	s0 =	sld [smem:$0x3FAC]  }
0x30: {  	s3 =	sld [smem:$0x3FAF]  }
0x31: {  	[smem:$0x3FB8] =	sst s10  }
0x32: {  	s10 =	sld [smem:$0x3FB6];
	_ =	sdelay $0x3  }
0x33: {  	p0 =	seq.s32 s10, $0x1;
	s10 =	sld [smem:$0x3FB8];
	_ =	sdelay $0x3  }
0x34: {  	[smem:$0x3FB8] =	sst s10  }
0x35: {  	s10 =	sld [smem:$0x3FB7];
	_ =	sdelay $0x3  }
0x36: {  	p1 =	seq.s32 s10, $0x1;
	s10 =	sld [smem:$0x3FB8];
	_ =	sdelay $0x3  }
0x37: {  	[smem:$0x3FB8] =	sst s10  }
0x38: {  	s10 =	sld [smem:$0x3FB9]  }
0x39: {  	_ = 	snop;
	(pc) =	sbr.ind lr, $3  }
0x3a: {  	_ = 	snop  }
0x3b: {  	_ = 	snop  }
0x3c: {  	p2 =	seq.s32 s10, $0x1;
	s10 =	sld [smem:$0x3FB8]  }
0x3d: {  	_ =	shalt  }
0x3e: {  	_ =	shalt  }
0x3f: {  	_ =	shalt  }
0x40: {  	_ =	shalt  }
0x41: {  	_ =	shalt  }
0x42: {  	_ =	shalt  }
0x43: {  	_ =	shalt  }
0x44: {  	_ =	shalt  }
0x45: {  	_ =	shalt  }
0x46: {  	_ =	shalt  }
0x47: {  	_ =	shalt  }
0x48: {  	_ =	shalt  }
0x49: {  	_ =	shalt  }
0x4a: {  	_ =	shalt  }
0x4b: {  	_ =	shalt  }
0x4c: {  	_ =	shalt  }
0x4d: {  	_ =	shalt  }
0x4e: {  	_ =	shalt  }
0x4f: {  	_ =	shalt  }
0x50: {  	_ =	shalt  }
0x51: {  	_ =	shalt  }
0x52: {  	_ =	shalt  }
0x53: {  	_ =	shalt  }
0x54: {  	_ =	shalt  }
0x55: {  	_ =	shalt  }
0x56: {  	_ =	shalt  }
0x57: {  	_ =	shalt  }
0x58: {  	_ =	shalt  }
0x59: {  	_ =	shalt  }
0x5a: {  	_ =	shalt  }
0x5b: {  	_ =	shalt  }
0x5c: {  	_ =	shalt  }
0x5d: {  	_ =	shalt  }
0x5e: {  	_ =	shalt  }
0x5f: {  	_ =	shalt  }
0x60: {  	_ =	shalt  }
0x61: {  	_ =	shalt  }
0x62: {  	_ =	shalt  }
0x63: {  	_ =	shalt  }
0x64: {  	_ =	shalt  }
0x65: {  	_ =	shalt  }
0x66: {  	_ =	shalt  }
0x67: {  	_ =	shalt  }
0x68: {  	_ =	shalt  }
0x69: {  	_ =	shalt  }
0x6a: {  	_ =	shalt  }
0x6b: {  	_ =	shalt  }
0x6c: {  	_ =	shalt  }
0x6d: {  	_ =	shalt  }
0x6e: {  	_ =	shalt  }
0x6f: {  	_ =	shalt  }
0x70: {  	_ =	shalt  }
0x71: {  	_ =	shalt  }
0x72: {  	_ =	shalt  }
0x73: {  	_ =	shalt  }
0x74: {  	_ =	shalt  }
0x75: {  	_ =	shalt  }
0x76: {  	_ =	shalt  }
0x77: {  	_ =	shalt  }
0x78: {  	_ =	shalt  }
0x79: {  	_ =	shalt  }
0x7a: {  	_ =	shalt  }
0x7b: {  	_ =	shalt  }
0x7c: {  	_ =	shalt  }
0x7d: {  	_ =	shalt  }
0x7e: {  	_ =	shalt  }
0x7f: {  	_ =	shalt  }
0x80: {  	_ =	shalt  }
0x81: {  	_ =	shalt  }
0x82: {  	_ =	shalt  }
0x83: {  	_ =	shalt  }
0x84: {  	_ =	shalt  }
0x85: {  	_ =	shalt  }
0x86: {  	_ =	shalt  }
0x87: {  	_ =	shalt  }
.Lfunc_end0:
.L_simem_size_0:
called_computation_lowered:
.L_overlay_start_0:
0x88: {  	s2 =	sld [smem:$0x3FD9]  }
0x89: {  	s3 =	sld [smem:$0x3FFE];
	_ =	sdelay $0x1  }
0x8a: {  	s1 =	srdreg.scid  }
0x8b: {  	s0 =	sand.u32 $0x1, s1  }
0x8c: {  	s17 =	sshll.u32 s0, $0xA;
	s2 =	sadd.s32 s3, s2  }
0x8d: {  	s2 =	sadd.s32 s2, s17  }
0x8e: {  	[smem:$0x3FC4] =	sst s2  }
0x8f: {  	_ = 	snop  }
0x90: {  	s2 =	sld [smem:$0x3FC9]  }
0x91: {  	s18 =	sld [smem:$0x3FC8];
	(tm) =	ssettm $0x1  }
0x92: {  	s4 =	sld [smem:$0x3FFB];
	_ =	sdelay $0x3  }
0x93: {  	_ =	strace s4  }
0x94: {  	s4 =	sld [smem:$0x3FFC];
	_ =	sdelay $0x3  }
0x95: {  	_ =	strace s4  }
0x96: {  	s4 =	sld [smem:$0x3FFD];
	_ =	sdelay $0x3  }
0x97: {  	_ =	strace s4  }
0x98: {  	_ =	strace $0x8FFFFFFF  }
0x99: {  	s19 =	sld [smem:$0x3FDB];
	_ =	sdelay $0x1  }
0x9a: {  	s5 =	simm.s32 $_scs_section_size  }
0x9b: {  	s6 =	simm.s32 $_size__tile_overlayer_lowered;
	s7 =	simm.s32 $_tile_overlayer_lowered  }
0x9c: {  	s22 =	simm.s32 $0x1BFF;
	s21 =	sshll.u32 s7, $0x1;
	s4 =	sadd.s32 s5, s19  }
0x9d: {  	s8 =	simm.s32 $0x0;
	s20 =	sshll.u32 s6, $0x1;
	s6 =	sadd.s32 s21, s4  }
0x9e: {  	[timem:s8], [sflag:s22] =	dma.local [hbm:s6], s20  }
0x9f: {  	_ =	swait.ge [sflag:s22], s20  }
0xa0: {  	s5 =	ssub.s32 $0x0, s20;
	[sflag:s22] =	ssyncset.done $0x0  }
0xa1: {  	[sflag:s22] =	ssyncadd.s32 s5;
	_ =	sdelay $0x1  }
0xa2: {  	s23 =	simm.s32 $0x1B8B  }
0xa3: {  	_ =	swait.ge [sflag:s23], $0x1  }
0xa4: {  	[sflag:s23] =	ssyncset.done $0x0  }
0xa5: {  	s25 =	simm.s32 $0x1B8E;
	s24 =	sld [smem:$0x3FFE];
	[sflag:s23] =	ssyncadd.s32 $0xFFFFFFFF  }
0xa6: {  	s26 =	simm.s32 $execute0_lowered;
	[smem:$0x3FD2] =	sst s25  }
0xa7: {  	s6 =	sshll.u32 s26, $0x1;
	_ =	strace $0x80000046;
	[dreg:$0x1] =	wrdreg $0xFFFFFFFF  }
0xa8: {  	s28 =	simm.s32 $_size_execute0_lowered;
	s4 =	sadd.s32 s4, s6;
	[dreg:$0x0] =	wrdreg $0x0  }
0xa9: {  	s6 =	sshll.u32 s28, $0x1;
	[dreg:$0x2] =	wrdreg s4  }
0xaa: {  	[dreg:$0x3] =	wrdreg s6  }
0xab: {  	[dreg:$0x4] =	wrdreg $0xC0  }
0xac: {  	_ =	task [dreg:s8], $0x5FFFF  }
0xad: {  	[dreg:$0x1] =	wrdreg $0xFFFFFFFF  }
0xae: {  	[dreg:$0x0] =	wrdreg $0x60  }
0xaf: {  	[dreg:$0x2] =	wrdreg s2  }
0xb0: {  	[dreg:$0x3] =	wrdreg s18  }
0xb1: {  	[dreg:$0x4] =	wrdreg s24  }
0xb2: {  	[dreg:$0x5] =	wrdreg $0x9  }
0xb3: {  	_ =	task.clear_ibuf [dreg:s8], $0x6FFFF;
	_ =	strace $0x90000046  }
0xb4: {  	s29 =	simm.s32 $0x9;
	_ =	strace $0x80000048  }
0xb5: {  	_ =	swait.ge [sflag:s29], $0x1  }
0xb6: {  	[sflag:s29] =	ssyncadd.s32 $0xFFFFFFFF  }
0xb7: {  	_ =	strace $0x90000048  }
0xb8: {  	_ =	sfence  }
0xb9: {  	s30 =	sld [smem:$0x0];
	_ =	sdelay $0x2  }
0xba: {  	s31 =	sshll.u32 s1, $0xD;
	s1 =	sshrl.u32 s1, $0x2  }
0xbb: {  	s3 =	sand.u32 $0x4000, s31;
	s1 =	sadd.s32 s1, s30  }
0xbc: {  	s0 =	sor.u32 s3, s0;
	s1 =	sshll.u32 s1, $0x11  }
0xbd: {  	s0 =	sor.u32 s1, s0  }
0xbe: {  	s0 =	sadd.s32 $0x8F2B, s0  }
0xbf: {  	[sflag:s0] =	ssyncadd.remote.s32 $0x1  }
0xc0: {  	_ =	sfence.sel $0xFFFF  }
0xc1: {  	[dreg:$0x0] =	wrdreg $0xFFFFFFFF;
	(pc) =	sbr.abs _section_cstart, $3  }
0xc2: {  	[dreg:$0x1] =	wrdreg $0xFFFFFFFF  }
0xc3: {  	_ =	task.clear_ibuf [dreg:s8], $0x2FFFF;
	_ =	strace $0x9FFFFFFF  }
0xc4: {  	(tm) =	ssettm $0x7FFFFFFF  }
0xc5: {  	_ =	shalt  }
tec
execute0_lowered:
.L_overlay_start_1:
0x0: {  	(tag) =	ssettag $0x1  }
0x1: {  	s1 =	rddreg [dreg:$0x0]  }
0x2: {  	s2 =	rddreg [dreg:$0x1]  }
0x3: {  	s0 =	rddreg [dreg:$0x2];
	s3 =	srdreg.scid;
	s4 =	simm.s32 $0x0  }
0x4: {  	s6 =	stileid.u32;
	s18 =	simm.s32 $0x3;
	s19 =	simm.s32 $0x7200  }
0x5: {  	s20 =	simm.s32 $0x8200;
	s21 =	simm.s32 $0x6200;
	s22 =	simm.s32 $0x7A00  }
0x6: {  	s28 =	simm.s32 $0x9600;
	s29 =	simm.s32 $0x2;
	s30 =	simm.s32 $0x0  }
0x7: {  	s3 =	sand.u32 $0x1, s3;
	[smem:$0x7FF] =	sst s4;
	s8 =	sadd.s32 $0x400, s0  }
0x8: {  	s5 =	sshll.u32 s3, $0x4;
	_ =	strace $0x80000047;
	s3 =	ssub.s32 $0x2, s3  }
0x9: {  	[dreg:$0x4] =	wrdreg s8;
	s6 =	sor.u32 s6, s5;
	s5 =	sadd.s32 $0x1200, s0  }
0xa: {  	s23 =	sshrl.u32 s3, $0x1;
	s7 =	smul.u32 $0x186A0, s6;
	s6 =	sshll.u32 s6, $0x3  }
0xb: {  	s3 =	ssub.s32 s3, s23;
	s23 =	simm.s32 $0x8A00;
	s0 =	sadd.s32 s6, s0  }
0xc: {  	s17 =	smax.u32 s3, $0x1;
	s24 =	sshrl.u32 s7, $0x3;
	s13 =	sadd.s32 $0xFA0, s7  }
0xd: {  	s14 =	sadd.s32 $0x1770, s7;
	s15 =	sadd.s32 $0x62E00, s0;
	s16 =	sadd.s32 $0x63000, s0  }
0xe: {  	s25 =	sadd.s32 s1, s24;
	s26 =	sadd.s32 s2, s24;
	s31 =	sadd.s32 $0xFA, s24  }
0xf: {  	s9 =	sadd.s32 s5, s24;
	s24 =	simm.s32 $0x6A00;
	[dreg:$0x5] =	wrdreg s25  }
0x10: {  	v1 =	vlaneseq.u32;
	[dreg:$0x6] =	wrdreg s26;
	s10 =	sadd.s32 s1, s31;
	s11 =	sadd.s32 s2, s31  }
0x11: {  	v0 =	vimm.f32 $0.0e+00;
	v2 =	vimm.f32 $1.000000000e+00;
	v1 =	vmul.u32 $0x40, v1;
	s12 =	sadd.s32 s5, s31;
	s25 =	simm.s32 $0x1;
	s26 =	simm.s32 $0x9200  }
.LBB2_1:
0x12: {  	s0 =	rddreg [dreg:$0x4]  }
0x13: {  	[tilespmem:s4], [sflag:$0x3] =	stream.linear.gather [hbm4b:s0+s4], $0x6200, $0x38;
	[tilespmem:$0x9A00] =	vst v63  }
0x14: {  	_ =	swait.ge [sflag:s18], $0x6200  }
0x15: {  	[sflag:s18] =	ssyncset.done $0x0  }
0x16: {  	s3 =	simm.s32 $0x0;
	s0 =	simm.s32 $0x40;
	[sflag:s18] =	ssyncadd.s32 $0xFFFF9E00  }
.LBB2_2:
0x17: {  	p0 =	sne.s32 s0, $0xFC0;
	[tilespmem:s3+$0x9200] =	vst v0;
	s6 =	smov.u32 s0;
	s0 =	sadd.s32 $0x40, s0  }
.Ltmp0:
0x18: {  	[tilespmem:s3+$0x9600] =	vst v0;
	(pc) =	sbr.rel @p0 .LBB2_2-.Ltmp0, $2  }
0x19: {  	_ =	sdelay $0x2  }
0x1a: {  	s3 =	sshra.s32 s6, $0x2  }
0x1b: {  	[tilespmem:s3+$0x9200] =	vst v0  }
0x1c: {  	[tilespmem:s3+$0x9600] =	vst v0;
	s31 =	simm.s32 $0x0;
	s0 =	rddreg [dreg:$0x5]  }
0x1d: {  	[tilespmem:s19], [sflag:$0x1] =	stream.linear.gather [hbm4b:s0+s31], $0x7D0, $0x38;
	[tilespmem:$0x9A00] =	vst v63  }
0x1e: {  	s8 =	rddreg [dreg:$0x6]  }
0x1f: {  	[tilespmem:s20], [sflag:$0x1] =	stream.linear.gather [hbm4b:s8+s31], $0x7D0, $0x38;
	[tilespmem:$0x9A00] =	vst v63  }
0x20: {  	_ = 	snop  }
0x21: {  	[tilespmem:s21], [sflag:$0x1] =	stream.linear.gather [hbm4b:s9+s31], $0x7D0, $0x38;
	[tilespmem:$0x9A00] =	vst v63  }
0x22: {  	_ = 	snop  }
0x23: {  	[tilespmem:s22], [sflag:$0x2] =	stream.linear.gather [hbm4b:s10+s31], $0x7D0, $0x38;
	[tilespmem:$0x9A00] =	vst v63  }
0x24: {  	_ = 	snop  }
0x25: {  	[tilespmem:s23], [sflag:$0x2] =	stream.linear.gather [hbm4b:s11+s31], $0x7D0, $0x38;
	[tilespmem:$0x9A00] =	vst v63  }
0x26: {  	_ = 	snop  }
0x27: {  	[tilespmem:s24], [sflag:$0x2] =	stream.linear.gather [hbm4b:s12+s31], $0x7D0, $0x38;
	[tilespmem:$0x9A00] =	vst v63  }
.LBB2_4:
0x28: {  	_ =	swait.ge [sflag:s25], $0x7D0  }
0x29: {  	[sflag:s25] =	ssyncset.done $0x0  }
0x2a: {  	[sflag:s25] =	ssyncadd.s32 $0xFFFFF830  }
0x2b: {  	_ =	swait.ge [sflag:s25], $0x7D0  }
0x2c: {  	s0 =	smul.u32 $0xFA0, s31;
	[sflag:s25] =	ssyncset.done $0x0  }
0x2d: {  	[sflag:s25] =	ssyncadd.s32 $0xFFFFF830  }
0x2e: {  	s3 =	sadd.s32 s0, s13;
	_ =	swait.ge [sflag:s25], $0x7D0  }
0x2f: {  	s3 =	sshrl.u32 s3, $0x3;
	[sflag:s25] =	ssyncset.done $0x0  }
0x30: {  	s6 =	sadd.s32 s1, s3;
	[sflag:s25] =	ssyncadd.s32 $0xFFFFF830  }
0x31: {  	[tilespmem:s19], [sflag:$0x1] =	stream.linear.gather [hbm4b:s6+s4], $0x7D0, $0x38;
	[tilespmem:$0x9A00] =	vst v63  }
0x32: {  	s7 =	sadd.s32 s2, s3  }
0x33: {  	[tilespmem:s20], [sflag:$0x1] =	stream.linear.gather [hbm4b:s7+s4], $0x7D0, $0x38;
	[tilespmem:$0x9A00] =	vst v63  }
0x34: {  	s8 =	simm.s32 $0x7220;
	s3 =	sadd.s32 s5, s3  }
0x35: {  	[tilespmem:s21], [sflag:$0x1] =	stream.linear.gather [hbm4b:s3+s4], $0x7D0, $0x38;
	[tilespmem:$0x9A00] =	vst v63  }
0x36: {  	v3 =	vld [tilespmem:s8+$0x20];
	_ =	sdelay $0x3  }
0x37: {  	v5 =	vld [tilespmem:s8+$0xFFFFFFE0]  }
0x38: {  	v4 =	vand.u32 $0x7FFFFFFF, v3  }
0x39: {  	v6 =	vld [tilespmem:s8+$0xFFFFFFF0];
	v4 =	vsub.f32 $0.0e+00, v4  }
0x3a: {  	v7 =	vld [tilespmem:s8+$0x0]  }
0x3b: {  	v9 =	vld [tilespmem:s8+$0x10];
	v4 =	vmul.f32 $1.442695020e+00, v4  }
0x3c: {  	v8 =	vand.u32 $0x7FFFFFFF, v5  }
0x3d: {  	v8 =	vsub.f32 $0.0e+00, v8;
	(erf) = vpow2.f32 v4  }
0x3e: {  	v10 =	vand.u32 $0x7FFFFFFF, v6  }
0x3f: {  	v11 =	vand.u32 $0x7FFFFFFF, v7;
	v10 =	vsub.f32 $0.0e+00, v10;
	v8 =	vmul.f32 $1.442695020e+00, v8  }
0x40: {  	v4 =	vsub.f32 $0.0e+00, v11;
	v11 =	vand.u32 $0x7FFFFFFF, v9  }
0x41: {  	(erf) = vpow2.f32 v8;
	v8 =	vmul.f32 $1.442695020e+00, v10;
	v10 =	vsub.f32 $0.0e+00, v11  }
0x42: {  	v4 =	vmul.f32 $1.442695020e+00, v4  }
0x43: {  	v10 =	vmul.f32 $1.442695020e+00, v10;
	(erf) = vpow2.f32 v8  }
0x44: {  	(erf) = vpow2.f32 v4  }
0x45: {  	s6 =	simm.s32 $0x6220;
	(erf) = vpow2.f32 v10  }
0x46: {  	v15 =	vld [tilespmem:s6+$0x20];
	v4 =	vpop (erf)  }
0x47: {  	v23 =	vld [tilespmem:s6+$0x0];
	v10 =	vmul.f32 $1.702961140e-02, v4  }
0x48: {  	v25 =	vld [tilespmem:s6+$0xFFFFFFE0]  }
0x49: {  	v28 =	vld [tilespmem:s6+$0x10];
	v10 =	vsub.f32 $8.152318000e-02, v10;
	_ =	sdelay $0x1  }
0x4a: {  	s7 =	simm.s32 $0x8220;
	v12 =	vmax.f32 v6, $0.0e+00;
	v8 =	vpop (erf);
	v10 =	vmul.f32 v10, v4  }
0x4b: {  	v32 =	vld [tilespmem:s7+$0x20];
	v22 =	vmax.f32 v7, $0.0e+00;
	v24 =	vmax.f32 v9, $0.0e+00;
	v26 =	vshra.s32 v15, $0x2;
	v14 =	vpop (erf)  }
0x4c: {  	v29 =	vshra.s32 v23, $0x2;
	v30 =	vshra.s32 v25, $0x2;
	v17 =	vpop (erf);
	v10 =	vadd.f32 $-1.890195460e-01, v10  }
0x4d: {  	v31 =	vshra.s32 v28, $0x2;
	v16 =	vmul.f32 $1.702961140e-02, v14;
	v19 =	vpop (erf);
	v20 =	vmul.f32 $1.702961140e-02, v17  }
0x4e: {  	v15 =	vshll.u32 v15, $0x3;
	v21 =	vmul.f32 $1.702961140e-02, v19;
	v10 =	vmul.f32 v10, v4  }
0x4f: {  	v11 =	vmul.f32 $1.702961140e-02, v8;
	v16 =	vsub.f32 $8.152318000e-02, v16;
	v20 =	vsub.f32 $8.152318000e-02, v20  }
0x50: {  	v32 =	vmul.f32 v32, v3;
	v21 =	vsub.f32 $8.152318000e-02, v21;
	v10 =	vadd.f32 $3.150412740e-01, v10  }
0x51: {  	v13 =	vsub.f32 $8.152318000e-02, v11;
	v16 =	vmul.f32 v16, v14;
	v20 =	vmul.f32 v20, v17  }
0x52: {  	v3 =	vmax.f32 v3, $0.0e+00;
	v21 =	vmul.f32 v21, v19;
	v10 =	vmul.f32 v10, v4  }
0x53: {  	v26 =	vld.idx.msk [tilespmem:v26+s4+$0x0], $0xffff;
	v13 =	vmul.f32 v13, v8;
	v16 =	vadd.f32 $-1.890195460e-01, v16;
	v20 =	vadd.f32 $-1.890195460e-01, v20  }
0x54: {  	v15 =	vand.u32 $0x18, v15;
	v21 =	vadd.f32 $-1.890195460e-01, v21;
	v10 =	vadd.f32 $-4.972033200e-01, v10  }
0x55: {  	v13 =	vadd.f32 $-1.890195460e-01, v13;
	v16 =	vmul.f32 v16, v14;
	v20 =	vmul.f32 v20, v17  }
0x56: {  	v3 =	vsub.f32 v3, v32;
	v21 =	vmul.f32 v21, v19;
	v10 =	vmul.f32 v10, v4  }
0x57: {  	v13 =	vmul.f32 v13, v8;
	v16 =	vadd.f32 $3.150412740e-01, v16;
	v20 =	vadd.f32 $3.150412740e-01, v20  }
0x58: {  	v15 =	vshra.s32 v26, v15;
	v26 =	vld [tilespmem:s7+$0xFFFFFFE0];
	v21 =	vadd.f32 $3.150412740e-01, v21;
	v10 =	vadd.f32 $9.998325700e-01, v10  }
0x59: {  	v13 =	vadd.f32 $3.150412740e-01, v13;
	v16 =	vmul.f32 v16, v14;
	v20 =	vmul.f32 v20, v17  }
0x5a: {  	v15 =	vand.u32 $0x3F, v15;
	v21 =	vmul.f32 v21, v19;
	v4 =	vmul.f32 v10, v4  }
0x5b: {  	v33 =	vld [tilespmem:s7+$0xFFFFFFF0];
	v13 =	vmul.f32 v13, v8;
	v16 =	vadd.f32 $-4.972033200e-01, v16;
	v20 =	vadd.f32 $-4.972033200e-01, v20  }
0x5c: {  	s8 =	simm.s32 $0x7270;
	v34 =	vor.u32 v1, v15;
	v15 =	vld [tilespmem:s7+$0x0];
	v10 =	vadd.f32 $-4.972033200e-01, v21;
	v4 =	vadd.f32 $1.693662630e-06, v4  }
0x5d: {  	v26 =	vmul.f32 v26, v5;
	v13 =	vadd.f32 $-4.972033200e-01, v13;
	v16 =	vmul.f32 v16, v14;
	v21 =	vld [tilespmem:s8+$0x20]  }
0x5e: {  	v20 =	vmul.f32 v20, v17;
	v10 =	vmul.f32 v10, v19;
	v32 =	vadd.f32 v4, v3;
	v4 =	vld [tilespmem:s8+$0xFFFFFFE0]  }
0x5f: {  	v11 =	vmax.f32 v5, $0.0e+00;
	v13 =	vmul.f32 v13, v8;
	v5 =	vadd.f32 $9.998325700e-01, v16;
	v3 =	vld [tilespmem:s7+$0x10]  }
0x60: {  	v16 =	vadd.f32 $9.998325700e-01, v20;
	v20 =	vmul.f32 v33, v6;
	v6 =	vadd.f32 $9.998325700e-01, v10  }
0x61: {  	v15 =	vmul.f32 v15, v7;
	v13 =	vadd.f32 $9.998325700e-01, v13;
	v5 =	vmul.f32 v5, v14  }
0x62: {  	v18 =	vld [tilespmem:s6+$0xFFFFFFF0];
	v14 =	vmul.f32 v16, v17;
	v17 =	vmul.f32 v6, v19;
	v6 =	vand.u32 $0x7FFFFFFF, v21  }
0x63: {  	v10 =	vld [tilespmem:s8+$0xFFFFFFF0];
	v16 =	vshll.u32 v23, $0x3;
	v6 =	vsub.f32 $0.0e+00, v6;
	v23 =	vand.u32 $0x7FFFFFFF, v4  }
0x64: {  	v7 =	vld [tilespmem:s8+$0x0];
	v19 =	vshll.u32 v28, $0x3;
	v28 =	vmul.f32 v3, v9;
	v9 =	vsub.f32 $0.0e+00, v23  }
0x65: {  	v25 =	vshll.u32 v25, $0x3;
	v13 =	vmul.f32 v13, v8;
	v8 =	vld [tilespmem:s8+$0x10];
	v6 =	vmul.f32 $1.442695020e+00, v6  }
0x66: {  	v23 =	vand.u32 $0x18, v25;
	v25 =	vadd.f32 $1.693662630e-06, v5;
	v5 =	vmul.f32 $1.442695020e+00, v9  }
0x67: {  	v27 =	vshra.s32 v18, $0x2;
	(erf) = vpow2.f32 v6  }
0x68: {  	v18 =	vshll.u32 v18, $0x3;
	v9 =	vand.u32 $0x7FFFFFFF, v10;
	(erf) = vpow2.f32 v5  }
0x69: {  	v29 =	vld.idx.msk [tilespmem:v29+s4+$0x0], $0xffff;
	v11 =	vsub.f32 v11, v26;
	v53 =	vand.u32 $0x7FFFFFFF, v7;
	v9 =	vsub.f32 $0.0e+00, v9  }
0x6a: {  	v15 =	vsub.f32 v22, v15;
	v54 =	vand.u32 $0x7FFFFFFF, v8;
	v6 =	vsub.f32 $0.0e+00, v53  }
0x6b: {  	v30 =	vld.idx.msk [tilespmem:v30+s4+$0x0], $0xffff;
	v35 =	vadd.f32 $1.693662630e-06, v14;
	v33 =	vsub.f32 $0.0e+00, v54;
	v14 =	vmul.f32 $1.442695020e+00, v9  }
0x6c: {  	v27 =	vld.idx.msk [tilespmem:v27+s4+$0x0], $0xffff;
	v13 =	vadd.f32 $1.693662630e-06, v13;
	v12 =	vsub.f32 v12, v20;
	v36 =	vmul.f32 $1.442695020e+00, v6  }
0x6d: {  	v16 =	vand.u32 $0x18, v16;
	v33 =	vmul.f32 $1.442695020e+00, v33;
	(erf) = vpow2.f32 v14  }
0x6e: {  	v31 =	vld.idx.msk [tilespmem:v31+s4+$0x0], $0xffff;
	v16 =	vshra.s32 v29, v16;
	v14 =	vand.u32 $0x18, v18;
	(erf) = vpow2.f32 v36  }
0x6f: {  	v17 =	vadd.f32 $1.693662630e-06, v17;
	v38 =	vadd.f32 v35, v15;
	(erf) = vpow2.f32 v33  }
0x70: {  	v20 =	vsub.f32 v24, v28;
	v18 =	vand.u32 $0x18, v19;
	v19 =	vshra.s32 v30, v23;
	v23 =	vpop (erf)  }
0x71: {  	v3 =	vmax.f32 v4, $0.0e+00;
	v24 =	vadd.f32 v13, v11;
	v22 =	vshra.s32 v27, v14;
	v14 =	vpop (erf)  }
0x72: {  	v25 =	vadd.f32 v25, v12;
	v11 =	vadd.f32 v17, v20;
	v13 =	vmul.f32 $1.702961140e-02, v14  }
0x73: {  	s3 =	simm.s32 $0x6270;
	v20 =	vand.u32 $0x3F, v16;
	v18 =	vshra.s32 v31, v18;
	v12 =	vmul.f32 $1.702961140e-02, v23  }
0x74: {  	v16 =	vld [tilespmem:s3+$0xFFFFFFF0];
	v17 =	vand.u32 $0x3F, v22;
	v22 =	vand.u32 $0x3F, v18;
	v18 =	vsub.f32 $8.152318000e-02, v13  }
0x75: {  	v6 =	vmax.f32 v8, $0.0e+00;
	v19 =	vand.u32 $0x3F, v19;
	v27 =	vld [tilespmem:s3+$0x20];
	v12 =	vsub.f32 $8.152318000e-02, v12  }
0x76: {  	v5 =	vmax.f32 v7, $0.0e+00;
	v9 =	vmax.f32 v10, $0.0e+00;
	v26 =	vor.u32 v1, v19;
	v15 =	vpop (erf)  }
0x77: {  	v56 =	vld [tilespmem:s3+$0xFFFFFFE0];
	v28 =	vor.u32 v1, v17;
	v12 =	vmul.f32 v12, v23;
	v29 =	vmul.f32 $1.702961140e-02, v15;
	v17 =	vpop (erf)  }
0x78: {  	[tilespmem:v34+s26+$0x0] =	vst.idx.add.f32.msk $0xffff, v32;
	v13 =	vor.u32 v1, v20;
	v20 =	vmul.f32 v18, v14;
	v30 =	vmul.f32 $1.702961140e-02, v17;
	v18 =	vpop (erf)  }
0x79: {  	[tilespmem:v34+s28+$0x0] =	vst.idx.add.f32.msk $0xffff, v2;
	v55 =	vadd.f32 $-1.890195460e-01, v12;
	v29 =	vsub.f32 $8.152318000e-02, v29;
	v31 =	vmul.f32 $1.702961140e-02, v18  }
0x7a: {  	v58 =	vshra.s32 v16, $0x2;
	v19 =	vld [tilespmem:s3+$0x0];
	v57 =	vshra.s32 v27, $0x2;
	v30 =	vsub.f32 $8.152318000e-02, v30  }
0x7b: {  	[tilespmem:v26+s26+$0x0] =	vst.idx.add.f32.msk $0xffff, v24;
	v32 =	vmul.f32 v55, v23;
	v29 =	vmul.f32 v29, v15;
	v31 =	vsub.f32 $8.152318000e-02, v31  }
0x7c: {  	v27 =	vshll.u32 v27, $0x3;
	[tilespmem:v26+s28+$0x0] =	vst.idx.add.f32.msk $0xffff, v2;
	v20 =	vadd.f32 $-1.890195460e-01, v20;
	v30 =	vmul.f32 v30, v17  }
0x7d: {  	[tilespmem:v28+s26+$0x0] =	vst.idx.add.f32.msk $0xffff, v25;
	v26 =	vadd.f32 $-1.890195460e-01, v29;
	v24 =	vmul.f32 v31, v18;
	v31 =	vadd.f32 $3.150412740e-01, v32  }
0x7e: {  	s6 =	simm.s32 $0x8270;
	v40 =	vand.u32 $0x18, v27;
	[tilespmem:v28+s28+$0x0] =	vst.idx.add.f32.msk $0xffff, v2;
	v20 =	vmul.f32 v20, v14;
	v29 =	vadd.f32 $-1.890195460e-01, v30  }
0x7f: {  	v37 =	vld [tilespmem:s6+$0x20];
	v12 =	vor.u32 v1, v22;
	v26 =	vmul.f32 v26, v15;
	v25 =	vmul.f32 v31, v23  }
0x80: {  	v22 =	vld [tilespmem:s3+$0x10];
	v20 =	vadd.f32 $3.150412740e-01, v20;
	v28 =	vmul.f32 v29, v17;
	v24 =	vadd.f32 $-1.890195460e-01, v24  }
0x81: {  	v30 =	vshra.s32 v56, $0x2;
	v31 =	vld.idx.msk [tilespmem:v57+s4+$0x0], $0xffff;
	v26 =	vadd.f32 $3.150412740e-01, v26;
	v25 =	vadd.f32 $-4.972033200e-01, v25  }
0x82: {  	v27 =	vld [tilespmem:s6+$0x10];
	v60 =	vmul.f32 v20, v14;
	v61 =	vadd.f32 $3.150412740e-01, v28;
	v24 =	vmul.f32 v24, v18  }
0x83: {  	v59 =	vshra.s32 v19, $0x2;
	[tilespmem:v13+s26+$0x0] =	vst.idx.add.f32.msk $0xffff, v38;
	v39 =	vmul.f32 v26, v15;
	v25 =	vmul.f32 v25, v23  }
0x84: {  	v20 =	vld.idx.msk [tilespmem:v58+s4+$0x0], $0xffff;
	v33 =	vadd.f32 $-4.972033200e-01, v60;
	v34 =	vmul.f32 v61, v17;
	v24 =	vadd.f32 $3.150412740e-01, v24  }
0x85: {  	v62 =	vshra.s32 v22, $0x2;
	v29 =	vld [tilespmem:s6+$0xFFFFFFE0];
	v39 =	vadd.f32 $-4.972033200e-01, v39;
	v41 =	vadd.f32 $9.998325700e-01, v25  }
0x86: {  	v28 =	vld [tilespmem:s6+$0xFFFFFFF0];
	v42 =	vadd.f32 $-4.972033200e-01, v34;
	v31 =	vshra.s32 v31, v40;
	v24 =	vmul.f32 v24, v18  }
0x87: {  	v25 =	vld.idx.msk [tilespmem:v30+s4+$0x0], $0xffff;
	v30 =	vand.u32 $0x3F, v31;
	v31 =	vmul.f32 v37, v21;
	v63 =	vmul.f32 v41, v23  }
0x88: {  	v26 =	vld [tilespmem:s6+$0x0];
	v21 =	vmax.f32 v21, $0.0e+00;
	v30 =	vor.u32 v1, v30;
	v32 =	vadd.f32 $-4.972033200e-01, v24  }
0x89: {  	v33 =	vmul.f32 v33, v14;
	v23 =	vld.idx.msk [tilespmem:v59+s4+$0x0], $0xffff;
	v34 =	vsub.f32 v21, v31;
	v37 =	vadd.f32 $1.693662630e-06, v63  }
0x8a: {  	s7 =	simm.s32 $0x5;
	s8 =	simm.s32 $0x72C0;
	v35 =	vmul.f32 v39, v15;
	v36 =	vmul.f32 v42, v17;
	v24 =	vld.idx.msk [tilespmem:v62+s4+$0x0], $0xffff;
	v31 =	vshll.u32 v56, $0x3  }
.LBB2_5:
0x8b: {  	v21 =	vld [tilespmem:s8+$0x20];
	v33 =	vadd.f32 $9.998325700e-01, v33;
	v32 =	vmul.f32 v32, v18;
	v34 =	vadd.f32 v37, v34  }
0x8c: {  	s7 =	sadd.s32 $0x5, s7;
	v29 =	vmul.f32 v29, v4;
	v4 =	vld [tilespmem:s8+$0xFFFFFFE0];
	v35 =	vadd.f32 $9.998325700e-01, v35;
	v36 =	vadd.f32 $9.998325700e-01, v36  }
0x8d: {  	v28 =	vmul.f32 v28, v10;
	p0 =	slt.u32 s7, $0x78;
	v14 =	vmul.f32 v33, v14;
	v32 =	vadd.f32 $9.998325700e-01, v32;
	[tilespmem:v30+s26+$0x0] =	vst.idx.add.f32.msk $0xffff, v34  }
0x8e: {  	v16 =	vshll.u32 v16, $0x3;
	v15 =	vmul.f32 v35, v15;
	v17 =	vmul.f32 v36, v17;
	[tilespmem:v30+s28+$0x0] =	vst.idx.add.f32.msk $0xffff, v2  }
0x8f: {  	v19 =	vshll.u32 v19, $0x3;
	v26 =	vmul.f32 v26, v7;
	v10 =	vld [tilespmem:s8+$0xFFFFFFF0];
	v18 =	vmul.f32 v32, v18  }
0x90: {  	v22 =	vshll.u32 v22, $0x3;
	v27 =	vmul.f32 v27, v8;
	v7 =	vld [tilespmem:s8+$0x0];
	v30 =	vand.u32 $0x7FFFFFFF, v21  }
0x91: {  	v32 =	vand.u32 $0x7FFFFFFF, v4;
	v33 =	vmax.f32 v4, $0.0e+00;
	v8 =	vld [tilespmem:s8+$0x10];
	v30 =	vsub.f32 $0.0e+00, v30  }
0x92: {  	v31 =	vand.u32 $0x18, v31;
	v14 =	vadd.f32 $1.693662630e-06, v14;
	v32 =	vsub.f32 $0.0e+00, v32;
	[tilespmem:v13+s28+$0x0] =	vst.idx.add.f32.msk $0xffff, v2  }
0x93: {  	v15 =	vadd.f32 $1.693662630e-06, v15;
	v17 =	vadd.f32 $1.693662630e-06, v17;
	v13 =	vmul.f32 $1.442695020e+00, v30;
	[tilespmem:v12+s26+$0x0] =	vst.idx.add.f32.msk $0xffff, v11  }
0x94: {  	v11 =	vmul.f32 $1.442695020e+00, v32;
	v30 =	vand.u32 $0x7FFFFFFF, v10;
	v32 =	vmax.f32 v10, $0.0e+00;
	[tilespmem:v12+s28+$0x0] =	vst.idx.add.f32.msk $0xffff, v2  }
0x95: {  	v12 =	vsub.f32 $0.0e+00, v30;
	v30 =	vand.u32 $0x7FFFFFFF, v7;
	(erf) = vpow2.f32 v13  }
0x96: {  	v13 =	vsub.f32 $0.0e+00, v30;
	v30 =	vand.u32 $0x7FFFFFFF, v8;
	(erf) = vpow2.f32 v11  }
0x97: {  	v11 =	vmul.f32 $1.442695020e+00, v12;
	v12 =	vmax.f32 v7, $0.0e+00;
	v30 =	vsub.f32 $0.0e+00, v30  }
0x98: {  	v18 =	vadd.f32 $1.693662630e-06, v18;
	v34 =	vmax.f32 v8, $0.0e+00;
	v13 =	vmul.f32 $1.442695020e+00, v13  }
0x99: {  	v30 =	vmul.f32 $1.442695020e+00, v30;
	(erf) = vpow2.f32 v11;
	v11 =	vand.u32 $0x18, v16  }
0x9a: {  	v16 =	vand.u32 $0x18, v22;
	(erf) = vpow2.f32 v13;
	v13 =	vand.u32 $0x18, v19  }
0x9b: {  	v22 =	vsub.f32 v9, v28;
	v9 =	vmovc v32;
	v19 =	vsub.f32 v3, v29;
	v3 =	vmovc v33;
	(erf) = vpow2.f32 v30  }
0x9c: {  	v25 =	vshra.s32 v25, v31;
	v26 =	vsub.f32 v5, v26;
	v27 =	vsub.f32 v6, v27;
	v5 =	vmovc v12  }
0x9d: {  	v6 =	vmovc v34;
	v12 =	vshra.s32 v20, v11;
	v16 =	vshra.s32 v24, v16;
	v13 =	vshra.s32 v23, v13  }
0x9e: {  	v20 =	vand.u32 $0x3F, v25;
	v25 =	vadd.f32 v15, v22;
	v24 =	vadd.f32 v14, v19;
	v23 =	vpop (erf)  }
0x9f: {  	v38 =	vadd.f32 v17, v26;
	v11 =	vadd.f32 v18, v27;
	v28 =	vmul.f32 $1.702961140e-02, v23;
	v14 =	vpop (erf)  }
0xa0: {  	v12 =	vand.u32 $0x3F, v12;
	v13 =	vand.u32 $0x3F, v13;
	v30 =	vmul.f32 $1.702961140e-02, v14  }
0xa1: {  	s3 =	sadd.s32 $0x50, s3;
	v20 =	vor.u32 v1, v20;
	v19 =	vand.u32 $0x3F, v16;
	v31 =	vsub.f32 $8.152318000e-02, v28  }
0xa2: {  	v27 =	vor.u32 v1, v12;
	v13 =	vor.u32 v1, v13;
	v22 =	vsub.f32 $8.152318000e-02, v30;
	v26 =	vld [tilespmem:s3+$0x20];
	v15 =	vpop (erf)  }
0xa3: {  	v12 =	vor.u32 v1, v19;
	v16 =	vld [tilespmem:s3+$0xFFFFFFF0];
	v28 =	vmul.f32 $1.702961140e-02, v15;
	v29 =	vmul.f32 v31, v23;
	v17 =	vpop (erf)  }
0xa4: {  	v22 =	vmul.f32 v22, v14;
	v19 =	vld [tilespmem:s3+$0x0];
	v30 =	vmul.f32 $1.702961140e-02, v17;
	v18 =	vpop (erf)  }
0xa5: {  	v28 =	vsub.f32 $8.152318000e-02, v28;
	v31 =	vmul.f32 $1.702961140e-02, v18;
	v29 =	vadd.f32 $-1.890195460e-01, v29  }
0xa6: {  	v32 =	vadd.f32 $-1.890195460e-01, v22;
	v30 =	vsub.f32 $8.152318000e-02, v30;
	v22 =	vld [tilespmem:s3+$0x10]  }
0xa7: {  	v35 =	vld [tilespmem:s3+$0xFFFFFFE0];
	v31 =	vsub.f32 $8.152318000e-02, v31;
	v33 =	vshra.s32 v26, $0x2;
	v29 =	vmul.f32 v29, v23  }
0xa8: {  	v28 =	vmul.f32 v28, v15;
	v34 =	vshra.s32 v16, $0x2;
	v30 =	vmul.f32 v30, v17;
	[tilespmem:v20+s26+$0x0] =	vst.idx.add.f32.msk $0xffff, v24  }
0xa9: {  	v24 =	vmul.f32 v32, v14;
	v31 =	vmul.f32 v31, v18;
	v29 =	vadd.f32 $3.150412740e-01, v29;
	[tilespmem:v20+s28+$0x0] =	vst.idx.add.f32.msk $0xffff, v2  }
0xaa: {  	v20 =	vadd.f32 $-1.890195460e-01, v28;
	v32 =	vshra.s32 v19, $0x2;
	v28 =	vadd.f32 $-1.890195460e-01, v30;
	[tilespmem:v27+s26+$0x0] =	vst.idx.add.f32.msk $0xffff, v25  }
0xab: {  	v24 =	vadd.f32 $3.150412740e-01, v24;
	v25 =	vadd.f32 $-1.890195460e-01, v31;
	v29 =	vmul.f32 v29, v23;
	[tilespmem:v27+s28+$0x0] =	vst.idx.add.f32.msk $0xffff, v2  }
0xac: {  	v27 =	vmul.f32 v20, v15;
	v30 =	vshra.s32 v35, $0x2;
	v28 =	vmul.f32 v28, v17;
	v31 =	vld.idx.msk [tilespmem:v33+s4+$0x0], $0xffff  }
0xad: {  	s6 =	sadd.s32 $0x50, s6;
	v24 =	vmul.f32 v24, v14;
	v20 =	vld.idx.msk [tilespmem:v34+s4+$0x0], $0xffff;
	v25 =	vmul.f32 v25, v18;
	v33 =	vadd.f32 $-4.972033200e-01, v29  }
0xae: {  	v36 =	vshra.s32 v22, $0x2;
	v27 =	vadd.f32 $3.150412740e-01, v27;
	v34 =	vadd.f32 $3.150412740e-01, v28;
	v37 =	vld [tilespmem:s6+$0x20]  }
0xaf: {  	v24 =	vadd.f32 $-4.972033200e-01, v24;
	v29 =	vld [tilespmem:s6+$0xFFFFFFE0];
	v25 =	vadd.f32 $3.150412740e-01, v25;
	v33 =	vmul.f32 v33, v23  }
0xb0: {  	v39 =	vshll.u32 v26, $0x3;
	v27 =	vmul.f32 v27, v15;
	v28 =	vld [tilespmem:s6+$0xFFFFFFF0];
	v34 =	vmul.f32 v34, v17  }
0xb1: {  	v26 =	vld [tilespmem:s6+$0x0];
	v40 =	vmul.f32 v25, v18;
	v25 =	vand.u32 $0x18, v39;
	v33 =	vadd.f32 $9.998325700e-01, v33  }
.Ltmp1:
0xb2: {  	v39 =	vadd.f32 $-4.972033200e-01, v27;
	v41 =	vadd.f32 $-4.972033200e-01, v34;
	v27 =	vld [tilespmem:s6+$0x10];
	v31 =	vshra.s32 v31, v25;
	(pc) =	sbr.rel @p0 .LBB2_5-.Ltmp1, $4  }
0xb3: {  	v25 =	vld.idx.msk [tilespmem:v30+s4+$0x0], $0xffff;
	v30 =	vand.u32 $0x3F, v31;
	v31 =	vmul.f32 v37, v21;
	v37 =	vmul.f32 v33, v23  }
0xb4: {  	v21 =	vmax.f32 v21, $0.0e+00;
	v23 =	vld.idx.msk [tilespmem:v32+s4+$0x0], $0xffff;
	v32 =	vadd.f32 $-4.972033200e-01, v40;
	v30 =	vor.u32 v1, v30  }
0xb5: {  	v33 =	vmul.f32 v24, v14;
	v24 =	vld.idx.msk [tilespmem:v36+s4+$0x0], $0xffff;
	v34 =	vsub.f32 v21, v31;
	v37 =	vadd.f32 $1.693662630e-06, v37  }
0xb6: {  	s8 =	sadd.s32 $0x50, s8;
	v31 =	vshll.u32 v35, $0x3;
	v35 =	vmul.f32 v39, v15;
	v36 =	vmul.f32 v41, v17;
	[tilespmem:v13+s26+$0x0] =	vst.idx.add.f32.msk $0xffff, v38  }
0xb7: {  	v21 =	vadd.f32 $9.998325700e-01, v33;
	v32 =	vmul.f32 v32, v18  }
0xb8: {  	v45 =	vadd.f32 v37, v34;
	v4 =	vmul.f32 v29, v4;
	v10 =	vmul.f32 v28, v10  }
0xb9: {  	v16 =	vshll.u32 v16, $0x3;
	v19 =	vshll.u32 v19, $0x3;
	v7 =	vmul.f32 v26, v7  }
0xba: {  	v22 =	vshll.u32 v22, $0x3;
	v29 =	vadd.f32 $9.998325700e-01, v35;
	v46 =	vadd.f32 $9.998325700e-01, v36  }
0xbb: {  	[tilespmem:v13+s28+$0x0] =	vst.idx.add.f32.msk $0xffff, v2;
	v16 =	vand.u32 $0x18, v16;
	v19 =	vand.u32 $0x18, v19;
	v13 =	vand.u32 $0x18, v22  }
0xbc: {  	v14 =	vmul.f32 v21, v14;
	v21 =	vadd.f32 $9.998325700e-01, v32;
	v16 =	vshra.s32 v20, v16  }
0xbd: {  	v3 =	vsub.f32 v3, v4;
	v9 =	vsub.f32 v9, v10;
	v15 =	vmul.f32 v29, v15  }
0xbe: {  	v4 =	vand.u32 $0x3F, v16;
	v18 =	vmul.f32 v21, v18;
	v21 =	vand.u32 $0x18, v31  }
0xbf: {  	v5 =	vsub.f32 v5, v7;
	v4 =	vor.u32 v1, v4;
	v21 =	vshra.s32 v25, v21  }
0xc0: {  	[tilespmem:v12+s26+$0x0] =	vst.idx.add.f32.msk $0xffff, v11;
	v16 =	vshra.s32 v23, v19;
	v15 =	vadd.f32 $1.693662630e-06, v15;
	v21 =	vand.u32 $0x3F, v21  }
0xc1: {  	[tilespmem:v12+s28+$0x0] =	vst.idx.add.f32.msk $0xffff, v2;
	v17 =	vmul.f32 v46, v17;
	v10 =	vand.u32 $0x3F, v16;
	v20 =	vor.u32 v1, v21  }
0xc2: {  	[tilespmem:v30+s26+$0x0] =	vst.idx.add.f32.msk $0xffff, v45;
	v14 =	vadd.f32 $1.693662630e-06, v14;
	v10 =	vor.u32 v1, v10;
	v7 =	vadd.f32 v15, v9  }
0xc3: {  	[tilespmem:v30+s28+$0x0] =	vst.idx.add.f32.msk $0xffff, v2;
	v12 =	vshra.s32 v24, v13;
	v11 =	vadd.f32 $1.693662630e-06, v17  }
0xc4: {  	v8 =	vmul.f32 v27, v8;
	v3 =	vadd.f32 v14, v3;
	v9 =	vand.u32 $0x3F, v12;
	[tilespmem:v4+s26+$0x0] =	vst.idx.add.f32.msk $0xffff, v7  }
0xc5: {  	v5 =	vadd.f32 v11, v5;
	v9 =	vor.u32 v1, v9;
	[tilespmem:v4+s28+$0x0] =	vst.idx.add.f32.msk $0xffff, v2  }
0xc6: {  	v6 =	vsub.f32 v6, v8;
	[tilespmem:v20+s26+$0x0] =	vst.idx.add.f32.msk $0xffff, v3;
	v3 =	vadd.f32 $1.693662630e-06, v18  }
0xc7: {  	[tilespmem:v10+s26+$0x0] =	vst.idx.add.f32.msk $0xffff, v5  }
0xc8: {  	[tilespmem:v10+s28+$0x0] =	vst.idx.add.f32.msk $0xffff, v2;
	v3 =	vadd.f32 v3, v6  }
0xc9: {  	[tilespmem:v20+s28+$0x0] =	vst.idx.add.f32.msk $0xffff, v2  }
0xca: {  	[tilespmem:v9+s26+$0x0] =	vst.idx.add.f32.msk $0xffff, v3  }
0xcb: {  	[tilespmem:v9+s28+$0x0] =	vst.idx.add.f32.msk $0xffff, v2  }
0xcc: {  	_ =	swait.ge [sflag:s29], $0x7D0  }
0xcd: {  	[sflag:s29] =	ssyncset.done $0x0  }
0xce: {  	[sflag:s29] =	ssyncadd.s32 $0xFFFFF830  }
0xcf: {  	_ =	swait.ge [sflag:s29], $0x7D0  }
0xd0: {  	[sflag:s29] =	ssyncset.done $0x0  }
0xd1: {  	[sflag:s29] =	ssyncadd.s32 $0xFFFFF830  }
0xd2: {  	s0 =	sadd.s32 s0, s14;
	_ =	swait.ge [sflag:s29], $0x7D0  }
0xd3: {  	s0 =	sshrl.u32 s0, $0x3;
	[sflag:s29] =	ssyncset.done $0x0  }
0xd4: {  	s3 =	sadd.s32 s1, s0;
	[sflag:s29] =	ssyncadd.s32 $0xFFFFF830  }
0xd5: {  	[tilespmem:s22], [sflag:$0x2] =	stream.linear.gather [hbm4b:s3+s4], $0x7D0, $0x38;
	[tilespmem:$0x9A00] =	vst v63  }
0xd6: {  	s8 =	sadd.s32 s2, s0  }
0xd7: {  	[tilespmem:s23], [sflag:$0x2] =	stream.linear.gather [hbm4b:s8+s4], $0x7D0, $0x38;
	[tilespmem:$0x9A00] =	vst v63  }
0xd8: {  	s0 =	sadd.s32 s5, s0;
	s3 =	simm.s32 $0x7A20  }
0xd9: {  	[tilespmem:s24], [sflag:$0x2] =	stream.linear.gather [hbm4b:s0+s4], $0x7D0, $0x38;
	[tilespmem:$0x9A00] =	vst v63  }
0xda: {  	v3 =	vld [tilespmem:s3+$0x20];
	_ =	sdelay $0x3  }
0xdb: {  	v5 =	vld [tilespmem:s3+$0xFFFFFFE0]  }
0xdc: {  	v4 =	vand.u32 $0x7FFFFFFF, v3  }
0xdd: {  	v6 =	vld [tilespmem:s3+$0xFFFFFFF0];
	v4 =	vsub.f32 $0.0e+00, v4  }
0xde: {  	v7 =	vld [tilespmem:s3+$0x0]  }
0xdf: {  	v9 =	vld [tilespmem:s3+$0x10];
	v4 =	vmul.f32 $1.442695020e+00, v4  }
0xe0: {  	v8 =	vand.u32 $0x7FFFFFFF, v5  }
0xe1: {  	v8 =	vsub.f32 $0.0e+00, v8;
	(erf) = vpow2.f32 v4  }
0xe2: {  	v10 =	vand.u32 $0x7FFFFFFF, v6  }
0xe3: {  	v11 =	vand.u32 $0x7FFFFFFF, v7;
	v10 =	vsub.f32 $0.0e+00, v10;
	v8 =	vmul.f32 $1.442695020e+00, v8  }
0xe4: {  	v4 =	vsub.f32 $0.0e+00, v11;
	v11 =	vand.u32 $0x7FFFFFFF, v9  }
0xe5: {  	(erf) = vpow2.f32 v8;
	v8 =	vmul.f32 $1.442695020e+00, v10;
	v10 =	vsub.f32 $0.0e+00, v11  }
0xe6: {  	v4 =	vmul.f32 $1.442695020e+00, v4  }
0xe7: {  	v10 =	vmul.f32 $1.442695020e+00, v10;
	(erf) = vpow2.f32 v8  }
0xe8: {  	(erf) = vpow2.f32 v4  }
0xe9: {  	s6 =	simm.s32 $0x6A20;
	(erf) = vpow2.f32 v10  }
0xea: {  	v15 =	vld [tilespmem:s6+$0x20];
	v4 =	vpop (erf)  }
0xeb: {  	v23 =	vld [tilespmem:s6+$0x0];
	v10 =	vmul.f32 $1.702961140e-02, v4  }
0xec: {  	v25 =	vld [tilespmem:s6+$0xFFFFFFE0]  }
0xed: {  	v28 =	vld [tilespmem:s6+$0x10];
	v10 =	vsub.f32 $8.152318000e-02, v10;
	_ =	sdelay $0x1  }
0xee: {  	s7 =	simm.s32 $0x8A20;
	v12 =	vmax.f32 v6, $0.0e+00;
	v8 =	vpop (erf);
	v10 =	vmul.f32 v10, v4  }
0xef: {  	v47 =	vld [tilespmem:s7+$0x20];
	v22 =	vmax.f32 v7, $0.0e+00;
	v24 =	vmax.f32 v9, $0.0e+00;
	v26 =	vshra.s32 v15, $0x2;
	v14 =	vpop (erf)  }
0xf0: {  	v29 =	vshra.s32 v23, $0x2;
	v30 =	vshra.s32 v25, $0x2;
	v17 =	vpop (erf);
	v10 =	vadd.f32 $-1.890195460e-01, v10  }
0xf1: {  	v31 =	vshra.s32 v28, $0x2;
	v16 =	vmul.f32 $1.702961140e-02, v14;
	v19 =	vpop (erf);
	v20 =	vmul.f32 $1.702961140e-02, v17  }
0xf2: {  	v15 =	vshll.u32 v15, $0x3;
	v21 =	vmul.f32 $1.702961140e-02, v19;
	v10 =	vmul.f32 v10, v4  }
0xf3: {  	v11 =	vmul.f32 $1.702961140e-02, v8;
	v16 =	vsub.f32 $8.152318000e-02, v16;
	v20 =	vsub.f32 $8.152318000e-02, v20  }
0xf4: {  	v32 =	vmul.f32 v47, v3;
	v21 =	vsub.f32 $8.152318000e-02, v21;
	v10 =	vadd.f32 $3.150412740e-01, v10  }
0xf5: {  	v13 =	vsub.f32 $8.152318000e-02, v11;
	v16 =	vmul.f32 v16, v14;
	v20 =	vmul.f32 v20, v17  }
0xf6: {  	v3 =	vmax.f32 v3, $0.0e+00;
	v21 =	vmul.f32 v21, v19;
	v10 =	vmul.f32 v10, v4  }
0xf7: {  	v26 =	vld.idx.msk [tilespmem:v26+s4+$0x0], $0xffff;
	v13 =	vmul.f32 v13, v8;
	v16 =	vadd.f32 $-1.890195460e-01, v16;
	v20 =	vadd.f32 $-1.890195460e-01, v20  }
0xf8: {  	v15 =	vand.u32 $0x18, v15;
	v21 =	vadd.f32 $-1.890195460e-01, v21;
	v10 =	vadd.f32 $-4.972033200e-01, v10  }
0xf9: {  	v13 =	vadd.f32 $-1.890195460e-01, v13;
	v16 =	vmul.f32 v16, v14;
	v20 =	vmul.f32 v20, v17  }
0xfa: {  	v3 =	vsub.f32 v3, v32;
	v21 =	vmul.f32 v21, v19;
	v10 =	vmul.f32 v10, v4  }
0xfb: {  	v13 =	vmul.f32 v13, v8;
	v16 =	vadd.f32 $3.150412740e-01, v16;
	v20 =	vadd.f32 $3.150412740e-01, v20  }
0xfc: {  	v15 =	vshra.s32 v26, v15;
	v26 =	vld [tilespmem:s7+$0xFFFFFFE0];
	v21 =	vadd.f32 $3.150412740e-01, v21;
	v10 =	vadd.f32 $9.998325700e-01, v10  }
0xfd: {  	v13 =	vadd.f32 $3.150412740e-01, v13;
	v16 =	vmul.f32 v16, v14;
	v20 =	vmul.f32 v20, v17  }
0xfe: {  	v15 =	vand.u32 $0x3F, v15;
	v21 =	vmul.f32 v21, v19;
	v4 =	vmul.f32 v10, v4  }
0xff: {  	v48 =	vld [tilespmem:s7+$0xFFFFFFF0];
	v13 =	vmul.f32 v13, v8;
	v16 =	vadd.f32 $-4.972033200e-01, v16;
	v20 =	vadd.f32 $-4.972033200e-01, v20  }
0x100: {  	s8 =	simm.s32 $0x7A70;
	v49 =	vor.u32 v1, v15;
	v15 =	vld [tilespmem:s7+$0x0];
	v10 =	vadd.f32 $-4.972033200e-01, v21;
	v4 =	vadd.f32 $1.693662630e-06, v4  }
0x101: {  	v26 =	vmul.f32 v26, v5;
	v13 =	vadd.f32 $-4.972033200e-01, v13;
	v16 =	vmul.f32 v16, v14;
	v21 =	vld [tilespmem:s8+$0x20]  }
0x102: {  	v20 =	vmul.f32 v20, v17;
	v10 =	vmul.f32 v10, v19;
	v32 =	vadd.f32 v4, v3;
	v4 =	vld [tilespmem:s8+$0xFFFFFFE0]  }
0x103: {  	v11 =	vmax.f32 v5, $0.0e+00;
	v13 =	vmul.f32 v13, v8;
	v5 =	vadd.f32 $9.998325700e-01, v16;
	v3 =	vld [tilespmem:s7+$0x10]  }
0x104: {  	v16 =	vadd.f32 $9.998325700e-01, v20;
	v20 =	vmul.f32 v48, v6;
	v6 =	vadd.f32 $9.998325700e-01, v10  }
0x105: {  	v15 =	vmul.f32 v15, v7;
	v13 =	vadd.f32 $9.998325700e-01, v13;
	v5 =	vmul.f32 v5, v14  }
0x106: {  	v18 =	vld [tilespmem:s6+$0xFFFFFFF0];
	v14 =	vmul.f32 v16, v17;
	v17 =	vmul.f32 v6, v19;
	v6 =	vand.u32 $0x7FFFFFFF, v21  }
0x107: {  	v10 =	vld [tilespmem:s8+$0xFFFFFFF0];
	v16 =	vshll.u32 v23, $0x3;
	v6 =	vsub.f32 $0.0e+00, v6;
	v23 =	vand.u32 $0x7FFFFFFF, v4  }
0x108: {  	v7 =	vld [tilespmem:s8+$0x0];
	v19 =	vshll.u32 v28, $0x3;
	v28 =	vmul.f32 v3, v9;
	v9 =	vsub.f32 $0.0e+00, v23  }
0x109: {  	v25 =	vshll.u32 v25, $0x3;
	v13 =	vmul.f32 v13, v8;
	v8 =	vld [tilespmem:s8+$0x10];
	v6 =	vmul.f32 $1.442695020e+00, v6  }
0x10a: {  	v23 =	vand.u32 $0x18, v25;
	v25 =	vadd.f32 $1.693662630e-06, v5;
	v5 =	vmul.f32 $1.442695020e+00, v9  }
0x10b: {  	v27 =	vshra.s32 v18, $0x2;
	(erf) = vpow2.f32 v6  }
0x10c: {  	v18 =	vshll.u32 v18, $0x3;
	v9 =	vand.u32 $0x7FFFFFFF, v10;
	(erf) = vpow2.f32 v5  }
0x10d: {  	v29 =	vld.idx.msk [tilespmem:v29+s4+$0x0], $0xffff;
	v11 =	vsub.f32 v11, v26;
	v50 =	vand.u32 $0x7FFFFFFF, v7;
	v9 =	vsub.f32 $0.0e+00, v9  }
0x10e: {  	v15 =	vsub.f32 v22, v15;
	v51 =	vand.u32 $0x7FFFFFFF, v8;
	v6 =	vsub.f32 $0.0e+00, v50  }
0x10f: {  	v30 =	vld.idx.msk [tilespmem:v30+s4+$0x0], $0xffff;
	v52 =	vadd.f32 $1.693662630e-06, v14;
	v33 =	vsub.f32 $0.0e+00, v51;
	v14 =	vmul.f32 $1.442695020e+00, v9  }
0x110: {  	v27 =	vld.idx.msk [tilespmem:v27+s4+$0x0], $0xffff;
	v13 =	vadd.f32 $1.693662630e-06, v13;
	v12 =	vsub.f32 v12, v20;
	v53 =	vmul.f32 $1.442695020e+00, v6  }
0x111: {  	v16 =	vand.u32 $0x18, v16;
	v33 =	vmul.f32 $1.442695020e+00, v33;
	(erf) = vpow2.f32 v14  }
0x112: {  	v31 =	vld.idx.msk [tilespmem:v31+s4+$0x0], $0xffff;
	v16 =	vshra.s32 v29, v16;
	v14 =	vand.u32 $0x18, v18;
	(erf) = vpow2.f32 v53  }
0x113: {  	v17 =	vadd.f32 $1.693662630e-06, v17;
	v38 =	vadd.f32 v52, v15;
	(erf) = vpow2.f32 v33  }
0x114: {  	v20 =	vsub.f32 v24, v28;
	v18 =	vand.u32 $0x18, v19;
	v19 =	vshra.s32 v30, v23;
	v23 =	vpop (erf)  }
0x115: {  	v3 =	vmax.f32 v4, $0.0e+00;
	v24 =	vadd.f32 v13, v11;
	v22 =	vshra.s32 v27, v14;
	v14 =	vpop (erf)  }
0x116: {  	v25 =	vadd.f32 v25, v12;
	v11 =	vadd.f32 v17, v20;
	v13 =	vmul.f32 $1.702961140e-02, v14  }
0x117: {  	s0 =	simm.s32 $0x6A70;
	v20 =	vand.u32 $0x3F, v16;
	v18 =	vshra.s32 v31, v18;
	v12 =	vmul.f32 $1.702961140e-02, v23  }
0x118: {  	v16 =	vld [tilespmem:s0+$0xFFFFFFF0];
	v17 =	vand.u32 $0x3F, v22;
	v22 =	vand.u32 $0x3F, v18;
	v18 =	vsub.f32 $8.152318000e-02, v13  }
0x119: {  	v6 =	vmax.f32 v8, $0.0e+00;
	v19 =	vand.u32 $0x3F, v19;
	v27 =	vld [tilespmem:s0+$0x20];
	v12 =	vsub.f32 $8.152318000e-02, v12  }
0x11a: {  	v5 =	vmax.f32 v7, $0.0e+00;
	v9 =	vmax.f32 v10, $0.0e+00;
	v26 =	vor.u32 v1, v19;
	v15 =	vpop (erf)  }
0x11b: {  	v55 =	vld [tilespmem:s0+$0xFFFFFFE0];
	v28 =	vor.u32 v1, v17;
	v12 =	vmul.f32 v12, v23;
	v29 =	vmul.f32 $1.702961140e-02, v15;
	v17 =	vpop (erf)  }
0x11c: {  	[tilespmem:v49+s26+$0x0] =	vst.idx.add.f32.msk $0xffff, v32;
	v13 =	vor.u32 v1, v20;
	v20 =	vmul.f32 v18, v14;
	v30 =	vmul.f32 $1.702961140e-02, v17;
	v18 =	vpop (erf)  }
0x11d: {  	[tilespmem:v49+s28+$0x0] =	vst.idx.add.f32.msk $0xffff, v2;
	v54 =	vadd.f32 $-1.890195460e-01, v12;
	v29 =	vsub.f32 $8.152318000e-02, v29;
	v31 =	vmul.f32 $1.702961140e-02, v18  }
0x11e: {  	v57 =	vshra.s32 v16, $0x2;
	v19 =	vld [tilespmem:s0+$0x0];
	v56 =	vshra.s32 v27, $0x2;
	v30 =	vsub.f32 $8.152318000e-02, v30  }
0x11f: {  	[tilespmem:v26+s26+$0x0] =	vst.idx.add.f32.msk $0xffff, v24;
	v32 =	vmul.f32 v54, v23;
	v29 =	vmul.f32 v29, v15;
	v31 =	vsub.f32 $8.152318000e-02, v31  }
0x120: {  	v27 =	vshll.u32 v27, $0x3;
	[tilespmem:v26+s28+$0x0] =	vst.idx.add.f32.msk $0xffff, v2;
	v20 =	vadd.f32 $-1.890195460e-01, v20;
	v30 =	vmul.f32 v30, v17  }
0x121: {  	[tilespmem:v28+s26+$0x0] =	vst.idx.add.f32.msk $0xffff, v25;
	v26 =	vadd.f32 $-1.890195460e-01, v29;
	v24 =	vmul.f32 v31, v18;
	v31 =	vadd.f32 $3.150412740e-01, v32  }
0x122: {  	s3 =	simm.s32 $0x8A70;
	v40 =	vand.u32 $0x18, v27;
	[tilespmem:v28+s28+$0x0] =	vst.idx.add.f32.msk $0xffff, v2;
	v20 =	vmul.f32 v20, v14;
	v29 =	vadd.f32 $-1.890195460e-01, v30  }
0x123: {  	v62 =	vld [tilespmem:s3+$0x20];
	v12 =	vor.u32 v1, v22;
	v26 =	vmul.f32 v26, v15;
	v25 =	vmul.f32 v31, v23  }
0x124: {  	v22 =	vld [tilespmem:s0+$0x10];
	v20 =	vadd.f32 $3.150412740e-01, v20;
	v28 =	vmul.f32 v29, v17;
	v24 =	vadd.f32 $-1.890195460e-01, v24  }
0x125: {  	v30 =	vshra.s32 v55, $0x2;
	v31 =	vld.idx.msk [tilespmem:v56+s4+$0x0], $0xffff;
	v26 =	vadd.f32 $3.150412740e-01, v26;
	v25 =	vadd.f32 $-4.972033200e-01, v25  }
0x126: {  	v27 =	vld [tilespmem:s3+$0x10];
	v59 =	vmul.f32 v20, v14;
	v60 =	vadd.f32 $3.150412740e-01, v28;
	v24 =	vmul.f32 v24, v18  }
0x127: {  	v58 =	vshra.s32 v19, $0x2;
	[tilespmem:v13+s26+$0x0] =	vst.idx.add.f32.msk $0xffff, v38;
	v39 =	vmul.f32 v26, v15;
	v25 =	vmul.f32 v25, v23  }
0x128: {  	v20 =	vld.idx.msk [tilespmem:v57+s4+$0x0], $0xffff;
	v33 =	vadd.f32 $-4.972033200e-01, v59;
	v34 =	vmul.f32 v60, v17;
	v24 =	vadd.f32 $3.150412740e-01, v24  }
0x129: {  	v61 =	vshra.s32 v22, $0x2;
	v29 =	vld [tilespmem:s3+$0xFFFFFFE0];
	v39 =	vadd.f32 $-4.972033200e-01, v39;
	v41 =	vadd.f32 $9.998325700e-01, v25  }
0x12a: {  	v28 =	vld [tilespmem:s3+$0xFFFFFFF0];
	v42 =	vadd.f32 $-4.972033200e-01, v34;
	v31 =	vshra.s32 v31, v40;
	v24 =	vmul.f32 v24, v18  }
0x12b: {  	v25 =	vld.idx.msk [tilespmem:v30+s4+$0x0], $0xffff;
	v30 =	vand.u32 $0x3F, v31;
	v31 =	vmul.f32 v62, v21;
	v63 =	vmul.f32 v41, v23  }
0x12c: {  	v26 =	vld [tilespmem:s3+$0x0];
	v21 =	vmax.f32 v21, $0.0e+00;
	v30 =	vor.u32 v1, v30;
	v32 =	vadd.f32 $-4.972033200e-01, v24  }
0x12d: {  	v33 =	vmul.f32 v33, v14;
	v23 =	vld.idx.msk [tilespmem:v58+s4+$0x0], $0xffff;
	v34 =	vsub.f32 v21, v31;
	v37 =	vadd.f32 $1.693662630e-06, v63  }
0x12e: {  	s6 =	simm.s32 $0x5;
	s7 =	simm.s32 $0x7AC0;
	v35 =	vmul.f32 v39, v15;
	v36 =	vmul.f32 v42, v17;
	v24 =	vld.idx.msk [tilespmem:v61+s4+$0x0], $0xffff;
	v31 =	vshll.u32 v55, $0x3  }
.LBB2_7:
0x12f: {  	v21 =	vld [tilespmem:s7+$0x20];
	v33 =	vadd.f32 $9.998325700e-01, v33;
	v32 =	vmul.f32 v32, v18;
	v34 =	vadd.f32 v37, v34  }
0x130: {  	s6 =	sadd.s32 $0x5, s6;
	v29 =	vmul.f32 v29, v4;
	v4 =	vld [tilespmem:s7+$0xFFFFFFE0];
	v35 =	vadd.f32 $9.998325700e-01, v35;
	v36 =	vadd.f32 $9.998325700e-01, v36  }
0x131: {  	v28 =	vmul.f32 v28, v10;
	p0 =	slt.u32 s6, $0x78;
	v14 =	vmul.f32 v33, v14;
	v32 =	vadd.f32 $9.998325700e-01, v32;
	[tilespmem:v30+s26+$0x0] =	vst.idx.add.f32.msk $0xffff, v34  }
0x132: {  	v16 =	vshll.u32 v16, $0x3;
	v15 =	vmul.f32 v35, v15;
	v17 =	vmul.f32 v36, v17;
	[tilespmem:v30+s28+$0x0] =	vst.idx.add.f32.msk $0xffff, v2  }
0x133: {  	v19 =	vshll.u32 v19, $0x3;
	v26 =	vmul.f32 v26, v7;
	v10 =	vld [tilespmem:s7+$0xFFFFFFF0];
	v18 =	vmul.f32 v32, v18  }
0x134: {  	v22 =	vshll.u32 v22, $0x3;
	v27 =	vmul.f32 v27, v8;
	v7 =	vld [tilespmem:s7+$0x0];
	v30 =	vand.u32 $0x7FFFFFFF, v21  }
0x135: {  	v32 =	vand.u32 $0x7FFFFFFF, v4;
	v33 =	vmax.f32 v4, $0.0e+00;
	v8 =	vld [tilespmem:s7+$0x10];
	v30 =	vsub.f32 $0.0e+00, v30  }
0x136: {  	v31 =	vand.u32 $0x18, v31;
	v14 =	vadd.f32 $1.693662630e-06, v14;
	v32 =	vsub.f32 $0.0e+00, v32;
	[tilespmem:v13+s28+$0x0] =	vst.idx.add.f32.msk $0xffff, v2  }
0x137: {  	v15 =	vadd.f32 $1.693662630e-06, v15;
	v17 =	vadd.f32 $1.693662630e-06, v17;
	v13 =	vmul.f32 $1.442695020e+00, v30;
	[tilespmem:v12+s26+$0x0] =	vst.idx.add.f32.msk $0xffff, v11  }
0x138: {  	v11 =	vmul.f32 $1.442695020e+00, v32;
	v30 =	vand.u32 $0x7FFFFFFF, v10;
	v32 =	vmax.f32 v10, $0.0e+00;
	[tilespmem:v12+s28+$0x0] =	vst.idx.add.f32.msk $0xffff, v2  }
0x139: {  	v12 =	vsub.f32 $0.0e+00, v30;
	v30 =	vand.u32 $0x7FFFFFFF, v7;
	(erf) = vpow2.f32 v13  }
0x13a: {  	v13 =	vsub.f32 $0.0e+00, v30;
	v30 =	vand.u32 $0x7FFFFFFF, v8;
	(erf) = vpow2.f32 v11  }
0x13b: {  	v11 =	vmul.f32 $1.442695020e+00, v12;
	v12 =	vmax.f32 v7, $0.0e+00;
	v30 =	vsub.f32 $0.0e+00, v30  }
0x13c: {  	v18 =	vadd.f32 $1.693662630e-06, v18;
	v34 =	vmax.f32 v8, $0.0e+00;
	v13 =	vmul.f32 $1.442695020e+00, v13  }
0x13d: {  	v30 =	vmul.f32 $1.442695020e+00, v30;
	(erf) = vpow2.f32 v11;
	v11 =	vand.u32 $0x18, v16  }
0x13e: {  	v16 =	vand.u32 $0x18, v22;
	(erf) = vpow2.f32 v13;
	v13 =	vand.u32 $0x18, v19  }
0x13f: {  	v22 =	vsub.f32 v9, v28;
	v9 =	vmovc v32;
	v19 =	vsub.f32 v3, v29;
	v3 =	vmovc v33;
	(erf) = vpow2.f32 v30  }
0x140: {  	v25 =	vshra.s32 v25, v31;
	v26 =	vsub.f32 v5, v26;
	v27 =	vsub.f32 v6, v27;
	v5 =	vmovc v12  }
0x141: {  	v6 =	vmovc v34;
	v12 =	vshra.s32 v20, v11;
	v16 =	vshra.s32 v24, v16;
	v13 =	vshra.s32 v23, v13  }
0x142: {  	v20 =	vand.u32 $0x3F, v25;
	v25 =	vadd.f32 v15, v22;
	v24 =	vadd.f32 v14, v19;
	v23 =	vpop (erf)  }
0x143: {  	v38 =	vadd.f32 v17, v26;
	v11 =	vadd.f32 v18, v27;
	v28 =	vmul.f32 $1.702961140e-02, v23;
	v14 =	vpop (erf)  }
0x144: {  	v12 =	vand.u32 $0x3F, v12;
	v13 =	vand.u32 $0x3F, v13;
	v30 =	vmul.f32 $1.702961140e-02, v14  }
0x145: {  	s0 =	sadd.s32 $0x50, s0;
	v20 =	vor.u32 v1, v20;
	v19 =	vand.u32 $0x3F, v16;
	v31 =	vsub.f32 $8.152318000e-02, v28  }
0x146: {  	v27 =	vor.u32 v1, v12;
	v13 =	vor.u32 v1, v13;
	v22 =	vsub.f32 $8.152318000e-02, v30;
	v26 =	vld [tilespmem:s0+$0x20];
	v15 =	vpop (erf)  }
0x147: {  	v12 =	vor.u32 v1, v19;
	v16 =	vld [tilespmem:s0+$0xFFFFFFF0];
	v28 =	vmul.f32 $1.702961140e-02, v15;
	v29 =	vmul.f32 v31, v23;
	v17 =	vpop (erf)  }
0x148: {  	v22 =	vmul.f32 v22, v14;
	v19 =	vld [tilespmem:s0+$0x0];
	v30 =	vmul.f32 $1.702961140e-02, v17;
	v18 =	vpop (erf)  }
0x149: {  	v28 =	vsub.f32 $8.152318000e-02, v28;
	v31 =	vmul.f32 $1.702961140e-02, v18;
	v29 =	vadd.f32 $-1.890195460e-01, v29  }
0x14a: {  	v32 =	vadd.f32 $-1.890195460e-01, v22;
	v30 =	vsub.f32 $8.152318000e-02, v30;
	v22 =	vld [tilespmem:s0+$0x10]  }
0x14b: {  	v35 =	vld [tilespmem:s0+$0xFFFFFFE0];
	v31 =	vsub.f32 $8.152318000e-02, v31;
	v33 =	vshra.s32 v26, $0x2;
	v29 =	vmul.f32 v29, v23  }
0x14c: {  	v28 =	vmul.f32 v28, v15;
	v34 =	vshra.s32 v16, $0x2;
	v30 =	vmul.f32 v30, v17;
	[tilespmem:v20+s26+$0x0] =	vst.idx.add.f32.msk $0xffff, v24  }
0x14d: {  	v24 =	vmul.f32 v32, v14;
	v31 =	vmul.f32 v31, v18;
	v29 =	vadd.f32 $3.150412740e-01, v29;
	[tilespmem:v20+s28+$0x0] =	vst.idx.add.f32.msk $0xffff, v2  }
0x14e: {  	v20 =	vadd.f32 $-1.890195460e-01, v28;
	v32 =	vshra.s32 v19, $0x2;
	v28 =	vadd.f32 $-1.890195460e-01, v30;
	[tilespmem:v27+s26+$0x0] =	vst.idx.add.f32.msk $0xffff, v25  }
0x14f: {  	v24 =	vadd.f32 $3.150412740e-01, v24;
	v25 =	vadd.f32 $-1.890195460e-01, v31;
	v29 =	vmul.f32 v29, v23;
	[tilespmem:v27+s28+$0x0] =	vst.idx.add.f32.msk $0xffff, v2  }
0x150: {  	v27 =	vmul.f32 v20, v15;
	v30 =	vshra.s32 v35, $0x2;
	v28 =	vmul.f32 v28, v17;
	v31 =	vld.idx.msk [tilespmem:v33+s4+$0x0], $0xffff  }
0x151: {  	s3 =	sadd.s32 $0x50, s3;
	v24 =	vmul.f32 v24, v14;
	v20 =	vld.idx.msk [tilespmem:v34+s4+$0x0], $0xffff;
	v25 =	vmul.f32 v25, v18;
	v33 =	vadd.f32 $-4.972033200e-01, v29  }
0x152: {  	v36 =	vshra.s32 v22, $0x2;
	v27 =	vadd.f32 $3.150412740e-01, v27;
	v34 =	vadd.f32 $3.150412740e-01, v28;
	v37 =	vld [tilespmem:s3+$0x20]  }
0x153: {  	v24 =	vadd.f32 $-4.972033200e-01, v24;
	v29 =	vld [tilespmem:s3+$0xFFFFFFE0];
	v25 =	vadd.f32 $3.150412740e-01, v25;
	v33 =	vmul.f32 v33, v23  }
0x154: {  	v39 =	vshll.u32 v26, $0x3;
	v27 =	vmul.f32 v27, v15;
	v28 =	vld [tilespmem:s3+$0xFFFFFFF0];
	v34 =	vmul.f32 v34, v17  }
0x155: {  	v26 =	vld [tilespmem:s3+$0x0];
	v40 =	vmul.f32 v25, v18;
	v25 =	vand.u32 $0x18, v39;
	v33 =	vadd.f32 $9.998325700e-01, v33  }
.Ltmp2:
0x156: {  	v39 =	vadd.f32 $-4.972033200e-01, v27;
	v41 =	vadd.f32 $-4.972033200e-01, v34;
	v27 =	vld [tilespmem:s3+$0x10];
	v31 =	vshra.s32 v31, v25;
	(pc) =	sbr.rel @p0 .LBB2_7-.Ltmp2, $4  }
0x157: {  	v25 =	vld.idx.msk [tilespmem:v30+s4+$0x0], $0xffff;
	v30 =	vand.u32 $0x3F, v31;
	v31 =	vmul.f32 v37, v21;
	v37 =	vmul.f32 v33, v23  }
0x158: {  	v21 =	vmax.f32 v21, $0.0e+00;
	v23 =	vld.idx.msk [tilespmem:v32+s4+$0x0], $0xffff;
	v32 =	vadd.f32 $-4.972033200e-01, v40;
	v30 =	vor.u32 v1, v30  }
0x159: {  	v33 =	vmul.f32 v24, v14;
	v24 =	vld.idx.msk [tilespmem:v36+s4+$0x0], $0xffff;
	v34 =	vsub.f32 v21, v31;
	v37 =	vadd.f32 $1.693662630e-06, v37  }
0x15a: {  	s7 =	sadd.s32 $0x50, s7;
	v31 =	vshll.u32 v35, $0x3;
	v35 =	vmul.f32 v39, v15;
	v36 =	vmul.f32 v41, v17;
	[tilespmem:v13+s26+$0x0] =	vst.idx.add.f32.msk $0xffff, v38  }
0x15b: {  	v21 =	vadd.f32 $9.998325700e-01, v33;
	v32 =	vmul.f32 v32, v18;
	v49 =	vadd.f32 v37, v34  }
0x15c: {  	v4 =	vmul.f32 v29, v4;
	v10 =	vmul.f32 v28, v10;
	v16 =	vshll.u32 v16, $0x3  }
0x15d: {  	v19 =	vshll.u32 v19, $0x3;
	v7 =	vmul.f32 v26, v7;
	v54 =	vand.u32 $0x18, v31  }
0x15e: {  	v22 =	vshll.u32 v22, $0x3;
	v8 =	vmul.f32 v27, v8;
	v50 =	vadd.f32 $9.998325700e-01, v35  }
0x15f: {  	v51 =	vadd.f32 $9.998325700e-01, v36;
	v16 =	vand.u32 $0x18, v16;
	v19 =	vand.u32 $0x18, v19  }
0x160: {  	v14 =	vmul.f32 v21, v14;
	v52 =	vadd.f32 $9.998325700e-01, v32;
	v21 =	vshra.s32 v25, v54  }
0x161: {  	v16 =	vshra.s32 v20, v16;
	v3 =	vsub.f32 v3, v4;
	v58 =	vshra.s32 v23, v19  }
0x162: {  	v9 =	vsub.f32 v9, v10;
	v15 =	vmul.f32 v50, v15;
	v21 =	vand.u32 $0x3F, v21  }
0x163: {  	[tilespmem:v13+s28+$0x0] =	vst.idx.add.f32.msk $0xffff, v2;
	v17 =	vmul.f32 v51, v17;
	v56 =	vand.u32 $0x3F, v16;
	v55 =	vor.u32 v1, v21  }
0x164: {  	[tilespmem:v12+s26+$0x0] =	vst.idx.add.f32.msk $0xffff, v11;
	v59 =	vand.u32 $0x3F, v58;
	v14 =	vadd.f32 $1.693662630e-06, v14;
	v4 =	vor.u32 v1, v56  }
0x165: {  	[tilespmem:v12+s28+$0x0] =	vst.idx.add.f32.msk $0xffff, v2;
	v5 =	vsub.f32 v5, v7;
	v10 =	vor.u32 v1, v59;
	v15 =	vadd.f32 $1.693662630e-06, v15  }
0x166: {  	v57 =	vand.u32 $0x18, v22;
	[tilespmem:v30+s26+$0x0] =	vst.idx.add.f32.msk $0xffff, v49;
	v60 =	vadd.f32 $1.693662630e-06, v17;
	v3 =	vadd.f32 v14, v3  }
0x167: {  	[tilespmem:v30+s28+$0x0] =	vst.idx.add.f32.msk $0xffff, v2;
	v61 =	vshra.s32 v24, v57;
	v62 =	vadd.f32 v15, v9  }
0x168: {  	v53 =	vmul.f32 v52, v18;
	v63 =	vand.u32 $0x3F, v61;
	v5 =	vadd.f32 v60, v5;
	[tilespmem:v55+s26+$0x0] =	vst.idx.add.f32.msk $0xffff, v3  }
0x169: {  	s31 =	sadd.s32 $0x1, s31;
	v9 =	vor.u32 v1, v63;
	[tilespmem:v4+s26+$0x0] =	vst.idx.add.f32.msk $0xffff, v62  }
0x16a: {  	p0 =	sne.s32 s31, $0x18;
	v6 =	vsub.f32 v6, v8;
	v3 =	vadd.f32 $1.693662630e-06, v53;
	[tilespmem:v10+s26+$0x0] =	vst.idx.add.f32.msk $0xffff, v5  }
.Ltmp3:
0x16b: {  	[tilespmem:v55+s28+$0x0] =	vst.idx.add.f32.msk $0xffff, v2;
	(pc) =	sbr.rel @p0 .LBB2_4-.Ltmp3, $4  }
0x16c: {  	[tilespmem:v4+s28+$0x0] =	vst.idx.add.f32.msk $0xffff, v2;
	v3 =	vadd.f32 v3, v6  }
0x16d: {  	[tilespmem:v10+s28+$0x0] =	vst.idx.add.f32.msk $0xffff, v2  }
0x16e: {  	[tilespmem:v9+s26+$0x0] =	vst.idx.add.f32.msk $0xffff, v3  }
0x16f: {  	[tilespmem:v9+s28+$0x0] =	vst.idx.add.f32.msk $0xffff, v2  }
0x170: {  	_ =	swait.ge [sflag:s25], $0x7D0  }
0x171: {  	[sflag:s25] =	ssyncset.done $0x0  }
0x172: {  	[sflag:s25] =	ssyncadd.s32 $0xFFFFF830  }
0x173: {  	_ =	swait.ge [sflag:s25], $0x7D0  }
0x174: {  	[sflag:s25] =	ssyncset.done $0x0  }
0x175: {  	[sflag:s25] =	ssyncadd.s32 $0xFFFFF830  }
0x176: {  	_ =	swait.ge [sflag:s25], $0x7D0  }
0x177: {  	[sflag:s25] =	ssyncset.done $0x0  }
0x178: {  	s0 =	simm.s32 $0x7220;
	[sflag:s25] =	ssyncadd.s32 $0xFFFFF830  }
0x179: {  	v3 =	vld [tilespmem:s0+$0x20];
	_ =	sdelay $0x3  }
0x17a: {  	v5 =	vld [tilespmem:s0+$0xFFFFFFE0]  }
0x17b: {  	v4 =	vand.u32 $0x7FFFFFFF, v3  }
0x17c: {  	v6 =	vld [tilespmem:s0+$0xFFFFFFF0];
	v4 =	vsub.f32 $0.0e+00, v4  }
0x17d: {  	v7 =	vld [tilespmem:s0+$0x0]  }
0x17e: {  	v9 =	vld [tilespmem:s0+$0x10];
	v4 =	vmul.f32 $1.442695020e+00, v4  }
0x17f: {  	v8 =	vand.u32 $0x7FFFFFFF, v5  }
0x180: {  	v8 =	vsub.f32 $0.0e+00, v8;
	(erf) = vpow2.f32 v4  }
0x181: {  	v10 =	vand.u32 $0x7FFFFFFF, v6  }
0x182: {  	v11 =	vand.u32 $0x7FFFFFFF, v7;
	v10 =	vsub.f32 $0.0e+00, v10;
	v8 =	vmul.f32 $1.442695020e+00, v8  }
0x183: {  	v4 =	vsub.f32 $0.0e+00, v11;
	v11 =	vand.u32 $0x7FFFFFFF, v9  }
0x184: {  	(erf) = vpow2.f32 v8;
	v8 =	vmul.f32 $1.442695020e+00, v10;
	v10 =	vsub.f32 $0.0e+00, v11  }
0x185: {  	v4 =	vmul.f32 $1.442695020e+00, v4  }
0x186: {  	v10 =	vmul.f32 $1.442695020e+00, v10;
	(erf) = vpow2.f32 v8  }
0x187: {  	(erf) = vpow2.f32 v4  }
0x188: {  	s8 =	simm.s32 $0x6220;
	(erf) = vpow2.f32 v10  }
0x189: {  	v15 =	vld [tilespmem:s8+$0x20];
	v4 =	vpop (erf)  }
0x18a: {  	v23 =	vld [tilespmem:s8+$0x0];
	v10 =	vmul.f32 $1.702961140e-02, v4  }
0x18b: {  	v25 =	vld [tilespmem:s8+$0xFFFFFFE0]  }
0x18c: {  	v28 =	vld [tilespmem:s8+$0x10];
	v10 =	vsub.f32 $8.152318000e-02, v10;
	_ =	sdelay $0x1  }
0x18d: {  	s31 =	simm.s32 $0x8220;
	v12 =	vmax.f32 v6, $0.0e+00;
	v8 =	vpop (erf);
	v10 =	vmul.f32 v10, v4  }
0x18e: {  	v32 =	vld [tilespmem:s31+$0x20];
	v22 =	vmax.f32 v7, $0.0e+00;
	v24 =	vmax.f32 v9, $0.0e+00;
	v26 =	vshra.s32 v15, $0x2;
	v14 =	vpop (erf)  }
0x18f: {  	v29 =	vshra.s32 v23, $0x2;
	v30 =	vshra.s32 v25, $0x2;
	v17 =	vpop (erf);
	v10 =	vadd.f32 $-1.890195460e-01, v10  }
0x190: {  	v31 =	vshra.s32 v28, $0x2;
	v16 =	vmul.f32 $1.702961140e-02, v14;
	v19 =	vpop (erf);
	v20 =	vmul.f32 $1.702961140e-02, v17  }
0x191: {  	v15 =	vshll.u32 v15, $0x3;
	v21 =	vmul.f32 $1.702961140e-02, v19;
	v10 =	vmul.f32 v10, v4  }
0x192: {  	v11 =	vmul.f32 $1.702961140e-02, v8;
	v16 =	vsub.f32 $8.152318000e-02, v16;
	v20 =	vsub.f32 $8.152318000e-02, v20  }
0x193: {  	v32 =	vmul.f32 v32, v3;
	v21 =	vsub.f32 $8.152318000e-02, v21;
	v10 =	vadd.f32 $3.150412740e-01, v10  }
0x194: {  	v13 =	vsub.f32 $8.152318000e-02, v11;
	v16 =	vmul.f32 v16, v14;
	v20 =	vmul.f32 v20, v17  }
0x195: {  	v3 =	vmax.f32 v3, $0.0e+00;
	v21 =	vmul.f32 v21, v19;
	v10 =	vmul.f32 v10, v4  }
0x196: {  	v26 =	vld.idx.msk [tilespmem:v26+s4+$0x0], $0xffff;
	v13 =	vmul.f32 v13, v8;
	v16 =	vadd.f32 $-1.890195460e-01, v16;
	v20 =	vadd.f32 $-1.890195460e-01, v20  }
0x197: {  	v15 =	vand.u32 $0x18, v15;
	v21 =	vadd.f32 $-1.890195460e-01, v21;
	v10 =	vadd.f32 $-4.972033200e-01, v10  }
0x198: {  	v13 =	vadd.f32 $-1.890195460e-01, v13;
	v16 =	vmul.f32 v16, v14;
	v20 =	vmul.f32 v20, v17  }
0x199: {  	v3 =	vsub.f32 v3, v32;
	v21 =	vmul.f32 v21, v19;
	v10 =	vmul.f32 v10, v4  }
0x19a: {  	v13 =	vmul.f32 v13, v8;
	v16 =	vadd.f32 $3.150412740e-01, v16;
	v20 =	vadd.f32 $3.150412740e-01, v20  }
0x19b: {  	v15 =	vshra.s32 v26, v15;
	v26 =	vld [tilespmem:s31+$0xFFFFFFE0];
	v21 =	vadd.f32 $3.150412740e-01, v21;
	v10 =	vadd.f32 $9.998325700e-01, v10  }
0x19c: {  	v13 =	vadd.f32 $3.150412740e-01, v13;
	v16 =	vmul.f32 v16, v14;
	v20 =	vmul.f32 v20, v17  }
0x19d: {  	v15 =	vand.u32 $0x3F, v15;
	v21 =	vmul.f32 v21, v19;
	v4 =	vmul.f32 v10, v4  }
0x19e: {  	v33 =	vld [tilespmem:s31+$0xFFFFFFF0];
	v13 =	vmul.f32 v13, v8;
	v16 =	vadd.f32 $-4.972033200e-01, v16;
	v20 =	vadd.f32 $-4.972033200e-01, v20  }
0x19f: {  	s3 =	simm.s32 $0x7270;
	v34 =	vor.u32 v1, v15;
	v15 =	vld [tilespmem:s31+$0x0];
	v10 =	vadd.f32 $-4.972033200e-01, v21;
	v4 =	vadd.f32 $1.693662630e-06, v4  }
0x1a0: {  	v26 =	vmul.f32 v26, v5;
	v13 =	vadd.f32 $-4.972033200e-01, v13;
	v16 =	vmul.f32 v16, v14;
	v21 =	vld [tilespmem:s3+$0x20]  }
0x1a1: {  	v20 =	vmul.f32 v20, v17;
	v10 =	vmul.f32 v10, v19;
	v32 =	vadd.f32 v4, v3;
	v4 =	vld [tilespmem:s3+$0xFFFFFFE0]  }
0x1a2: {  	v11 =	vmax.f32 v5, $0.0e+00;
	v13 =	vmul.f32 v13, v8;
	v5 =	vadd.f32 $9.998325700e-01, v16;
	v3 =	vld [tilespmem:s31+$0x10]  }
0x1a3: {  	v16 =	vadd.f32 $9.998325700e-01, v20;
	v20 =	vmul.f32 v33, v6;
	v6 =	vadd.f32 $9.998325700e-01, v10  }
0x1a4: {  	v15 =	vmul.f32 v15, v7;
	v13 =	vadd.f32 $9.998325700e-01, v13;
	v5 =	vmul.f32 v5, v14  }
0x1a5: {  	v18 =	vld [tilespmem:s8+$0xFFFFFFF0];
	v14 =	vmul.f32 v16, v17;
	v17 =	vmul.f32 v6, v19;
	v6 =	vand.u32 $0x7FFFFFFF, v21  }
0x1a6: {  	v10 =	vld [tilespmem:s3+$0xFFFFFFF0];
	v16 =	vshll.u32 v23, $0x3;
	v6 =	vsub.f32 $0.0e+00, v6;
	v23 =	vand.u32 $0x7FFFFFFF, v4  }
0x1a7: {  	v7 =	vld [tilespmem:s3+$0x0];
	v19 =	vshll.u32 v28, $0x3;
	v28 =	vmul.f32 v3, v9;
	v9 =	vsub.f32 $0.0e+00, v23  }
0x1a8: {  	v25 =	vshll.u32 v25, $0x3;
	v13 =	vmul.f32 v13, v8;
	v8 =	vld [tilespmem:s3+$0x10];
	v6 =	vmul.f32 $1.442695020e+00, v6  }
0x1a9: {  	v23 =	vand.u32 $0x18, v25;
	v25 =	vadd.f32 $1.693662630e-06, v5;
	v5 =	vmul.f32 $1.442695020e+00, v9  }
0x1aa: {  	v27 =	vshra.s32 v18, $0x2;
	(erf) = vpow2.f32 v6  }
0x1ab: {  	v18 =	vshll.u32 v18, $0x3;
	v9 =	vand.u32 $0x7FFFFFFF, v10;
	(erf) = vpow2.f32 v5  }
0x1ac: {  	v29 =	vld.idx.msk [tilespmem:v29+s4+$0x0], $0xffff;
	v11 =	vsub.f32 v11, v26;
	v53 =	vand.u32 $0x7FFFFFFF, v7;
	v9 =	vsub.f32 $0.0e+00, v9  }
0x1ad: {  	v15 =	vsub.f32 v22, v15;
	v54 =	vand.u32 $0x7FFFFFFF, v8;
	v6 =	vsub.f32 $0.0e+00, v53  }
0x1ae: {  	v30 =	vld.idx.msk [tilespmem:v30+s4+$0x0], $0xffff;
	v35 =	vadd.f32 $1.693662630e-06, v14;
	v33 =	vsub.f32 $0.0e+00, v54;
	v14 =	vmul.f32 $1.442695020e+00, v9  }
0x1af: {  	v27 =	vld.idx.msk [tilespmem:v27+s4+$0x0], $0xffff;
	v13 =	vadd.f32 $1.693662630e-06, v13;
	v12 =	vsub.f32 v12, v20;
	v36 =	vmul.f32 $1.442695020e+00, v6  }
0x1b0: {  	v16 =	vand.u32 $0x18, v16;
	v33 =	vmul.f32 $1.442695020e+00, v33;
	(erf) = vpow2.f32 v14  }
0x1b1: {  	v31 =	vld.idx.msk [tilespmem:v31+s4+$0x0], $0xffff;
	v16 =	vshra.s32 v29, v16;
	v14 =	vand.u32 $0x18, v18;
	(erf) = vpow2.f32 v36  }
0x1b2: {  	v17 =	vadd.f32 $1.693662630e-06, v17;
	v38 =	vadd.f32 v35, v15;
	(erf) = vpow2.f32 v33  }
0x1b3: {  	v20 =	vsub.f32 v24, v28;
	v18 =	vand.u32 $0x18, v19;
	v19 =	vshra.s32 v30, v23;
	v23 =	vpop (erf)  }
0x1b4: {  	v3 =	vmax.f32 v4, $0.0e+00;
	v24 =	vadd.f32 v13, v11;
	v22 =	vshra.s32 v27, v14;
	v14 =	vpop (erf)  }
0x1b5: {  	v25 =	vadd.f32 v25, v12;
	v11 =	vadd.f32 v17, v20;
	v13 =	vmul.f32 $1.702961140e-02, v14  }
0x1b6: {  	s0 =	simm.s32 $0x6270;
	v20 =	vand.u32 $0x3F, v16;
	v18 =	vshra.s32 v31, v18;
	v12 =	vmul.f32 $1.702961140e-02, v23  }
0x1b7: {  	v16 =	vld [tilespmem:s0+$0xFFFFFFF0];
	v17 =	vand.u32 $0x3F, v22;
	v22 =	vand.u32 $0x3F, v18;
	v18 =	vsub.f32 $8.152318000e-02, v13  }
0x1b8: {  	v6 =	vmax.f32 v8, $0.0e+00;
	v19 =	vand.u32 $0x3F, v19;
	v27 =	vld [tilespmem:s0+$0x20];
	v12 =	vsub.f32 $8.152318000e-02, v12  }
0x1b9: {  	v5 =	vmax.f32 v7, $0.0e+00;
	v9 =	vmax.f32 v10, $0.0e+00;
	v26 =	vor.u32 v1, v19;
	v15 =	vpop (erf)  }
0x1ba: {  	v56 =	vld [tilespmem:s0+$0xFFFFFFE0];
	v28 =	vor.u32 v1, v17;
	v12 =	vmul.f32 v12, v23;
	v29 =	vmul.f32 $1.702961140e-02, v15;
	v17 =	vpop (erf)  }
0x1bb: {  	[tilespmem:v34+s26+$0x0] =	vst.idx.add.f32.msk $0xffff, v32;
	v13 =	vor.u32 v1, v20;
	v20 =	vmul.f32 v18, v14;
	v30 =	vmul.f32 $1.702961140e-02, v17;
	v18 =	vpop (erf)  }
0x1bc: {  	[tilespmem:v34+s28+$0x0] =	vst.idx.add.f32.msk $0xffff, v2;
	v55 =	vadd.f32 $-1.890195460e-01, v12;
	v29 =	vsub.f32 $8.152318000e-02, v29;
	v31 =	vmul.f32 $1.702961140e-02, v18  }
0x1bd: {  	v58 =	vshra.s32 v16, $0x2;
	v19 =	vld [tilespmem:s0+$0x0];
	v57 =	vshra.s32 v27, $0x2;
	v30 =	vsub.f32 $8.152318000e-02, v30  }
0x1be: {  	[tilespmem:v26+s26+$0x0] =	vst.idx.add.f32.msk $0xffff, v24;
	v32 =	vmul.f32 v55, v23;
	v29 =	vmul.f32 v29, v15;
	v31 =	vsub.f32 $8.152318000e-02, v31  }
0x1bf: {  	v27 =	vshll.u32 v27, $0x3;
	[tilespmem:v26+s28+$0x0] =	vst.idx.add.f32.msk $0xffff, v2;
	v20 =	vadd.f32 $-1.890195460e-01, v20;
	v30 =	vmul.f32 v30, v17  }
0x1c0: {  	[tilespmem:v28+s26+$0x0] =	vst.idx.add.f32.msk $0xffff, v25;
	v26 =	vadd.f32 $-1.890195460e-01, v29;
	v24 =	vmul.f32 v31, v18;
	v31 =	vadd.f32 $3.150412740e-01, v32  }
0x1c1: {  	s3 =	simm.s32 $0x8270;
	v40 =	vand.u32 $0x18, v27;
	[tilespmem:v28+s28+$0x0] =	vst.idx.add.f32.msk $0xffff, v2;
	v20 =	vmul.f32 v20, v14;
	v29 =	vadd.f32 $-1.890195460e-01, v30  }
0x1c2: {  	v37 =	vld [tilespmem:s3+$0x20];
	v12 =	vor.u32 v1, v22;
	v26 =	vmul.f32 v26, v15;
	v25 =	vmul.f32 v31, v23  }
0x1c3: {  	v22 =	vld [tilespmem:s0+$0x10];
	v20 =	vadd.f32 $3.150412740e-01, v20;
	v28 =	vmul.f32 v29, v17;
	v24 =	vadd.f32 $-1.890195460e-01, v24  }
0x1c4: {  	v30 =	vshra.s32 v56, $0x2;
	v31 =	vld.idx.msk [tilespmem:v57+s4+$0x0], $0xffff;
	v26 =	vadd.f32 $3.150412740e-01, v26;
	v25 =	vadd.f32 $-4.972033200e-01, v25  }
0x1c5: {  	v27 =	vld [tilespmem:s3+$0x10];
	v60 =	vmul.f32 v20, v14;
	v61 =	vadd.f32 $3.150412740e-01, v28;
	v24 =	vmul.f32 v24, v18  }
0x1c6: {  	v59 =	vshra.s32 v19, $0x2;
	[tilespmem:v13+s26+$0x0] =	vst.idx.add.f32.msk $0xffff, v38;
	v39 =	vmul.f32 v26, v15;
	v25 =	vmul.f32 v25, v23  }
0x1c7: {  	v20 =	vld.idx.msk [tilespmem:v58+s4+$0x0], $0xffff;
	v33 =	vadd.f32 $-4.972033200e-01, v60;
	v34 =	vmul.f32 v61, v17;
	v24 =	vadd.f32 $3.150412740e-01, v24  }
0x1c8: {  	v62 =	vshra.s32 v22, $0x2;
	v29 =	vld [tilespmem:s3+$0xFFFFFFE0];
	v39 =	vadd.f32 $-4.972033200e-01, v39;
	v41 =	vadd.f32 $9.998325700e-01, v25  }
0x1c9: {  	v28 =	vld [tilespmem:s3+$0xFFFFFFF0];
	v42 =	vadd.f32 $-4.972033200e-01, v34;
	v31 =	vshra.s32 v31, v40;
	v24 =	vmul.f32 v24, v18  }
0x1ca: {  	v25 =	vld.idx.msk [tilespmem:v30+s4+$0x0], $0xffff;
	v30 =	vand.u32 $0x3F, v31;
	v31 =	vmul.f32 v37, v21;
	v63 =	vmul.f32 v41, v23  }
0x1cb: {  	v26 =	vld [tilespmem:s3+$0x0];
	v21 =	vmax.f32 v21, $0.0e+00;
	v30 =	vor.u32 v1, v30;
	v32 =	vadd.f32 $-4.972033200e-01, v24  }
0x1cc: {  	v33 =	vmul.f32 v33, v14;
	v23 =	vld.idx.msk [tilespmem:v59+s4+$0x0], $0xffff;
	v34 =	vsub.f32 v21, v31;
	v37 =	vadd.f32 $1.693662630e-06, v63  }
0x1cd: {  	s6 =	simm.s32 $0x5;
	s7 =	simm.s32 $0x72C0;
	v35 =	vmul.f32 v39, v15;
	v36 =	vmul.f32 v42, v17;
	v24 =	vld.idx.msk [tilespmem:v62+s4+$0x0], $0xffff;
	v31 =	vshll.u32 v56, $0x3  }
.LBB2_10:
0x1ce: {  	v21 =	vld [tilespmem:s7+$0x20];
	v33 =	vadd.f32 $9.998325700e-01, v33;
	v32 =	vmul.f32 v32, v18;
	v34 =	vadd.f32 v37, v34  }
0x1cf: {  	s6 =	sadd.s32 $0x5, s6;
	v29 =	vmul.f32 v29, v4;
	v4 =	vld [tilespmem:s7+$0xFFFFFFE0];
	v35 =	vadd.f32 $9.998325700e-01, v35;
	v36 =	vadd.f32 $9.998325700e-01, v36  }
0x1d0: {  	v28 =	vmul.f32 v28, v10;
	p0 =	slt.u32 s6, $0x78;
	v14 =	vmul.f32 v33, v14;
	v32 =	vadd.f32 $9.998325700e-01, v32;
	[tilespmem:v30+s26+$0x0] =	vst.idx.add.f32.msk $0xffff, v34  }
0x1d1: {  	v16 =	vshll.u32 v16, $0x3;
	v15 =	vmul.f32 v35, v15;
	v17 =	vmul.f32 v36, v17;
	[tilespmem:v30+s28+$0x0] =	vst.idx.add.f32.msk $0xffff, v2  }
0x1d2: {  	v19 =	vshll.u32 v19, $0x3;
	v26 =	vmul.f32 v26, v7;
	v10 =	vld [tilespmem:s7+$0xFFFFFFF0];
	v18 =	vmul.f32 v32, v18  }
0x1d3: {  	v22 =	vshll.u32 v22, $0x3;
	v27 =	vmul.f32 v27, v8;
	v7 =	vld [tilespmem:s7+$0x0];
	v30 =	vand.u32 $0x7FFFFFFF, v21  }
0x1d4: {  	v32 =	vand.u32 $0x7FFFFFFF, v4;
	v33 =	vmax.f32 v4, $0.0e+00;
	v8 =	vld [tilespmem:s7+$0x10];
	v30 =	vsub.f32 $0.0e+00, v30  }
0x1d5: {  	v31 =	vand.u32 $0x18, v31;
	v14 =	vadd.f32 $1.693662630e-06, v14;
	v32 =	vsub.f32 $0.0e+00, v32;
	[tilespmem:v13+s28+$0x0] =	vst.idx.add.f32.msk $0xffff, v2  }
0x1d6: {  	v15 =	vadd.f32 $1.693662630e-06, v15;
	v17 =	vadd.f32 $1.693662630e-06, v17;
	v13 =	vmul.f32 $1.442695020e+00, v30;
	[tilespmem:v12+s26+$0x0] =	vst.idx.add.f32.msk $0xffff, v11  }
0x1d7: {  	v11 =	vmul.f32 $1.442695020e+00, v32;
	v30 =	vand.u32 $0x7FFFFFFF, v10;
	v32 =	vmax.f32 v10, $0.0e+00;
	[tilespmem:v12+s28+$0x0] =	vst.idx.add.f32.msk $0xffff, v2  }
0x1d8: {  	v12 =	vsub.f32 $0.0e+00, v30;
	v30 =	vand.u32 $0x7FFFFFFF, v7;
	(erf) = vpow2.f32 v13  }
0x1d9: {  	v13 =	vsub.f32 $0.0e+00, v30;
	v30 =	vand.u32 $0x7FFFFFFF, v8;
	(erf) = vpow2.f32 v11  }
0x1da: {  	v11 =	vmul.f32 $1.442695020e+00, v12;
	v12 =	vmax.f32 v7, $0.0e+00;
	v30 =	vsub.f32 $0.0e+00, v30  }
0x1db: {  	v18 =	vadd.f32 $1.693662630e-06, v18;
	v34 =	vmax.f32 v8, $0.0e+00;
	v13 =	vmul.f32 $1.442695020e+00, v13  }
0x1dc: {  	v30 =	vmul.f32 $1.442695020e+00, v30;
	(erf) = vpow2.f32 v11;
	v11 =	vand.u32 $0x18, v16  }
0x1dd: {  	v16 =	vand.u32 $0x18, v22;
	(erf) = vpow2.f32 v13;
	v13 =	vand.u32 $0x18, v19  }
0x1de: {  	v22 =	vsub.f32 v9, v28;
	v9 =	vmovc v32;
	v19 =	vsub.f32 v3, v29;
	v3 =	vmovc v33;
	(erf) = vpow2.f32 v30  }
0x1df: {  	v25 =	vshra.s32 v25, v31;
	v26 =	vsub.f32 v5, v26;
	v27 =	vsub.f32 v6, v27;
	v5 =	vmovc v12  }
0x1e0: {  	v6 =	vmovc v34;
	v12 =	vshra.s32 v20, v11;
	v16 =	vshra.s32 v24, v16;
	v13 =	vshra.s32 v23, v13  }
0x1e1: {  	v20 =	vand.u32 $0x3F, v25;
	v25 =	vadd.f32 v15, v22;
	v24 =	vadd.f32 v14, v19;
	v23 =	vpop (erf)  }
0x1e2: {  	v38 =	vadd.f32 v17, v26;
	v11 =	vadd.f32 v18, v27;
	v28 =	vmul.f32 $1.702961140e-02, v23;
	v14 =	vpop (erf)  }
0x1e3: {  	v12 =	vand.u32 $0x3F, v12;
	v13 =	vand.u32 $0x3F, v13;
	v30 =	vmul.f32 $1.702961140e-02, v14  }
0x1e4: {  	s0 =	sadd.s32 $0x50, s0;
	v20 =	vor.u32 v1, v20;
	v19 =	vand.u32 $0x3F, v16;
	v31 =	vsub.f32 $8.152318000e-02, v28  }
0x1e5: {  	v27 =	vor.u32 v1, v12;
	v13 =	vor.u32 v1, v13;
	v22 =	vsub.f32 $8.152318000e-02, v30;
	v26 =	vld [tilespmem:s0+$0x20];
	v15 =	vpop (erf)  }
0x1e6: {  	v12 =	vor.u32 v1, v19;
	v16 =	vld [tilespmem:s0+$0xFFFFFFF0];
	v28 =	vmul.f32 $1.702961140e-02, v15;
	v29 =	vmul.f32 v31, v23;
	v17 =	vpop (erf)  }
0x1e7: {  	v22 =	vmul.f32 v22, v14;
	v19 =	vld [tilespmem:s0+$0x0];
	v30 =	vmul.f32 $1.702961140e-02, v17;
	v18 =	vpop (erf)  }
0x1e8: {  	v28 =	vsub.f32 $8.152318000e-02, v28;
	v31 =	vmul.f32 $1.702961140e-02, v18;
	v29 =	vadd.f32 $-1.890195460e-01, v29  }
0x1e9: {  	v32 =	vadd.f32 $-1.890195460e-01, v22;
	v30 =	vsub.f32 $8.152318000e-02, v30;
	v22 =	vld [tilespmem:s0+$0x10]  }
0x1ea: {  	v35 =	vld [tilespmem:s0+$0xFFFFFFE0];
	v31 =	vsub.f32 $8.152318000e-02, v31;
	v33 =	vshra.s32 v26, $0x2;
	v29 =	vmul.f32 v29, v23  }
0x1eb: {  	v28 =	vmul.f32 v28, v15;
	v34 =	vshra.s32 v16, $0x2;
	v30 =	vmul.f32 v30, v17;
	[tilespmem:v20+s26+$0x0] =	vst.idx.add.f32.msk $0xffff, v24  }
0x1ec: {  	v24 =	vmul.f32 v32, v14;
	v31 =	vmul.f32 v31, v18;
	v29 =	vadd.f32 $3.150412740e-01, v29;
	[tilespmem:v20+s28+$0x0] =	vst.idx.add.f32.msk $0xffff, v2  }
0x1ed: {  	v20 =	vadd.f32 $-1.890195460e-01, v28;
	v32 =	vshra.s32 v19, $0x2;
	v28 =	vadd.f32 $-1.890195460e-01, v30;
	[tilespmem:v27+s26+$0x0] =	vst.idx.add.f32.msk $0xffff, v25  }
0x1ee: {  	v24 =	vadd.f32 $3.150412740e-01, v24;
	v25 =	vadd.f32 $-1.890195460e-01, v31;
	v29 =	vmul.f32 v29, v23;
	[tilespmem:v27+s28+$0x0] =	vst.idx.add.f32.msk $0xffff, v2  }
0x1ef: {  	v27 =	vmul.f32 v20, v15;
	v30 =	vshra.s32 v35, $0x2;
	v28 =	vmul.f32 v28, v17;
	v31 =	vld.idx.msk [tilespmem:v33+s4+$0x0], $0xffff  }
0x1f0: {  	s3 =	sadd.s32 $0x50, s3;
	v24 =	vmul.f32 v24, v14;
	v20 =	vld.idx.msk [tilespmem:v34+s4+$0x0], $0xffff;
	v25 =	vmul.f32 v25, v18;
	v33 =	vadd.f32 $-4.972033200e-01, v29  }
0x1f1: {  	v36 =	vshra.s32 v22, $0x2;
	v27 =	vadd.f32 $3.150412740e-01, v27;
	v34 =	vadd.f32 $3.150412740e-01, v28;
	v37 =	vld [tilespmem:s3+$0x20]  }
0x1f2: {  	v24 =	vadd.f32 $-4.972033200e-01, v24;
	v29 =	vld [tilespmem:s3+$0xFFFFFFE0];
	v25 =	vadd.f32 $3.150412740e-01, v25;
	v33 =	vmul.f32 v33, v23  }
0x1f3: {  	v39 =	vshll.u32 v26, $0x3;
	v27 =	vmul.f32 v27, v15;
	v28 =	vld [tilespmem:s3+$0xFFFFFFF0];
	v34 =	vmul.f32 v34, v17  }
0x1f4: {  	v26 =	vld [tilespmem:s3+$0x0];
	v40 =	vmul.f32 v25, v18;
	v25 =	vand.u32 $0x18, v39;
	v33 =	vadd.f32 $9.998325700e-01, v33  }
.Ltmp4:
0x1f5: {  	v39 =	vadd.f32 $-4.972033200e-01, v27;
	v41 =	vadd.f32 $-4.972033200e-01, v34;
	v27 =	vld [tilespmem:s3+$0x10];
	v31 =	vshra.s32 v31, v25;
	(pc) =	sbr.rel @p0 .LBB2_10-.Ltmp4, $4  }
0x1f6: {  	v25 =	vld.idx.msk [tilespmem:v30+s4+$0x0], $0xffff;
	v30 =	vand.u32 $0x3F, v31;
	v31 =	vmul.f32 v37, v21;
	v37 =	vmul.f32 v33, v23  }
0x1f7: {  	v21 =	vmax.f32 v21, $0.0e+00;
	v23 =	vld.idx.msk [tilespmem:v32+s4+$0x0], $0xffff;
	v32 =	vadd.f32 $-4.972033200e-01, v40;
	v30 =	vor.u32 v1, v30  }
0x1f8: {  	v33 =	vmul.f32 v24, v14;
	v24 =	vld.idx.msk [tilespmem:v36+s4+$0x0], $0xffff;
	v34 =	vsub.f32 v21, v31;
	v37 =	vadd.f32 $1.693662630e-06, v37  }
0x1f9: {  	s7 =	sadd.s32 $0x50, s7;
	v31 =	vshll.u32 v35, $0x3;
	v35 =	vmul.f32 v39, v15;
	v36 =	vmul.f32 v41, v17;
	[tilespmem:v13+s26+$0x0] =	vst.idx.add.f32.msk $0xffff, v38  }
0x1fa: {  	v21 =	vadd.f32 $9.998325700e-01, v33;
	v32 =	vmul.f32 v32, v18  }
0x1fb: {  	v45 =	vadd.f32 v37, v34;
	v4 =	vmul.f32 v29, v4;
	v10 =	vmul.f32 v28, v10  }
0x1fc: {  	v16 =	vshll.u32 v16, $0x3;
	v19 =	vshll.u32 v19, $0x3;
	v7 =	vmul.f32 v26, v7  }
0x1fd: {  	v22 =	vshll.u32 v22, $0x3;
	v29 =	vadd.f32 $9.998325700e-01, v35;
	v46 =	vadd.f32 $9.998325700e-01, v36  }
0x1fe: {  	[tilespmem:v13+s28+$0x0] =	vst.idx.add.f32.msk $0xffff, v2;
	v16 =	vand.u32 $0x18, v16;
	v19 =	vand.u32 $0x18, v19;
	v13 =	vand.u32 $0x18, v22  }
0x1ff: {  	v14 =	vmul.f32 v21, v14;
	v21 =	vadd.f32 $9.998325700e-01, v32;
	v16 =	vshra.s32 v20, v16  }
0x200: {  	v3 =	vsub.f32 v3, v4;
	v9 =	vsub.f32 v9, v10;
	v15 =	vmul.f32 v29, v15  }
0x201: {  	v4 =	vand.u32 $0x3F, v16;
	v18 =	vmul.f32 v21, v18;
	v21 =	vand.u32 $0x18, v31  }
0x202: {  	v5 =	vsub.f32 v5, v7;
	v4 =	vor.u32 v1, v4;
	v21 =	vshra.s32 v25, v21  }
0x203: {  	[tilespmem:v12+s26+$0x0] =	vst.idx.add.f32.msk $0xffff, v11;
	v16 =	vshra.s32 v23, v19;
	v15 =	vadd.f32 $1.693662630e-06, v15;
	v21 =	vand.u32 $0x3F, v21  }
0x204: {  	[tilespmem:v12+s28+$0x0] =	vst.idx.add.f32.msk $0xffff, v2;
	v17 =	vmul.f32 v46, v17;
	v10 =	vand.u32 $0x3F, v16;
	v20 =	vor.u32 v1, v21  }
0x205: {  	[tilespmem:v30+s26+$0x0] =	vst.idx.add.f32.msk $0xffff, v45;
	v14 =	vadd.f32 $1.693662630e-06, v14;
	v10 =	vor.u32 v1, v10;
	v7 =	vadd.f32 v15, v9  }
0x206: {  	[tilespmem:v30+s28+$0x0] =	vst.idx.add.f32.msk $0xffff, v2;
	v12 =	vshra.s32 v24, v13;
	v11 =	vadd.f32 $1.693662630e-06, v17  }
0x207: {  	v8 =	vmul.f32 v27, v8;
	v3 =	vadd.f32 v14, v3;
	v9 =	vand.u32 $0x3F, v12;
	[tilespmem:v4+s26+$0x0] =	vst.idx.add.f32.msk $0xffff, v7  }
0x208: {  	v5 =	vadd.f32 v11, v5;
	v9 =	vor.u32 v1, v9;
	[tilespmem:v4+s28+$0x0] =	vst.idx.add.f32.msk $0xffff, v2  }
0x209: {  	v6 =	vsub.f32 v6, v8;
	[tilespmem:v20+s26+$0x0] =	vst.idx.add.f32.msk $0xffff, v3;
	v3 =	vadd.f32 $1.693662630e-06, v18  }
0x20a: {  	[tilespmem:v10+s26+$0x0] =	vst.idx.add.f32.msk $0xffff, v5  }
0x20b: {  	[tilespmem:v10+s28+$0x0] =	vst.idx.add.f32.msk $0xffff, v2;
	v3 =	vadd.f32 v3, v6  }
0x20c: {  	[tilespmem:v20+s28+$0x0] =	vst.idx.add.f32.msk $0xffff, v2  }
0x20d: {  	[tilespmem:v9+s26+$0x0] =	vst.idx.add.f32.msk $0xffff, v3  }
0x20e: {  	[tilespmem:v9+s28+$0x0] =	vst.idx.add.f32.msk $0xffff, v2  }
0x20f: {  	_ =	swait.ge [sflag:s29], $0x7D0  }
0x210: {  	[sflag:s29] =	ssyncset.done $0x0  }
0x211: {  	[sflag:s29] =	ssyncadd.s32 $0xFFFFF830  }
0x212: {  	_ =	swait.ge [sflag:s29], $0x7D0  }
0x213: {  	[sflag:s29] =	ssyncset.done $0x0  }
0x214: {  	[sflag:s29] =	ssyncadd.s32 $0xFFFFF830  }
0x215: {  	_ =	swait.ge [sflag:s29], $0x7D0  }
0x216: {  	[sflag:s29] =	ssyncset.done $0x0  }
0x217: {  	s0 =	simm.s32 $0x7A20;
	[sflag:s29] =	ssyncadd.s32 $0xFFFFF830  }
0x218: {  	v3 =	vld [tilespmem:s0+$0x20];
	_ =	sdelay $0x3  }
0x219: {  	v5 =	vld [tilespmem:s0+$0xFFFFFFE0]  }
0x21a: {  	v4 =	vand.u32 $0x7FFFFFFF, v3  }
0x21b: {  	v6 =	vld [tilespmem:s0+$0xFFFFFFF0];
	v4 =	vsub.f32 $0.0e+00, v4  }
0x21c: {  	v7 =	vld [tilespmem:s0+$0x0]  }
0x21d: {  	v9 =	vld [tilespmem:s0+$0x10];
	v4 =	vmul.f32 $1.442695020e+00, v4  }
0x21e: {  	v8 =	vand.u32 $0x7FFFFFFF, v5  }
0x21f: {  	v8 =	vsub.f32 $0.0e+00, v8;
	(erf) = vpow2.f32 v4  }
0x220: {  	v10 =	vand.u32 $0x7FFFFFFF, v6  }
0x221: {  	v11 =	vand.u32 $0x7FFFFFFF, v7;
	v10 =	vsub.f32 $0.0e+00, v10;
	v8 =	vmul.f32 $1.442695020e+00, v8  }
0x222: {  	v4 =	vsub.f32 $0.0e+00, v11;
	v11 =	vand.u32 $0x7FFFFFFF, v9  }
0x223: {  	(erf) = vpow2.f32 v8;
	v8 =	vmul.f32 $1.442695020e+00, v10;
	v10 =	vsub.f32 $0.0e+00, v11  }
0x224: {  	v4 =	vmul.f32 $1.442695020e+00, v4  }
0x225: {  	v10 =	vmul.f32 $1.442695020e+00, v10;
	(erf) = vpow2.f32 v8  }
0x226: {  	(erf) = vpow2.f32 v4  }
0x227: {  	s8 =	simm.s32 $0x6A20;
	(erf) = vpow2.f32 v10  }
0x228: {  	v15 =	vld [tilespmem:s8+$0x20];
	v4 =	vpop (erf)  }
0x229: {  	v23 =	vld [tilespmem:s8+$0x0];
	v10 =	vmul.f32 $1.702961140e-02, v4  }
0x22a: {  	v25 =	vld [tilespmem:s8+$0xFFFFFFE0]  }
0x22b: {  	v28 =	vld [tilespmem:s8+$0x10];
	v10 =	vsub.f32 $8.152318000e-02, v10;
	_ =	sdelay $0x1  }
0x22c: {  	s31 =	simm.s32 $0x8A20;
	v12 =	vmax.f32 v6, $0.0e+00;
	v8 =	vpop (erf);
	v10 =	vmul.f32 v10, v4  }
0x22d: {  	v47 =	vld [tilespmem:s31+$0x20];
	v22 =	vmax.f32 v7, $0.0e+00;
	v24 =	vmax.f32 v9, $0.0e+00;
	v26 =	vshra.s32 v15, $0x2;
	v14 =	vpop (erf)  }
0x22e: {  	v29 =	vshra.s32 v23, $0x2;
	v30 =	vshra.s32 v25, $0x2;
	v17 =	vpop (erf);
	v10 =	vadd.f32 $-1.890195460e-01, v10  }
0x22f: {  	v31 =	vshra.s32 v28, $0x2;
	v16 =	vmul.f32 $1.702961140e-02, v14;
	v19 =	vpop (erf);
	v20 =	vmul.f32 $1.702961140e-02, v17  }
0x230: {  	v15 =	vshll.u32 v15, $0x3;
	v21 =	vmul.f32 $1.702961140e-02, v19;
	v10 =	vmul.f32 v10, v4  }
0x231: {  	v11 =	vmul.f32 $1.702961140e-02, v8;
	v16 =	vsub.f32 $8.152318000e-02, v16;
	v20 =	vsub.f32 $8.152318000e-02, v20  }
0x232: {  	v32 =	vmul.f32 v47, v3;
	v21 =	vsub.f32 $8.152318000e-02, v21;
	v10 =	vadd.f32 $3.150412740e-01, v10  }
0x233: {  	v13 =	vsub.f32 $8.152318000e-02, v11;
	v16 =	vmul.f32 v16, v14;
	v20 =	vmul.f32 v20, v17  }
0x234: {  	v3 =	vmax.f32 v3, $0.0e+00;
	v21 =	vmul.f32 v21, v19;
	v10 =	vmul.f32 v10, v4  }
0x235: {  	v26 =	vld.idx.msk [tilespmem:v26+s4+$0x0], $0xffff;
	v13 =	vmul.f32 v13, v8;
	v16 =	vadd.f32 $-1.890195460e-01, v16;
	v20 =	vadd.f32 $-1.890195460e-01, v20  }
0x236: {  	v15 =	vand.u32 $0x18, v15;
	v21 =	vadd.f32 $-1.890195460e-01, v21;
	v10 =	vadd.f32 $-4.972033200e-01, v10  }
0x237: {  	v13 =	vadd.f32 $-1.890195460e-01, v13;
	v16 =	vmul.f32 v16, v14;
	v20 =	vmul.f32 v20, v17  }
0x238: {  	v3 =	vsub.f32 v3, v32;
	v21 =	vmul.f32 v21, v19;
	v10 =	vmul.f32 v10, v4  }
0x239: {  	v13 =	vmul.f32 v13, v8;
	v16 =	vadd.f32 $3.150412740e-01, v16;
	v20 =	vadd.f32 $3.150412740e-01, v20  }
0x23a: {  	v15 =	vshra.s32 v26, v15;
	v26 =	vld [tilespmem:s31+$0xFFFFFFE0];
	v21 =	vadd.f32 $3.150412740e-01, v21;
	v10 =	vadd.f32 $9.998325700e-01, v10  }
0x23b: {  	v13 =	vadd.f32 $3.150412740e-01, v13;
	v16 =	vmul.f32 v16, v14;
	v20 =	vmul.f32 v20, v17  }
0x23c: {  	v15 =	vand.u32 $0x3F, v15;
	v21 =	vmul.f32 v21, v19;
	v4 =	vmul.f32 v10, v4  }
0x23d: {  	v48 =	vld [tilespmem:s31+$0xFFFFFFF0];
	v13 =	vmul.f32 v13, v8;
	v16 =	vadd.f32 $-4.972033200e-01, v16;
	v20 =	vadd.f32 $-4.972033200e-01, v20  }
0x23e: {  	s3 =	simm.s32 $0x7A70;
	v49 =	vor.u32 v1, v15;
	v15 =	vld [tilespmem:s31+$0x0];
	v10 =	vadd.f32 $-4.972033200e-01, v21;
	v4 =	vadd.f32 $1.693662630e-06, v4  }
0x23f: {  	v26 =	vmul.f32 v26, v5;
	v13 =	vadd.f32 $-4.972033200e-01, v13;
	v16 =	vmul.f32 v16, v14;
	v21 =	vld [tilespmem:s3+$0x20]  }
0x240: {  	v20 =	vmul.f32 v20, v17;
	v10 =	vmul.f32 v10, v19;
	v32 =	vadd.f32 v4, v3;
	v4 =	vld [tilespmem:s3+$0xFFFFFFE0]  }
0x241: {  	v11 =	vmax.f32 v5, $0.0e+00;
	v13 =	vmul.f32 v13, v8;
	v5 =	vadd.f32 $9.998325700e-01, v16;
	v3 =	vld [tilespmem:s31+$0x10]  }
0x242: {  	v16 =	vadd.f32 $9.998325700e-01, v20;
	v20 =	vmul.f32 v48, v6;
	v6 =	vadd.f32 $9.998325700e-01, v10  }
0x243: {  	v15 =	vmul.f32 v15, v7;
	v13 =	vadd.f32 $9.998325700e-01, v13;
	v5 =	vmul.f32 v5, v14  }
0x244: {  	v18 =	vld [tilespmem:s8+$0xFFFFFFF0];
	v14 =	vmul.f32 v16, v17;
	v17 =	vmul.f32 v6, v19;
	v6 =	vand.u32 $0x7FFFFFFF, v21  }
0x245: {  	v10 =	vld [tilespmem:s3+$0xFFFFFFF0];
	v16 =	vshll.u32 v23, $0x3;
	v6 =	vsub.f32 $0.0e+00, v6;
	v23 =	vand.u32 $0x7FFFFFFF, v4  }
0x246: {  	v7 =	vld [tilespmem:s3+$0x0];
	v19 =	vshll.u32 v28, $0x3;
	v28 =	vmul.f32 v3, v9;
	v9 =	vsub.f32 $0.0e+00, v23  }
0x247: {  	v25 =	vshll.u32 v25, $0x3;
	v13 =	vmul.f32 v13, v8;
	v8 =	vld [tilespmem:s3+$0x10];
	v6 =	vmul.f32 $1.442695020e+00, v6  }
0x248: {  	v23 =	vand.u32 $0x18, v25;
	v25 =	vadd.f32 $1.693662630e-06, v5;
	v5 =	vmul.f32 $1.442695020e+00, v9  }
0x249: {  	v27 =	vshra.s32 v18, $0x2;
	(erf) = vpow2.f32 v6  }
0x24a: {  	v18 =	vshll.u32 v18, $0x3;
	v9 =	vand.u32 $0x7FFFFFFF, v10;
	(erf) = vpow2.f32 v5  }
0x24b: {  	v29 =	vld.idx.msk [tilespmem:v29+s4+$0x0], $0xffff;
	v11 =	vsub.f32 v11, v26;
	v50 =	vand.u32 $0x7FFFFFFF, v7;
	v9 =	vsub.f32 $0.0e+00, v9  }
0x24c: {  	v15 =	vsub.f32 v22, v15;
	v51 =	vand.u32 $0x7FFFFFFF, v8;
	v6 =	vsub.f32 $0.0e+00, v50  }
0x24d: {  	v30 =	vld.idx.msk [tilespmem:v30+s4+$0x0], $0xffff;
	v52 =	vadd.f32 $1.693662630e-06, v14;
	v33 =	vsub.f32 $0.0e+00, v51;
	v14 =	vmul.f32 $1.442695020e+00, v9  }
0x24e: {  	v27 =	vld.idx.msk [tilespmem:v27+s4+$0x0], $0xffff;
	v13 =	vadd.f32 $1.693662630e-06, v13;
	v12 =	vsub.f32 v12, v20;
	v53 =	vmul.f32 $1.442695020e+00, v6  }
0x24f: {  	v16 =	vand.u32 $0x18, v16;
	v33 =	vmul.f32 $1.442695020e+00, v33;
	(erf) = vpow2.f32 v14  }
0x250: {  	v31 =	vld.idx.msk [tilespmem:v31+s4+$0x0], $0xffff;
	v16 =	vshra.s32 v29, v16;
	v14 =	vand.u32 $0x18, v18;
	(erf) = vpow2.f32 v53  }
0x251: {  	v17 =	vadd.f32 $1.693662630e-06, v17;
	v38 =	vadd.f32 v52, v15;
	(erf) = vpow2.f32 v33  }
0x252: {  	v20 =	vsub.f32 v24, v28;
	v18 =	vand.u32 $0x18, v19;
	v19 =	vshra.s32 v30, v23;
	v23 =	vpop (erf)  }
0x253: {  	v3 =	vmax.f32 v4, $0.0e+00;
	v24 =	vadd.f32 v13, v11;
	v22 =	vshra.s32 v27, v14;
	v14 =	vpop (erf)  }
0x254: {  	v25 =	vadd.f32 v25, v12;
	v11 =	vadd.f32 v17, v20;
	v13 =	vmul.f32 $1.702961140e-02, v14  }
0x255: {  	s0 =	simm.s32 $0x6A70;
	v20 =	vand.u32 $0x3F, v16;
	v18 =	vshra.s32 v31, v18;
	v12 =	vmul.f32 $1.702961140e-02, v23  }
0x256: {  	v16 =	vld [tilespmem:s0+$0xFFFFFFF0];
	v17 =	vand.u32 $0x3F, v22;
	v22 =	vand.u32 $0x3F, v18;
	v18 =	vsub.f32 $8.152318000e-02, v13  }
0x257: {  	v6 =	vmax.f32 v8, $0.0e+00;
	v19 =	vand.u32 $0x3F, v19;
	v27 =	vld [tilespmem:s0+$0x20];
	v12 =	vsub.f32 $8.152318000e-02, v12  }
0x258: {  	v5 =	vmax.f32 v7, $0.0e+00;
	v9 =	vmax.f32 v10, $0.0e+00;
	v26 =	vor.u32 v1, v19;
	v15 =	vpop (erf)  }
0x259: {  	v55 =	vld [tilespmem:s0+$0xFFFFFFE0];
	v28 =	vor.u32 v1, v17;
	v12 =	vmul.f32 v12, v23;
	v29 =	vmul.f32 $1.702961140e-02, v15;
	v17 =	vpop (erf)  }
0x25a: {  	[tilespmem:v49+s26+$0x0] =	vst.idx.add.f32.msk $0xffff, v32;
	v13 =	vor.u32 v1, v20;
	v20 =	vmul.f32 v18, v14;
	v30 =	vmul.f32 $1.702961140e-02, v17;
	v18 =	vpop (erf)  }
0x25b: {  	[tilespmem:v49+s28+$0x0] =	vst.idx.add.f32.msk $0xffff, v2;
	v54 =	vadd.f32 $-1.890195460e-01, v12;
	v29 =	vsub.f32 $8.152318000e-02, v29;
	v31 =	vmul.f32 $1.702961140e-02, v18  }
0x25c: {  	v57 =	vshra.s32 v16, $0x2;
	v19 =	vld [tilespmem:s0+$0x0];
	v56 =	vshra.s32 v27, $0x2;
	v30 =	vsub.f32 $8.152318000e-02, v30  }
0x25d: {  	[tilespmem:v26+s26+$0x0] =	vst.idx.add.f32.msk $0xffff, v24;
	v32 =	vmul.f32 v54, v23;
	v29 =	vmul.f32 v29, v15;
	v31 =	vsub.f32 $8.152318000e-02, v31  }
0x25e: {  	v27 =	vshll.u32 v27, $0x3;
	[tilespmem:v26+s28+$0x0] =	vst.idx.add.f32.msk $0xffff, v2;
	v20 =	vadd.f32 $-1.890195460e-01, v20;
	v30 =	vmul.f32 v30, v17  }
0x25f: {  	[tilespmem:v28+s26+$0x0] =	vst.idx.add.f32.msk $0xffff, v25;
	v26 =	vadd.f32 $-1.890195460e-01, v29;
	v24 =	vmul.f32 v31, v18;
	v31 =	vadd.f32 $3.150412740e-01, v32  }
0x260: {  	s3 =	simm.s32 $0x8A70;
	v40 =	vand.u32 $0x18, v27;
	[tilespmem:v28+s28+$0x0] =	vst.idx.add.f32.msk $0xffff, v2;
	v20 =	vmul.f32 v20, v14;
	v29 =	vadd.f32 $-1.890195460e-01, v30  }
0x261: {  	v62 =	vld [tilespmem:s3+$0x20];
	v12 =	vor.u32 v1, v22;
	v26 =	vmul.f32 v26, v15;
	v25 =	vmul.f32 v31, v23  }
0x262: {  	v22 =	vld [tilespmem:s0+$0x10];
	v20 =	vadd.f32 $3.150412740e-01, v20;
	v28 =	vmul.f32 v29, v17;
	v24 =	vadd.f32 $-1.890195460e-01, v24  }
0x263: {  	v30 =	vshra.s32 v55, $0x2;
	v31 =	vld.idx.msk [tilespmem:v56+s4+$0x0], $0xffff;
	v26 =	vadd.f32 $3.150412740e-01, v26;
	v25 =	vadd.f32 $-4.972033200e-01, v25  }
0x264: {  	v27 =	vld [tilespmem:s3+$0x10];
	v59 =	vmul.f32 v20, v14;
	v60 =	vadd.f32 $3.150412740e-01, v28;
	v24 =	vmul.f32 v24, v18  }
0x265: {  	v58 =	vshra.s32 v19, $0x2;
	[tilespmem:v13+s26+$0x0] =	vst.idx.add.f32.msk $0xffff, v38;
	v39 =	vmul.f32 v26, v15;
	v25 =	vmul.f32 v25, v23  }
0x266: {  	v20 =	vld.idx.msk [tilespmem:v57+s4+$0x0], $0xffff;
	v33 =	vadd.f32 $-4.972033200e-01, v59;
	v34 =	vmul.f32 v60, v17;
	v24 =	vadd.f32 $3.150412740e-01, v24  }
0x267: {  	v61 =	vshra.s32 v22, $0x2;
	v29 =	vld [tilespmem:s3+$0xFFFFFFE0];
	v39 =	vadd.f32 $-4.972033200e-01, v39;
	v41 =	vadd.f32 $9.998325700e-01, v25  }
0x268: {  	v28 =	vld [tilespmem:s3+$0xFFFFFFF0];
	v42 =	vadd.f32 $-4.972033200e-01, v34;
	v31 =	vshra.s32 v31, v40;
	v24 =	vmul.f32 v24, v18  }
0x269: {  	v25 =	vld.idx.msk [tilespmem:v30+s4+$0x0], $0xffff;
	v30 =	vand.u32 $0x3F, v31;
	v31 =	vmul.f32 v62, v21;
	v63 =	vmul.f32 v41, v23  }
0x26a: {  	v26 =	vld [tilespmem:s3+$0x0];
	v21 =	vmax.f32 v21, $0.0e+00;
	v30 =	vor.u32 v1, v30;
	v32 =	vadd.f32 $-4.972033200e-01, v24  }
0x26b: {  	v33 =	vmul.f32 v33, v14;
	v23 =	vld.idx.msk [tilespmem:v58+s4+$0x0], $0xffff;
	v34 =	vsub.f32 v21, v31;
	v37 =	vadd.f32 $1.693662630e-06, v63  }
0x26c: {  	s6 =	simm.s32 $0x5;
	s7 =	simm.s32 $0x7AC0;
	v35 =	vmul.f32 v39, v15;
	v36 =	vmul.f32 v42, v17;
	v24 =	vld.idx.msk [tilespmem:v61+s4+$0x0], $0xffff;
	v31 =	vshll.u32 v55, $0x3  }
.LBB2_12:
0x26d: {  	v21 =	vld [tilespmem:s7+$0x20];
	v33 =	vadd.f32 $9.998325700e-01, v33;
	v32 =	vmul.f32 v32, v18;
	v34 =	vadd.f32 v37, v34  }
0x26e: {  	s6 =	sadd.s32 $0x5, s6;
	v29 =	vmul.f32 v29, v4;
	v4 =	vld [tilespmem:s7+$0xFFFFFFE0];
	v35 =	vadd.f32 $9.998325700e-01, v35;
	v36 =	vadd.f32 $9.998325700e-01, v36  }
0x26f: {  	v28 =	vmul.f32 v28, v10;
	p0 =	slt.u32 s6, $0x78;
	v14 =	vmul.f32 v33, v14;
	v32 =	vadd.f32 $9.998325700e-01, v32;
	[tilespmem:v30+s26+$0x0] =	vst.idx.add.f32.msk $0xffff, v34  }
0x270: {  	v16 =	vshll.u32 v16, $0x3;
	v15 =	vmul.f32 v35, v15;
	v17 =	vmul.f32 v36, v17;
	[tilespmem:v30+s28+$0x0] =	vst.idx.add.f32.msk $0xffff, v2  }
0x271: {  	v19 =	vshll.u32 v19, $0x3;
	v26 =	vmul.f32 v26, v7;
	v10 =	vld [tilespmem:s7+$0xFFFFFFF0];
	v18 =	vmul.f32 v32, v18  }
0x272: {  	v22 =	vshll.u32 v22, $0x3;
	v27 =	vmul.f32 v27, v8;
	v7 =	vld [tilespmem:s7+$0x0];
	v30 =	vand.u32 $0x7FFFFFFF, v21  }
0x273: {  	v32 =	vand.u32 $0x7FFFFFFF, v4;
	v33 =	vmax.f32 v4, $0.0e+00;
	v8 =	vld [tilespmem:s7+$0x10];
	v30 =	vsub.f32 $0.0e+00, v30  }
0x274: {  	v31 =	vand.u32 $0x18, v31;
	v14 =	vadd.f32 $1.693662630e-06, v14;
	v32 =	vsub.f32 $0.0e+00, v32;
	[tilespmem:v13+s28+$0x0] =	vst.idx.add.f32.msk $0xffff, v2  }
0x275: {  	v15 =	vadd.f32 $1.693662630e-06, v15;
	v17 =	vadd.f32 $1.693662630e-06, v17;
	v13 =	vmul.f32 $1.442695020e+00, v30;
	[tilespmem:v12+s26+$0x0] =	vst.idx.add.f32.msk $0xffff, v11  }
0x276: {  	v11 =	vmul.f32 $1.442695020e+00, v32;
	v30 =	vand.u32 $0x7FFFFFFF, v10;
	v32 =	vmax.f32 v10, $0.0e+00;
	[tilespmem:v12+s28+$0x0] =	vst.idx.add.f32.msk $0xffff, v2  }
0x277: {  	v12 =	vsub.f32 $0.0e+00, v30;
	v30 =	vand.u32 $0x7FFFFFFF, v7;
	(erf) = vpow2.f32 v13  }
0x278: {  	v13 =	vsub.f32 $0.0e+00, v30;
	v30 =	vand.u32 $0x7FFFFFFF, v8;
	(erf) = vpow2.f32 v11  }
0x279: {  	v11 =	vmul.f32 $1.442695020e+00, v12;
	v12 =	vmax.f32 v7, $0.0e+00;
	v30 =	vsub.f32 $0.0e+00, v30  }
0x27a: {  	v18 =	vadd.f32 $1.693662630e-06, v18;
	v34 =	vmax.f32 v8, $0.0e+00;
	v13 =	vmul.f32 $1.442695020e+00, v13  }
0x27b: {  	v30 =	vmul.f32 $1.442695020e+00, v30;
	(erf) = vpow2.f32 v11;
	v11 =	vand.u32 $0x18, v16  }
0x27c: {  	v16 =	vand.u32 $0x18, v22;
	(erf) = vpow2.f32 v13;
	v13 =	vand.u32 $0x18, v19  }
0x27d: {  	v22 =	vsub.f32 v9, v28;
	v9 =	vmovc v32;
	v19 =	vsub.f32 v3, v29;
	v3 =	vmovc v33;
	(erf) = vpow2.f32 v30  }
0x27e: {  	v25 =	vshra.s32 v25, v31;
	v26 =	vsub.f32 v5, v26;
	v27 =	vsub.f32 v6, v27;
	v5 =	vmovc v12  }
0x27f: {  	v6 =	vmovc v34;
	v12 =	vshra.s32 v20, v11;
	v16 =	vshra.s32 v24, v16;
	v13 =	vshra.s32 v23, v13  }
0x280: {  	v20 =	vand.u32 $0x3F, v25;
	v25 =	vadd.f32 v15, v22;
	v24 =	vadd.f32 v14, v19;
	v23 =	vpop (erf)  }
0x281: {  	v38 =	vadd.f32 v17, v26;
	v11 =	vadd.f32 v18, v27;
	v28 =	vmul.f32 $1.702961140e-02, v23;
	v14 =	vpop (erf)  }
0x282: {  	v12 =	vand.u32 $0x3F, v12;
	v13 =	vand.u32 $0x3F, v13;
	v30 =	vmul.f32 $1.702961140e-02, v14  }
0x283: {  	s0 =	sadd.s32 $0x50, s0;
	v20 =	vor.u32 v1, v20;
	v19 =	vand.u32 $0x3F, v16;
	v31 =	vsub.f32 $8.152318000e-02, v28  }
0x284: {  	v27 =	vor.u32 v1, v12;
	v13 =	vor.u32 v1, v13;
	v22 =	vsub.f32 $8.152318000e-02, v30;
	v26 =	vld [tilespmem:s0+$0x20];
	v15 =	vpop (erf)  }
0x285: {  	v12 =	vor.u32 v1, v19;
	v16 =	vld [tilespmem:s0+$0xFFFFFFF0];
	v28 =	vmul.f32 $1.702961140e-02, v15;
	v29 =	vmul.f32 v31, v23;
	v17 =	vpop (erf)  }
0x286: {  	v22 =	vmul.f32 v22, v14;
	v19 =	vld [tilespmem:s0+$0x0];
	v30 =	vmul.f32 $1.702961140e-02, v17;
	v18 =	vpop (erf)  }
0x287: {  	v28 =	vsub.f32 $8.152318000e-02, v28;
	v31 =	vmul.f32 $1.702961140e-02, v18;
	v29 =	vadd.f32 $-1.890195460e-01, v29  }
0x288: {  	v32 =	vadd.f32 $-1.890195460e-01, v22;
	v30 =	vsub.f32 $8.152318000e-02, v30;
	v22 =	vld [tilespmem:s0+$0x10]  }
0x289: {  	v35 =	vld [tilespmem:s0+$0xFFFFFFE0];
	v31 =	vsub.f32 $8.152318000e-02, v31;
	v33 =	vshra.s32 v26, $0x2;
	v29 =	vmul.f32 v29, v23  }
0x28a: {  	v28 =	vmul.f32 v28, v15;
	v34 =	vshra.s32 v16, $0x2;
	v30 =	vmul.f32 v30, v17;
	[tilespmem:v20+s26+$0x0] =	vst.idx.add.f32.msk $0xffff, v24  }
0x28b: {  	v24 =	vmul.f32 v32, v14;
	v31 =	vmul.f32 v31, v18;
	v29 =	vadd.f32 $3.150412740e-01, v29;
	[tilespmem:v20+s28+$0x0] =	vst.idx.add.f32.msk $0xffff, v2  }
0x28c: {  	v20 =	vadd.f32 $-1.890195460e-01, v28;
	v32 =	vshra.s32 v19, $0x2;
	v28 =	vadd.f32 $-1.890195460e-01, v30;
	[tilespmem:v27+s26+$0x0] =	vst.idx.add.f32.msk $0xffff, v25  }
0x28d: {  	v24 =	vadd.f32 $3.150412740e-01, v24;
	v25 =	vadd.f32 $-1.890195460e-01, v31;
	v29 =	vmul.f32 v29, v23;
	[tilespmem:v27+s28+$0x0] =	vst.idx.add.f32.msk $0xffff, v2  }
0x28e: {  	v27 =	vmul.f32 v20, v15;
	v30 =	vshra.s32 v35, $0x2;
	v28 =	vmul.f32 v28, v17;
	v31 =	vld.idx.msk [tilespmem:v33+s4+$0x0], $0xffff  }
0x28f: {  	s3 =	sadd.s32 $0x50, s3;
	v24 =	vmul.f32 v24, v14;
	v20 =	vld.idx.msk [tilespmem:v34+s4+$0x0], $0xffff;
	v25 =	vmul.f32 v25, v18;
	v33 =	vadd.f32 $-4.972033200e-01, v29  }
0x290: {  	v36 =	vshra.s32 v22, $0x2;
	v27 =	vadd.f32 $3.150412740e-01, v27;
	v34 =	vadd.f32 $3.150412740e-01, v28;
	v37 =	vld [tilespmem:s3+$0x20]  }
0x291: {  	v24 =	vadd.f32 $-4.972033200e-01, v24;
	v29 =	vld [tilespmem:s3+$0xFFFFFFE0];
	v25 =	vadd.f32 $3.150412740e-01, v25;
	v33 =	vmul.f32 v33, v23  }
0x292: {  	v39 =	vshll.u32 v26, $0x3;
	v27 =	vmul.f32 v27, v15;
	v28 =	vld [tilespmem:s3+$0xFFFFFFF0];
	v34 =	vmul.f32 v34, v17  }
0x293: {  	v26 =	vld [tilespmem:s3+$0x0];
	v40 =	vmul.f32 v25, v18;
	v25 =	vand.u32 $0x18, v39;
	v33 =	vadd.f32 $9.998325700e-01, v33  }
.Ltmp5:
0x294: {  	v39 =	vadd.f32 $-4.972033200e-01, v27;
	v41 =	vadd.f32 $-4.972033200e-01, v34;
	v27 =	vld [tilespmem:s3+$0x10];
	v31 =	vshra.s32 v31, v25;
	(pc) =	sbr.rel @p0 .LBB2_12-.Ltmp5, $4  }
0x295: {  	v25 =	vld.idx.msk [tilespmem:v30+s4+$0x0], $0xffff;
	v30 =	vand.u32 $0x3F, v31;
	v31 =	vmul.f32 v37, v21;
	v37 =	vmul.f32 v33, v23  }
0x296: {  	v21 =	vmax.f32 v21, $0.0e+00;
	v23 =	vld.idx.msk [tilespmem:v32+s4+$0x0], $0xffff;
	v32 =	vadd.f32 $-4.972033200e-01, v40;
	v30 =	vor.u32 v1, v30  }
0x297: {  	v33 =	vmul.f32 v24, v14;
	v24 =	vld.idx.msk [tilespmem:v36+s4+$0x0], $0xffff;
	v34 =	vsub.f32 v21, v31;
	v37 =	vadd.f32 $1.693662630e-06, v37  }
0x298: {  	s7 =	sadd.s32 $0x50, s7;
	v31 =	vshll.u32 v35, $0x3;
	v35 =	vmul.f32 v39, v15;
	v36 =	vmul.f32 v41, v17;
	[tilespmem:v13+s26+$0x0] =	vst.idx.add.f32.msk $0xffff, v38  }
0x299: {  	v21 =	vadd.f32 $9.998325700e-01, v33;
	v32 =	vmul.f32 v32, v18;
	v47 =	vadd.f32 v37, v34  }
0x29a: {  	v4 =	vmul.f32 v29, v4;
	v10 =	vmul.f32 v28, v10;
	v16 =	vshll.u32 v16, $0x3  }
0x29b: {  	v19 =	vshll.u32 v19, $0x3;
	v7 =	vmul.f32 v26, v7;
	v52 =	vand.u32 $0x18, v31  }
0x29c: {  	v22 =	vshll.u32 v22, $0x3;
	v8 =	vmul.f32 v27, v8;
	v48 =	vadd.f32 $9.998325700e-01, v35  }
0x29d: {  	v49 =	vadd.f32 $9.998325700e-01, v36;
	v16 =	vand.u32 $0x18, v16;
	v19 =	vand.u32 $0x18, v19  }
0x29e: {  	v14 =	vmul.f32 v21, v14;
	v50 =	vadd.f32 $9.998325700e-01, v32;
	v21 =	vshra.s32 v25, v52  }
0x29f: {  	v16 =	vshra.s32 v20, v16;
	v3 =	vsub.f32 v3, v4;
	v56 =	vshra.s32 v23, v19  }
0x2a0: {  	v9 =	vsub.f32 v9, v10;
	v15 =	vmul.f32 v48, v15;
	v21 =	vand.u32 $0x3F, v21  }
0x2a1: {  	[tilespmem:v13+s28+$0x0] =	vst.idx.add.f32.msk $0xffff, v2;
	v17 =	vmul.f32 v49, v17;
	v54 =	vand.u32 $0x3F, v16;
	v53 =	vor.u32 v1, v21  }
0x2a2: {  	[tilespmem:v12+s26+$0x0] =	vst.idx.add.f32.msk $0xffff, v11;
	v57 =	vand.u32 $0x3F, v56;
	v14 =	vadd.f32 $1.693662630e-06, v14;
	v4 =	vor.u32 v1, v54  }
0x2a3: {  	[tilespmem:v12+s28+$0x0] =	vst.idx.add.f32.msk $0xffff, v2;
	v5 =	vsub.f32 v5, v7;
	v10 =	vor.u32 v1, v57;
	v15 =	vadd.f32 $1.693662630e-06, v15  }
0x2a4: {  	v55 =	vand.u32 $0x18, v22;
	[tilespmem:v30+s26+$0x0] =	vst.idx.add.f32.msk $0xffff, v47;
	v58 =	vadd.f32 $1.693662630e-06, v17;
	v3 =	vadd.f32 v14, v3  }
0x2a5: {  	[tilespmem:v30+s28+$0x0] =	vst.idx.add.f32.msk $0xffff, v2;
	v59 =	vshra.s32 v24, v55;
	v60 =	vadd.f32 v15, v9  }
0x2a6: {  	v51 =	vmul.f32 v50, v18;
	v61 =	vand.u32 $0x3F, v59;
	v5 =	vadd.f32 v58, v5;
	[tilespmem:v53+s26+$0x0] =	vst.idx.add.f32.msk $0xffff, v3  }
0x2a7: {  	v9 =	vor.u32 v1, v61;
	[tilespmem:v4+s26+$0x0] =	vst.idx.add.f32.msk $0xffff, v60  }
0x2a8: {  	v6 =	vsub.f32 v6, v8;
	v3 =	vadd.f32 $1.693662630e-06, v51;
	[tilespmem:v10+s26+$0x0] =	vst.idx.add.f32.msk $0xffff, v5  }
0x2a9: {  	[tilespmem:v53+s28+$0x0] =	vst.idx.add.f32.msk $0xffff, v2  }
0x2aa: {  	[tilespmem:v4+s28+$0x0] =	vst.idx.add.f32.msk $0xffff, v2;
	v3 =	vadd.f32 v3, v6  }
0x2ab: {  	[tilespmem:v10+s28+$0x0] =	vst.idx.add.f32.msk $0xffff, v2  }
0x2ac: {  	[tilespmem:v9+s26+$0x0] =	vst.idx.add.f32.msk $0xffff, v3  }
0x2ad: {  	[tilespmem:v9+s28+$0x0] =	vst.idx.add.f32.msk $0xffff, v2  }
0x2ae: {  	v54 =	vld [tilespmem:$0x9200]  }
0x2af: {  	v39 =	vld [tilespmem:$0x9400]  }
0x2b0: {  	v40 =	vld [tilespmem:$0x9600]  }
0x2b1: {  	v37 =	vld [tilespmem:$0x9800]  }
0x2b2: {  	v42 =	vld [tilespmem:$0x9210]  }
0x2b3: {  	v3 =	vld [tilespmem:$0x9630];
	_ =	sdelay $0x4  }
0x2b4: {  	[tilespmem:$0x1FBB0] =	vst v3;
	v3 =	vld [tilespmem:$0x9830];
	_ =	sdelay $0x4  }
0x2b5: {  	[tilespmem:$0x1FBC0] =	vst v3;
	v3 =	vld [tilespmem:$0x9240];
	_ =	sdelay $0x4  }
0x2b6: {  	[tilespmem:$0x1FBD0] =	vst v3;
	v3 =	vld [tilespmem:$0x9440];
	_ =	sdelay $0x4  }
0x2b7: {  	[tilespmem:$0x1FBE0] =	vst v3;
	v3 =	vld [tilespmem:$0x9640];
	_ =	sdelay $0x4  }
0x2b8: {  	[tilespmem:$0x1FBF0] =	vst v3;
	v3 =	vld [tilespmem:$0x9840];
	_ =	sdelay $0x4  }
0x2b9: {  	[tilespmem:$0x1FC00] =	vst v3;
	v3 =	vld [tilespmem:$0x9250];
	_ =	sdelay $0x4  }
0x2ba: {  	[tilespmem:$0x1FC10] =	vst v3;
	v3 =	vld [tilespmem:$0x9450];
	_ =	sdelay $0x4  }
0x2bb: {  	[tilespmem:$0x1FC20] =	vst v3;
	v3 =	vld [tilespmem:$0x9650];
	_ =	sdelay $0x4  }
0x2bc: {  	[tilespmem:$0x1FC30] =	vst v3;
	v3 =	vld [tilespmem:$0x9850];
	_ =	sdelay $0x4  }
0x2bd: {  	[tilespmem:$0x1FC40] =	vst v3;
	v3 =	vld [tilespmem:$0x9260];
	_ =	sdelay $0x4  }
0x2be: {  	[tilespmem:$0x1FC50] =	vst v3;
	v3 =	vld [tilespmem:$0x9460];
	_ =	sdelay $0x4  }
0x2bf: {  	[tilespmem:$0x1FC60] =	vst v3;
	v3 =	vld [tilespmem:$0x9660];
	_ =	sdelay $0x4  }
0x2c0: {  	[tilespmem:$0x1FC70] =	vst v3;
	v3 =	vld [tilespmem:$0x9860];
	_ =	sdelay $0x4  }
0x2c1: {  	[tilespmem:$0x1FC80] =	vst v3;
	v3 =	vld [tilespmem:$0x9270];
	_ =	sdelay $0x4  }
0x2c2: {  	[tilespmem:$0x1FC90] =	vst v3;
	v3 =	vld [tilespmem:$0x9470];
	_ =	sdelay $0x4  }
0x2c3: {  	[tilespmem:$0x1FCA0] =	vst v3;
	v3 =	vld [tilespmem:$0x9670];
	_ =	sdelay $0x4  }
0x2c4: {  	[tilespmem:$0x1FCB0] =	vst v3;
	v3 =	vld [tilespmem:$0x9870];
	_ =	sdelay $0x4  }
0x2c5: {  	[tilespmem:$0x1FCC0] =	vst v3;
	v3 =	vld [tilespmem:$0x9280];
	_ =	sdelay $0x4  }
0x2c6: {  	[tilespmem:$0x1FCD0] =	vst v3;
	v3 =	vld [tilespmem:$0x9480];
	_ =	sdelay $0x4  }
0x2c7: {  	[tilespmem:$0x1FCE0] =	vst v3;
	v3 =	vld [tilespmem:$0x9680];
	_ =	sdelay $0x4  }
0x2c8: {  	[tilespmem:$0x1FCF0] =	vst v3;
	v3 =	vld [tilespmem:$0x9880];
	_ =	sdelay $0x4  }
0x2c9: {  	[tilespmem:$0x1FD00] =	vst v3;
	v3 =	vld [tilespmem:$0x9290];
	_ =	sdelay $0x4  }
0x2ca: {  	[tilespmem:$0x1FD10] =	vst v3;
	v3 =	vld [tilespmem:$0x9490];
	_ =	sdelay $0x4  }
0x2cb: {  	[tilespmem:$0x1FD20] =	vst v3;
	v3 =	vld [tilespmem:$0x9690];
	_ =	sdelay $0x4  }
0x2cc: {  	[tilespmem:$0x1FD30] =	vst v3;
	v3 =	vld [tilespmem:$0x9890];
	_ =	sdelay $0x4  }
0x2cd: {  	[tilespmem:$0x1FD40] =	vst v3;
	v3 =	vld [tilespmem:$0x92A0];
	_ =	sdelay $0x4  }
0x2ce: {  	[tilespmem:$0x1FD50] =	vst v3;
	v3 =	vld [tilespmem:$0x94A0];
	_ =	sdelay $0x4  }
0x2cf: {  	[tilespmem:$0x1FD60] =	vst v3;
	v3 =	vld [tilespmem:$0x96A0];
	_ =	sdelay $0x4  }
0x2d0: {  	[tilespmem:$0x1FD70] =	vst v3;
	v3 =	vld [tilespmem:$0x98A0];
	_ =	sdelay $0x4  }
0x2d1: {  	[tilespmem:$0x1FD80] =	vst v3;
	v3 =	vld [tilespmem:$0x92B0];
	_ =	sdelay $0x4  }
0x2d2: {  	[tilespmem:$0x1FD90] =	vst v3;
	v3 =	vld [tilespmem:$0x94B0];
	_ =	sdelay $0x4  }
0x2d3: {  	[tilespmem:$0x1FDA0] =	vst v3;
	v3 =	vld [tilespmem:$0x96B0];
	_ =	sdelay $0x4  }
0x2d4: {  	[tilespmem:$0x1FDB0] =	vst v3;
	v3 =	vld [tilespmem:$0x98B0]  }
0x2d5: {  	v57 =	vld [tilespmem:$0x9410]  }
0x2d6: {  	v45 =	vld [tilespmem:$0x9610]  }
0x2d7: {  	v58 =	vld [tilespmem:$0x9810]  }
0x2d8: {  	v48 =	vld [tilespmem:$0x9220]  }
0x2d9: {  	[tilespmem:$0x1FDC0] =	vst v3;
	v3 =	vld [tilespmem:$0x92C0]  }
0x2da: {  	v59 =	vld [tilespmem:$0x9420]  }
0x2db: {  	v51 =	vld [tilespmem:$0x9620]  }
0x2dc: {  	v60 =	vld [tilespmem:$0x9820]  }
0x2dd: {  	v62 =	vld [tilespmem:$0x97B0]  }
0x2de: {  	[tilespmem:$0x1FDF0] =	vst v3;
	v3 =	vld [tilespmem:$0x94C0]  }
0x2df: {  	v55 =	vld [tilespmem:$0x9230]  }
0x2e0: {  	v61 =	vld [tilespmem:$0x9430]  }
0x2e1: {  	v35 =	vld [tilespmem:$0x9500]  }
0x2e2: {  	[tilespmem:$0x1FDD0] =	vst v62;
	v62 =	vld [tilespmem:$0x99B0]  }
0x2e3: {  	[tilespmem:$0x1FE00] =	vst v3;
	v3 =	vld [tilespmem:$0x96C0]  }
0x2e4: {  	v5 =	vld [tilespmem:$0x9700]  }
0x2e5: {  	v4 =	vld [tilespmem:$0x9900]  }
0x2e6: {  	v7 =	vld [tilespmem:$0x9310]  }
0x2e7: {  	[tilespmem:$0x1FDE0] =	vst v62;
	v62 =	vld [tilespmem:$0x93C0]  }
0x2e8: {  	[tilespmem:$0x1FE30] =	vst v3;
	v3 =	vld [tilespmem:$0x98C0]  }
0x2e9: {  	v6 =	vld [tilespmem:$0x9510]  }
0x2ea: {  	v9 =	vld [tilespmem:$0x9710]  }
0x2eb: {  	v8 =	vld [tilespmem:$0x9910]  }
0x2ec: {  	[tilespmem:$0x1FE10] =	vst v62;
	v62 =	vld [tilespmem:$0x95C0]  }
0x2ed: {  	[tilespmem:$0x1FE40] =	vst v3;
	v3 =	vld [tilespmem:$0x92D0]  }
0x2ee: {  	v11 =	vld [tilespmem:$0x9320]  }
0x2ef: {  	v10 =	vld [tilespmem:$0x9520]  }
0x2f0: {  	v13 =	vld [tilespmem:$0x9720]  }
0x2f1: {  	[tilespmem:$0x1FE20] =	vst v62;
	v62 =	vld [tilespmem:$0x97C0]  }
0x2f2: {  	[tilespmem:$0x1FE70] =	vst v3;
	v3 =	vld [tilespmem:$0x94D0]  }
0x2f3: {  	v12 =	vld [tilespmem:$0x9920]  }
0x2f4: {  	v15 =	vld [tilespmem:$0x9330]  }
0x2f5: {  	v14 =	vld [tilespmem:$0x9530]  }
0x2f6: {  	[tilespmem:$0x1FE50] =	vst v62;
	v62 =	vld [tilespmem:$0x99C0]  }
0x2f7: {  	[tilespmem:$0x1FE80] =	vst v3;
	v3 =	vld [tilespmem:$0x96D0]  }
0x2f8: {  	v17 =	vld [tilespmem:$0x9730]  }
0x2f9: {  	v16 =	vld [tilespmem:$0x9930]  }
0x2fa: {  	v19 =	vld [tilespmem:$0x9340]  }
0x2fb: {  	[tilespmem:$0x1FE60] =	vst v62;
	v62 =	vld [tilespmem:$0x93D0]  }
0x2fc: {  	[tilespmem:$0x1FEB0] =	vst v3;
	v3 =	vld [tilespmem:$0x98D0]  }
0x2fd: {  	v18 =	vld [tilespmem:$0x9540]  }
0x2fe: {  	v21 =	vld [tilespmem:$0x9740]  }
0x2ff: {  	v20 =	vld [tilespmem:$0x9940]  }
0x300: {  	[tilespmem:$0x1FE90] =	vst v62;
	v62 =	vld [tilespmem:$0x95D0]  }
0x301: {  	[tilespmem:$0x1FEC0] =	vst v3;
	v3 =	vld [tilespmem:$0x92E0]  }
0x302: {  	v23 =	vld [tilespmem:$0x9350]  }
0x303: {  	v22 =	vld [tilespmem:$0x9550]  }
0x304: {  	v25 =	vld [tilespmem:$0x9750]  }
0x305: {  	[tilespmem:$0x1FEA0] =	vst v62;
	v62 =	vld [tilespmem:$0x97D0]  }
0x306: {  	[tilespmem:$0x1FEF0] =	vst v3;
	v3 =	vld [tilespmem:$0x94E0]  }
0x307: {  	v24 =	vld [tilespmem:$0x9950]  }
0x308: {  	v27 =	vld [tilespmem:$0x9360]  }
0x309: {  	v26 =	vld [tilespmem:$0x9560]  }
0x30a: {  	[tilespmem:$0x1FED0] =	vst v62;
	v62 =	vld [tilespmem:$0x99D0]  }
0x30b: {  	[tilespmem:$0x1FF00] =	vst v3;
	v3 =	vld [tilespmem:$0x96E0]  }
0x30c: {  	v29 =	vld [tilespmem:$0x9760]  }
0x30d: {  	v28 =	vld [tilespmem:$0x9960]  }
0x30e: {  	v31 =	vld [tilespmem:$0x9370]  }
0x30f: {  	[tilespmem:$0x1FEE0] =	vst v62;
	v62 =	vld [tilespmem:$0x93E0]  }
0x310: {  	[tilespmem:$0x1FF30] =	vst v3;
	v3 =	vld [tilespmem:$0x98E0]  }
0x311: {  	v30 =	vld [tilespmem:$0x9570]  }
0x312: {  	v33 =	vld [tilespmem:$0x9770]  }
0x313: {  	v32 =	vld [tilespmem:$0x9970]  }
0x314: {  	[tilespmem:$0x1FF10] =	vst v62;
	v62 =	vld [tilespmem:$0x95E0]  }
0x315: {  	[tilespmem:$0x1FF40] =	vst v3;
	v3 =	vld [tilespmem:$0x92F0]  }
0x316: {  	v36 =	vld [tilespmem:$0x9380]  }
0x317: {  	v34 =	vld [tilespmem:$0x9580]  }
0x318: {  	v41 =	vld [tilespmem:$0x9780]  }
0x319: {  	[tilespmem:$0x1FF20] =	vst v62;
	v62 =	vld [tilespmem:$0x97E0]  }
0x31a: {  	[tilespmem:$0x1FF70] =	vst v3;
	v3 =	vld [tilespmem:$0x94F0]  }
0x31b: {  	v38 =	vld [tilespmem:$0x9980]  }
0x31c: {  	v44 =	vld [tilespmem:$0x9390]  }
0x31d: {  	v43 =	vld [tilespmem:$0x9590]  }
0x31e: {  	[tilespmem:$0x1FF50] =	vst v62;
	v62 =	vld [tilespmem:$0x99E0]  }
0x31f: {  	[tilespmem:$0x1FF80] =	vst v3;
	v3 =	vld [tilespmem:$0x96F0]  }
0x320: {  	v47 =	vld [tilespmem:$0x9790]  }
0x321: {  	v46 =	vld [tilespmem:$0x9990]  }
0x322: {  	v50 =	vld [tilespmem:$0x93A0]  }
0x323: {  	[tilespmem:$0x1FF60] =	vst v62;
	v62 =	vld [tilespmem:$0x93F0]  }
0x324: {  	[tilespmem:$0x1FFA0] =	vst v3;
	v3 =	vld [tilespmem:$0x98F0]  }
0x325: {  	v49 =	vld [tilespmem:$0x95A0]  }
0x326: {  	v53 =	vld [tilespmem:$0x97A0]  }
0x327: {  	v52 =	vld [tilespmem:$0x99A0]  }
0x328: {  	[tilespmem:$0x1FF90] =	vst v62;
	v62 =	vld [tilespmem:$0x97F0]  }
0x329: {  	[tilespmem:$0x1FFB0] =	vst v3;
	v3 =	vld [tilespmem:$0x9300]  }
0x32a: {  	v63 =	vld [tilespmem:$0x93B0];
	v39 =	vadd.f32 v39, v54  }
0x32b: {  	v56 =	vld [tilespmem:$0x95B0]  }
0x32c: {  	v54 =	vld [tilespmem:$0x95F0];
	v42 =	vadd.f32 v57, v42;
	[tilespmem:$0x9200] =	vst v39  }
0x32d: {  	v39 =	vld [tilespmem:$0x99F0];
	[tilespmem:$0x1FFC0] =	vst v62;
	v62 =	vadd.f32 v37, v40  }
0x32e: {  	[tilespmem:$0x9210] =	vst v42;
	v40 =	vld [tilespmem:$0x9200];
	v3 =	vadd.f32 v35, v3  }
0x32f: {  	[tilespmem:$0x9600] =	vst v62;
	v62 =	vld [tilespmem:$0x9210]  }
0x330: {  	v37 =	vld [tilespmem:$0x9600];
	[tilespmem:$0x9300] =	vst v3;
	v3 =	vadd.f32 v4, v5  }
0x331: {  	v45 =	vadd.f32 v58, v45;
	v35 =	vld [tilespmem:$0x1FCD0]  }
0x332: {  	v57 =	vld [tilespmem:$0x9300];
	[tilespmem:$0x9700] =	vst v3;
	v3 =	vadd.f32 v6, v7  }
0x333: {  	[tilespmem:$0x9610] =	vst v45;
	v58 =	vld [tilespmem:$0x9700]  }
0x334: {  	[tilespmem:$0x9310] =	vst v3;
	v3 =	vadd.f32 v8, v9;
	v9 =	vld [tilespmem:$0x9610]  }
0x335: {  	v8 =	vadd.f32 v59, v48;
	v59 =	vld [tilespmem:$0x9310]  }
0x336: {  	[tilespmem:$0x9710] =	vst v3;
	v3 =	vadd.f32 v10, v11;
	v10 =	vadd.f32 v60, v51;
	v51 =	vld [tilespmem:$0x1FCE0]  }
0x337: {  	v11 =	vadd.f32 v61, v55;
	v55 =	vadd.f32 v34, v36;
	v36 =	vld [tilespmem:$0x1FD70]  }
0x338: {  	v34 =	vadd.f32 v49, v50;
	v49 =	vld [tilespmem:$0x1FDC0]  }
0x339: {  	v50 =	vld [tilespmem:$0x1FDD0]  }
0x33a: {  	[tilespmem:$0x9220] =	vst v8;
	v60 =	vld [tilespmem:$0x9710]  }
0x33b: {  	[tilespmem:$0x1FFD0] =	vst v62;
	v45 =	vld [tilespmem:$0x9220]  }
0x33c: {  	[tilespmem:$0x9320] =	vst v3;
	v3 =	vadd.f32 v12, v13;
	v13 =	vld [tilespmem:$0x1FBB0]  }
0x33d: {  	[tilespmem:$0x9380] =	vst v55;
	v55 =	vld [tilespmem:$0x1FE10]  }
0x33e: {  	v37 =	vadd.f32 v58, v37;
	v58 =	vld [tilespmem:$0x1FFD0]  }
0x33f: {  	[tilespmem:$0x9620] =	vst v10;
	v61 =	vld [tilespmem:$0x9320]  }
0x340: {  	[tilespmem:$0x9230] =	vst v11;
	v12 =	vld [tilespmem:$0x9620]  }
0x341: {  	v48 =	vld [tilespmem:$0x9230]  }
0x342: {  	[tilespmem:$0x9720] =	vst v3;
	v3 =	vadd.f32 v14, v15;
	v14 =	vld [tilespmem:$0x1FBC0]  }
0x343: {  	v15 =	vld [tilespmem:$0x1FBD0]  }
0x344: {  	v62 =	vld [tilespmem:$0x9720]  }
0x345: {  	[tilespmem:$0x9330] =	vst v3;
	v3 =	vadd.f32 v16, v17;
	v16 =	vld [tilespmem:$0x1FBE0]  }
0x346: {  	v17 =	vld [tilespmem:$0x1FBF0]  }
0x347: {  	v42 =	vld [tilespmem:$0x9330]  }
0x348: {  	[tilespmem:$0x9730] =	vst v3;
	v3 =	vadd.f32 v18, v19;
	v18 =	vld [tilespmem:$0x1FC00]  }
0x349: {  	v4 =	vadd.f32 v14, v13;
	v14 =	vld [tilespmem:$0x9730]  }
0x34a: {  	[tilespmem:$0x9340] =	vst v3;
	v3 =	vadd.f32 v20, v21;
	v20 =	vld [tilespmem:$0x1FC10]  }
0x34b: {  	v21 =	vld [tilespmem:$0x1FC20]  }
0x34c: {  	[tilespmem:$0x9630] =	vst v4;
	v7 =	vld [tilespmem:$0x9340]  }
0x34d: {  	v19 =	vld [tilespmem:$0x9630]  }
0x34e: {  	v4 =	vadd.f32 v16, v15;
	[tilespmem:$0x9740] =	vst v3;
	v3 =	vadd.f32 v22, v23;
	v22 =	vld [tilespmem:$0x1FC30]  }
0x34f: {  	[tilespmem:$0x1FFE0] =	vst v9;
	v23 =	vld [tilespmem:$0x1FC40]  }
0x350: {  	[tilespmem:$0x9240] =	vst v4;
	v9 =	vld [tilespmem:$0x9740]  }
0x351: {  	v4 =	vadd.f32 v18, v17;
	v18 =	vld [tilespmem:$0x9240]  }
0x352: {  	[tilespmem:$0x9350] =	vst v3;
	v3 =	vadd.f32 v24, v25;
	v24 =	vld [tilespmem:$0x1FC50]  }
0x353: {  	v25 =	vld [tilespmem:$0x1FC60]  }
0x354: {  	[tilespmem:$0x9640] =	vst v4;
	v4 =	vadd.f32 v21, v20;
	v20 =	vadd.f32 v51, v35;
	v51 =	vld [tilespmem:$0x1FDE0]  }
0x355: {  	v17 =	vld [tilespmem:$0x9640]  }
0x356: {  	[tilespmem:$0x9750] =	vst v3;
	v3 =	vadd.f32 v26, v27;
	v26 =	vld [tilespmem:$0x1FC70]  }
0x357: {  	v27 =	vld [tilespmem:$0x1FC80]  }
0x358: {  	[tilespmem:$0x9250] =	vst v4;
	v4 =	vadd.f32 v23, v22;
	v23 =	vld [tilespmem:$0x9380]  }
0x359: {  	v16 =	vld [tilespmem:$0x9250]  }
0x35a: {  	[tilespmem:$0x9360] =	vst v3;
	v3 =	vadd.f32 v28, v29;
	v28 =	vld [tilespmem:$0x1FC90]  }
0x35b: {  	[tilespmem:$0x9280] =	vst v20;
	v29 =	vld [tilespmem:$0x1FCA0]  }
0x35c: {  	v22 =	vld [tilespmem:$0x9280]  }
0x35d: {  	[tilespmem:$0x9650] =	vst v4;
	v4 =	vld [tilespmem:$0x9350]  }
0x35e: {  	[tilespmem:$0x1FFF0] =	vst v12;
	v12 =	vld [tilespmem:$0x9360]  }
0x35f: {  	v5 =	vadd.f32 v25, v24;
	v24 =	vld [tilespmem:$0x1FD00]  }
0x360: {  	v25 =	vadd.f32 v38, v41;
	v38 =	vld [tilespmem:$0x1FD80]  }
0x361: {  	v41 =	vadd.f32 v52, v53;
	v52 =	vld [tilespmem:$0x1FDF0]  }
0x362: {  	v53 =	vld [tilespmem:$0x1FE00]  }
0x363: {  	v15 =	vld [tilespmem:$0x9650]  }
0x364: {  	[tilespmem:$0x9760] =	vst v3;
	v3 =	vadd.f32 v30, v31;
	v30 =	vld [tilespmem:$0x1FCB0]  }
0x365: {  	v31 =	vld [tilespmem:$0x1FCC0]  }
0x366: {  	v21 =	vadd.f32 v51, v50;
	v50 =	vld [tilespmem:$0x1FE80]  }
0x367: {  	v51 =	vld [tilespmem:$0x1FE90]  }
0x368: {  	[tilespmem:$0x9260] =	vst v5;
	v5 =	vld [tilespmem:$0x9750]  }
0x369: {  	v10 =	vld [tilespmem:$0x9760]  }
0x36a: {  	v6 =	vadd.f32 v27, v26;
	v26 =	vld [tilespmem:$0x1FD10]  }
0x36b: {  	v27 =	vld [tilespmem:$0x1FD20]  }
0x36c: {  	[tilespmem:$0x9780] =	vst v25;
	v13 =	vld [tilespmem:$0x9260]  }
0x36d: {  	v25 =	vld [tilespmem:$0x9780]  }
0x36e: {  	[tilespmem:$0x9370] =	vst v3;
	v3 =	vadd.f32 v32, v33;
	v32 =	vld [tilespmem:$0x1FD50]  }
0x36f: {  	v33 =	vld [tilespmem:$0x1FD60]  }
0x370: {  	[tilespmem:$0x9660] =	vst v6;
	v6 =	vadd.f32 v29, v28;
	v29 =	vld [tilespmem:$0x1FD30]  }
0x371: {  	v28 =	vadd.f32 v43, v44;
	v43 =	vld [tilespmem:$0x1FD90]  }
0x372: {  	[tilespmem:$0x97B0] =	vst v21;
	v44 =	vld [tilespmem:$0x1FDA0]  }
0x373: {  	[tilespmem:$0x97A0] =	vst v41;
	v41 =	vld [tilespmem:$0x97B0]  }
0x374: {  	v11 =	vld [tilespmem:$0x9660]  }
0x375: {  	[tilespmem:$0x9770] =	vst v3;
	v3 =	vld [tilespmem:$0x1FCF0]  }
0x376: {  	[tilespmem:$0x9270] =	vst v6;
	v6 =	vadd.f32 v31, v30;
	v30 =	vld [tilespmem:$0x1FD40]  }
0x377: {  	v31 =	vadd.f32 v46, v47;
	v47 =	vld [tilespmem:$0x1FDB0]  }
0x378: {  	v46 =	vadd.f32 v56, v63;
	v56 =	vld [tilespmem:$0x1FE20]  }
0x379: {  	v63 =	vld [tilespmem:$0x1FE30]  }
0x37a: {  	[tilespmem:$0x93A0] =	vst v34;
	v8 =	vld [tilespmem:$0x9270]  }
0x37b: {  	[tilespmem:$0x9670] =	vst v6;
	v6 =	vld [tilespmem:$0x9370]  }
0x37c: {  	[tilespmem:$0x9790] =	vst v31;
	v31 =	vld [tilespmem:$0x93A0]  }
0x37d: {  	[tilespmem:$0x93B0] =	vst v46;
	v46 =	vld [tilespmem:$0x1FE50];
	v20 =	vadd.f32 v24, v3  }
0x37e: {  	v35 =	vld [tilespmem:$0x9670]  }
0x37f: {  	v3 =	vld [tilespmem:$0x9770];
	[tilespmem:$0x9680] =	vst v20;
	v20 =	vadd.f32 v27, v26  }
0x380: {  	[tilespmem:$0x9390] =	vst v28;
	v21 =	vadd.f32 v56, v55;
	v55 =	vld [tilespmem:$0x1FEC0]  }
0x381: {  	v56 =	vld [tilespmem:$0x1FED0];
	[tilespmem:$0x9290] =	vst v20;
	v20 =	vadd.f32 v30, v29  }
0x382: {  	v27 =	vld [tilespmem:$0x9390]  }
0x383: {  	v24 =	vld [tilespmem:$0x9680];
	[tilespmem:$0x9690] =	vst v20;
	v20 =	vadd.f32 v33, v32  }
0x384: {  	v29 =	vld [tilespmem:$0x9790]  }
0x385: {  	v26 =	vld [tilespmem:$0x9290];
	[tilespmem:$0x92A0] =	vst v20;
	v20 =	vadd.f32 v38, v36  }
0x386: {  	v33 =	vld [tilespmem:$0x97A0]  }
0x387: {  	v28 =	vld [tilespmem:$0x9690];
	[tilespmem:$0x96A0] =	vst v20;
	v20 =	vadd.f32 v44, v43  }
0x388: {  	v57 =	vadd.f32 v57, v40;
	v44 =	vld [tilespmem:$0x1FE40]  }
0x389: {  	[tilespmem:$0x92B0] =	vst v20;
	v20 =	vadd.f32 v49, v47;
	v47 =	vld [tilespmem:$0x1FE60]  }
0x38a: {  	[tilespmem:$0x9200] =	vst v57;
	v4 =	vadd.f32 v4, v16;
	v49 =	vld [tilespmem:$0x1FE70]  }
0x38b: {  	[tilespmem:$0x96B0] =	vst v20;
	v20 =	vadd.f32 v53, v52;
	v52 =	vld [tilespmem:$0x1FEA0]  }
0x38c: {  	[tilespmem:$0x9250] =	vst v4;
	v53 =	vld [tilespmem:$0x1FEB0]  }
0x38d: {  	[tilespmem:$0x92C0] =	vst v20;
	v20 =	vadd.f32 v44, v63;
	v63 =	vld [tilespmem:$0x1FEE0]  }
0x38e: {  	[tilespmem:$0x93C0] =	vst v21;
	v36 =	vld [tilespmem:$0x93B0];
	v21 =	vadd.f32 v47, v46  }
0x38f: {  	v57 =	vadd.f32 v25, v24;
	v24 =	vld [tilespmem:$0x9200];
	[tilespmem:$0x96C0] =	vst v20;
	v20 =	vadd.f32 v50, v49  }
0x390: {  	v30 =	vld [tilespmem:$0x92A0];
	[tilespmem:$0x97C0] =	vst v21;
	v21 =	vadd.f32 v52, v51  }
0x391: {  	[tilespmem:$0x92D0] =	vst v20;
	v20 =	vadd.f32 v55, v53;
	v55 =	vld [tilespmem:$0x1FF10]  }
0x392: {  	[tilespmem:$0x93D0] =	vst v21;
	v21 =	vadd.f32 v63, v56;
	v56 =	vld [tilespmem:$0x1FF20]  }
0x393: {  	[tilespmem:$0x9680] =	vst v57;
	v57 =	vadd.f32 v61, v45;
	v61 =	vadd.f32 v42, v48;
	v48 =	vld [tilespmem:$0x9250]  }
0x394: {  	v52 =	vld [tilespmem:$0x1FEF0]  }
0x395: {  	v53 =	vld [tilespmem:$0x1FF00]  }
0x396: {  	v63 =	vld [tilespmem:$0x1FF30]  }
0x397: {  	[tilespmem:$0x97D0] =	vst v21;
	v21 =	vadd.f32 v56, v55;
	v56 =	vld [tilespmem:$0x1FF40]  }
0x398: {  	v32 =	vld [tilespmem:$0x96A0]  }
0x399: {  	[tilespmem:$0x9600] =	vst v37;
	v37 =	vadd.f32 v29, v28;
	v34 =	vld [tilespmem:$0x92B0]  }
0x39a: {  	v38 =	vld [tilespmem:$0x96B0];
	[tilespmem:$0x96D0] =	vst v20;
	v20 =	vadd.f32 v53, v52  }
0x39b: {  	v3 =	vadd.f32 v3, v35;
	[tilespmem:$0x9690] =	vst v37;
	v44 =	vld [tilespmem:$0x93C0]  }
0x39c: {  	v37 =	vadd.f32 v9, v17;
	[tilespmem:$0x92E0] =	vst v20;
	v20 =	vadd.f32 v56, v63;
	v63 =	vld [tilespmem:$0x1FF50]  }
0x39d: {  	[tilespmem:$0x9670] =	vst v3;
	v56 =	vld [tilespmem:$0x1FF60]  }
0x39e: {  	[tilespmem:$0x9640] =	vst v37;
	v37 =	vld [tilespmem:$0x9670]  }
0x39f: {  	v43 =	vld [tilespmem:$0x92C0]  }
0x3a0: {  	v46 =	vld [tilespmem:$0x96C0]  }
0x3a1: {  	[tilespmem:$0x96E0] =	vst v20;
	v20 =	vld [tilespmem:$0x1FF70]  }
0x3a2: {  	[tilespmem:$0x93E0] =	vst v21;
	v21 =	vadd.f32 v56, v63;
	v63 =	vld [tilespmem:$0x1FF80]  }
0x3a3: {  	v47 =	vld [tilespmem:$0x97C0]  }
0x3a4: {  	v49 =	vld [tilespmem:$0x92D0]  }
0x3a5: {  	v50 =	vld [tilespmem:$0x93D0]  }
0x3a6: {  	v51 =	vld [tilespmem:$0x96D0]  }
0x3a7: {  	v56 =	vld [tilespmem:$0x1FF90];
	v20 =	vadd.f32 v63, v20  }
0x3a8: {  	v63 =	vld [tilespmem:$0x1FFB0]  }
0x3a9: {  	[tilespmem:$0x92F0] =	vst v20;
	v20 =	vld [tilespmem:$0x1FFA0]  }
0x3aa: {  	v52 =	vld [tilespmem:$0x97D0]  }
0x3ab: {  	v53 =	vld [tilespmem:$0x92E0]  }
0x3ac: {  	v55 =	vld [tilespmem:$0x93E0]  }
0x3ad: {  	[tilespmem:$0x97E0] =	vst v21;
	v21 =	vadd.f32 v54, v56;
	v54 =	vld [tilespmem:$0x96E0]  }
0x3ae: {  	v20 =	vadd.f32 v63, v20;
	v63 =	vld [tilespmem:$0x1FFC0]  }
0x3af: {  	v56 =	vld [tilespmem:$0x97E0];
	[tilespmem:$0x93F0] =	vst v21  }
0x3b0: {  	v40 =	vld [tilespmem:$0x93F0]  }
0x3b1: {  	[tilespmem:$0x96F0] =	vst v20;
	v20 =	vadd.f32 v59, v58;
	v59 =	vld [tilespmem:$0x1FFF0]  }
0x3b2: {  	v58 =	vadd.f32 v31, v30;
	v31 =	vld [tilespmem:$0x9690]  }
0x3b3: {  	[tilespmem:$0x9230] =	vst v61;
	v21 =	vadd.f32 v39, v63;
	v39 =	vld [tilespmem:$0x92F0]  }
0x3b4: {  	[tilespmem:$0x9210] =	vst v20;
	v63 =	vadd.f32 v23, v22;
	v22 =	vld [tilespmem:$0x96F0]  }
0x3b5: {  	[tilespmem:$0x92A0] =	vst v58;
	v58 =	vadd.f32 v6, v8;
	v28 =	vld [tilespmem:$0x9210]  }
0x3b6: {  	[tilespmem:$0x9280] =	vst v63;
	v63 =	vadd.f32 v27, v26;
	v26 =	vld [tilespmem:$0x9600]  }
0x3b7: {  	[tilespmem:$0x9270] =	vst v58;
	v27 =	vld [tilespmem:$0x1FFE0]  }
0x3b8: {  	v7 =	vadd.f32 v7, v18;
	[tilespmem:$0x97F0] =	vst v21;
	v21 =	vld [tilespmem:$0x9230]  }
0x3b9: {  	v45 =	vadd.f32 v5, v15;
	v35 =	vld [tilespmem:$0x9270]  }
0x3ba: {  	[tilespmem:$0x9240] =	vst v7;
	v23 =	vld [tilespmem:$0x97F0]  }
0x3bb: {  	[tilespmem:$0x9650] =	vst v45;
	v25 =	vld [tilespmem:$0x9280]  }
0x3bc: {  	[tilespmem:$0x9290] =	vst v63;
	v63 =	vadd.f32 v41, v38;
	v41 =	vld [tilespmem:$0x9240]  }
0x3bd: {  	v38 =	vadd.f32 v47, v46;
	v47 =	vadd.f32 v52, v51;
	v52 =	vld [tilespmem:$0x9650]  }
0x3be: {  	v14 =	vadd.f32 v14, v19;
	v29 =	vld [tilespmem:$0x9290]  }
0x3bf: {  	[tilespmem:$0x9220] =	vst v57;
	v20 =	vadd.f32 v60, v27;
	v27 =	vld [tilespmem:$0x9680]  }
0x3c0: {  	[tilespmem:$0x9630] =	vst v14;
	v60 =	vadd.f32 v33, v32;
	v32 =	vld [tilespmem:$0x9220]  }
0x3c1: {  	[tilespmem:$0x96B0] =	vst v63;
	v33 =	vld [tilespmem:$0x92A0]  }
0x3c2: {  	v51 =	vadd.f32 v55, v53;
	v53 =	vadd.f32 v10, v11;
	[tilespmem:$0x96C0] =	vst v38;
	v9 =	vld [tilespmem:$0x96B0]  }
0x3c3: {  	[tilespmem:$0x96D0] =	vst v47;
	v46 =	vld [tilespmem:$0x96C0]  }
0x3c4: {  	[tilespmem:$0x9660] =	vst v53;
	v55 =	vld [tilespmem:$0x96D0]  }
0x3c5: {  	v56 =	vadd.f32 v56, v54;
	v61 =	vld [tilespmem:$0x9660];
	[tilespmem:$0x9610] =	vst v20;
	v20 =	vadd.f32 v62, v59  }
0x3c6: {  	[tilespmem:$0x92E0] =	vst v51;
	v62 =	vadd.f32 v36, v34;
	v36 =	vadd.f32 v44, v43;
	v44 =	vld [tilespmem:$0x9640]  }
0x3c7: {  	[tilespmem:$0x96E0] =	vst v56;
	v63 =	vadd.f32 v23, v22;
	v59 =	vld [tilespmem:$0x92E0]  }
0x3c8: {  	[tilespmem:$0x96A0] =	vst v60;
	v30 =	vld [tilespmem:$0x9610]  }
0x3c9: {  	v19 =	vld [tilespmem:$0x96A0];
	[tilespmem:$0x96F0] =	vst v63  }
0x3ca: {  	v3 =	vadd.f32 v25, v24;
	[tilespmem:$0x9620] =	vst v20;
	v20 =	vld [tilespmem:$0x9630]  }
0x3cb: {  	[tilespmem:$0x92B0] =	vst v62;
	v62 =	vld [tilespmem:$0x96E0]  }
0x3cc: {  	v43 =	vadd.f32 v50, v49;
	[tilespmem:$0x9200] =	vst v3;
	v38 =	vld [tilespmem:$0x96F0]  }
0x3cd: {  	v49 =	vadd.f32 v12, v13;
	v60 =	vadd.f32 v40, v39;
	[tilespmem:$0x92C0] =	vst v36;
	v39 =	vld [tilespmem:$0x9200]  }
0x3ce: {  	[tilespmem:$0x92D0] =	vst v43;
	v34 =	vld [tilespmem:$0x9620]  }
0x3cf: {  	[tilespmem:$0x9260] =	vst v49;
	v42 =	vld [tilespmem:$0x92C0];
	v3 =	vadd.f32 v27, v26  }
0x3d0: {  	[tilespmem:$0x92F0] =	vst v60;
	v14 =	vld [tilespmem:$0x92B0];
	v5 =	vadd.f32 v46, v44  }
0x3d1: {  	v50 =	vld [tilespmem:$0x92D0];
	[tilespmem:$0x9600] =	vst v3;
	v3 =	vadd.f32 v29, v28  }
0x3d2: {  	v57 =	vld [tilespmem:$0x9260];
	v44 =	vadd.f32 v55, v52;
	[tilespmem:$0x9640] =	vst v5  }
0x3d3: {  	v36 =	vld [tilespmem:$0x92F0];
	[tilespmem:$0x9210] =	vst v3;
	v3 =	vadd.f32 v31, v30  }
0x3d4: {  	[tilespmem:$0x9650] =	vst v44;
	v4 =	vadd.f32 v62, v61;
	v7 =	vadd.f32 v42, v41;
	v42 =	vld [tilespmem:$0x9600]  }
0x3d5: {  	v55 =	vadd.f32 v38, v37;
	v43 =	vld [tilespmem:$0x9640];
	[tilespmem:$0x9610] =	vst v3  }
0x3d6: {  	v45 =	vld [tilespmem:$0x9210];
	[tilespmem:$0x9660] =	vst v4  }
0x3d7: {  	v41 =	vadd.f32 v50, v48;
	v49 =	vld [tilespmem:$0x9650];
	[tilespmem:$0x9670] =	vst v55  }
0x3d8: {  	v3 =	vadd.f32 v33, v32;
	[tilespmem:$0x9240] =	vst v7;
	v48 =	vld [tilespmem:$0x9610]  }
0x3d9: {  	v47 =	vadd.f32 v59, v57;
	[tilespmem:$0x9250] =	vst v41;
	v54 =	vld [tilespmem:$0x9660]  }
0x3da: {  	v60 =	vld [tilespmem:$0x9670];
	[tilespmem:$0x9220] =	vst v3;
	v3 =	vadd.f32 v19, v34  }
0x3db: {  	v52 =	vadd.f32 v36, v35;
	[tilespmem:$0x9260] =	vst v47;
	v40 =	vld [tilespmem:$0x9240]  }
0x3dc: {  	v46 =	vld [tilespmem:$0x9250];
	[tilespmem:$0x9620] =	vst v3;
	v3 =	vadd.f32 v14, v21  }
0x3dd: {  	[tilespmem:$0x9270] =	vst v52;
	v51 =	vld [tilespmem:$0x9260]  }
0x3de: {  	v57 =	vld [tilespmem:$0x9270];
	[tilespmem:$0x9230] =	vst v3;
	v3 =	vadd.f32 v9, v20  }
0x3df: {  	v50 =	vld [tilespmem:$0x9220]  }
0x3e0: {  	v53 =	vld [tilespmem:$0x9620];
	[tilespmem:$0x9630] =	vst v3;
	v3 =	vadd.f32 v40, v39  }
0x3e1: {  	v58 =	vadd.f32 v43, v42;
	v56 =	vld [tilespmem:$0x9230]  }
0x3e2: {  	v59 =	vld [tilespmem:$0x9630];
	[tilespmem:$0x9200] =	vst v3;
	v3 =	vadd.f32 v46, v45  }
0x3e3: {  	[tilespmem:$0x9600] =	vst v58;
	v61 =	vadd.f32 v49, v48  }
0x3e4: {  	[tilespmem:$0x9210] =	vst v3;
	v3 =	vadd.f32 v51, v50  }
0x3e5: {  	[tilespmem:$0x9610] =	vst v61;
	v62 =	vadd.f32 v54, v53  }
0x3e6: {  	[tilespmem:$0x9220] =	vst v3;
	v3 =	vadd.f32 v57, v56  }
0x3e7: {  	[tilespmem:$0x9620] =	vst v62;
	v63 =	vadd.f32 v60, v59  }
0x3e8: {  	[tilespmem:$0x9230] =	vst v3  }
0x3e9: {  	[tilespmem:$0x9630] =	vst v63  }
0x3ea: {  	[hbm4b:s15+s4] =	stream.linear.scatter [tilespmem:s26], [sflag:$0x3], $0x40, $0x38;
	[tilespmem:$0x9A00] =	vst v63  }
0x3eb: {  	s30 =	sadd.s32 $0x1, s30;
	_ =	swait.ge [sflag:s18], $0x40  }
0x3ec: {  	p0 =	sne.s32 s30, s17;
	[sflag:s18] =	ssyncset.done $0x0  }
.Ltmp6:
0x3ed: {  	[sflag:s18] =	ssyncadd.s32 $0xFFFFFFC0;
	(pc) =	sbr.rel @p0 .LBB2_1-.Ltmp6, $4  }
0x3ee: {  	[hbm4b:s16+s4] =	stream.linear.scatter [tilespmem:s28], [sflag:$0x3], $0x40, $0x38;
	[tilespmem:$0x9A00] =	vst v63  }
0x3ef: {  	_ =	swait.ge [sflag:s18], $0x40  }
0x3f0: {  	[sflag:s18] =	ssyncset.done $0x0  }
0x3f1: {  	[sflag:s18] =	ssyncadd.s32 $0xFFFFFFC0  }
0x3f2: {  	_ =	sfence.sel $0x180000  }
0x3f3: {  	[bflag:$0x0] =	sbarrier.arrive $0xFFFF  }
0x3f4: {  	_ =	strace $0x90000047  }
0x3f5: {  	s0 =	stileid.u32;
	[bflag:$0x2] =	sbarrier.arrive $0xFFFF  }
0x3f6: {  	p0 =	sne.s32 s0, $0x0;
	s0 =	rddreg [dreg:$0x3]  }
0x3f7: {  	s0 =	sadd.s32 @!p0 $0x100000, s0  }
0x3f8: {  	[sflag:s0] =	ssyncadd.tile.s32 @!p0 $0x1;
	_ =	shalt  }
.Lfunc_end2:
_tile_overlayer_lowered:
.L_overlay_start_2:
0x3f9: {  	(tag) =	ssettag $0x2  }
0x3fa: {  	s0 =	rddreg [dreg:$0x0];
	s2 =	stileid.u32  }
0x3fb: {  	s1 =	rddreg [dreg:$0x1];
	p0 =	sne.s32 s2, $0x0  }
0x3fc: {  	s3 =	rddreg [dreg:$0x2];
	[bflag:$0x3] =	sbarrier.arrive $0xFFFF;
	s2 =	simm.s32 @!p0 $0x1C03  }
0x3fd: {  	[timem:s3], [sflag:s2] =	dma.local @!p0 [hbm:s0], s1  }
0x3fe: {  	s0 =	simm.s32 @!p0 $0x3  }
0x3ff: {  	_ =	swait.ge @!p0 [sflag:s0], s1  }
0x400: {  	s1 =	ssub.s32 @!p0 $0x0, s1;
	[sflag:s0] =	ssyncset.done @!p0 $0x0  }
0x401: {  	[sflag:s0] =	ssyncadd.s32 @!p0 s1  }
0x402: {  	[bflag:$0x3] =	sbarrier.arrive $0xFFFF  }
0x403: {  	_ =	shalt  }

</sc_bundles>
